<compile_context>
chip_gen: v7x
topology: tpu7x:2x2x1
jax: 0.10.2.dev20260603
libtpu: 0.0.44.dev20260713+nightly
codegen_flags: <defaults>
</compile_context>

<pallas_src>
import functools

import jax
import jax.numpy as jnp
from jax import lax
from jax.experimental import pallas as pl
from jax.experimental.pallas import tpu as pltpu
from jax.experimental.pallas import tpu_sc as plsc

N = 10000
E = 320000
F = 128
H = 64
C = 16
G = 64

NC = 2
NS = 16
NW = NC * NS
EPW = E // NW
K = 80
NCHUNK = EPW // K
NACC = 10240
ZSTR = 640
ZR = 160
NBUF = 4
RPT = 624
TAIL = N - NS * RPT

_POOL_PREC = lax.Precision.HIGHEST
_MM_PREC = lax.Precision.DEFAULT


def _dot(a, b, prec):
    return lax.dot_general(a, b, (((1,), (0,)), ((), ())),
                           precision=prec, preferred_element_type=jnp.float32)


def _pool(batch_col, h):
    oh = (batch_col == lax.broadcasted_iota(jnp.int32, (N, G), 1)
          ).astype(jnp.float32)
    return lax.dot_general(oh, h, (((0,), (0,)), ((), ())),
                           precision=_POOL_PREC,
                           preferred_element_type=jnp.float32)



def _make_agg(D, nparts):
    mesh = plsc.VectorSubcoreMesh(core_axis_name="c", subcore_axis_name="s",
                                  num_cores=NC, num_subcores=NS)

    @functools.partial(
        pl.kernel,
        out_type=[jax.ShapeDtypeStruct((NC, N, D), jnp.float32)] * nparts,
        mesh=mesh,
        scratch_types=[
            pltpu.VMEM((NCHUNK, K), jnp.int32),
            pltpu.VMEM((NCHUNK, K), jnp.int32),
            pltpu.VMEM((NBUF, K, D), jnp.float32),
            pltpu.VMEM((ZR, D), jnp.float32),
            pltpu.VMEM_SHARED((NACC, D), jnp.float32),
            [pltpu.SemaphoreType.DMA] * NBUF,
            [pltpu.SemaphoreType.DMA] * NBUF,
        ],
        compiler_params=pltpu.CompilerParams(use_tc_tiling_on_sc=False),
    )
    def agg_kernel(*refs):
        y_hbms, refs = refs[:nparts], refs[nparts:]
        src_hbm, dst_hbm = refs[0], refs[1]
        out_hbms = refs[2:2 + nparts]
        src_v, dst_v, rows_v, zero_v, acc, gsem, ssem = refs[2 + nparts:]
        c = lax.axis_index("c")
        s = lax.axis_index("s")
        wid = c * NS + s

        @pl.loop(0, ZR)
        def _(i):
            @pl.loop(0, D // 16)
            def _(j):
                zero_v[i, pl.ds(j * 16, 16)] = jnp.zeros((16,), jnp.float32)

        pltpu.sync_copy(src_hbm.at[wid], src_v)
        pltpu.sync_copy(dst_hbm.at[wid], dst_v)

        def zero_acc():
            @pl.loop(0, ZSTR // ZR)
            def _(t):
                pltpu.sync_copy(zero_v, acc.at[pl.ds(s * ZSTR + t * ZR, ZR)])

        def pipeline(y_hbm):
            def start_gather(j, b):
                pltpu.async_copy(y_hbm.at[src_v.at[j]], rows_v.at[b], gsem[b])

            def wait_gather(j, b):
                pltpu.make_async_copy(y_hbm.at[src_v.at[j]], rows_v.at[b],
                                      gsem[b]).wait()

            def start_scatter(j, b):
                pltpu.async_copy(rows_v.at[b], acc.at[dst_v.at[j]], ssem[b],
                                 add=True)

            def wait_scatter(j, b):
                pltpu.make_async_copy(rows_v.at[b], acc.at[dst_v.at[j]],
                                      ssem[b]).wait()

            start_gather(0, 0)
            start_gather(1, 1)
            start_gather(2, 2)
            wait_gather(0, 0)
            start_scatter(0, 0)
            start_gather(3, 3)

            @pl.loop(1, NCHUNK - 4, step=4)
            def _(jb):
                for t in range(4):
                    b = (1 + t) % NBUF
                    bn = (b + 3) % NBUF
                    j = jb + t
                    wait_gather(j, b)
                    start_scatter(j, b)
                    wait_scatter(j - 1, bn)
                    start_gather(j + 3, bn)

            j = NCHUNK - 4
            wait_gather(j, j % NBUF)
            start_scatter(j, j % NBUF)
            wait_scatter(j - 1, (j + 3) % NBUF)
            start_gather(j + 3, (j + 3) % NBUF)
            for j in range(NCHUNK - 3, NCHUNK):
                wait_gather(j, j % NBUF)
                start_scatter(j, j % NBUF)
                wait_scatter(j - 1, (j - 1) % NBUF)
            wait_scatter(NCHUNK - 1, (NCHUNK - 1) % NBUF)

        def drain(out_hbm):
            pltpu.sync_copy(acc.at[pl.ds(s * RPT, RPT)],
                            out_hbm.at[c, pl.ds(s * RPT, RPT)])

            @pl.when(s == NS - 1)
            def _():
                pltpu.sync_copy(acc.at[pl.ds(NS * RPT, TAIL)],
                                out_hbm.at[c, pl.ds(NS * RPT, TAIL)])

        for part in range(nparts):
            zero_acc()
            plsc.subcore_barrier()
            pipeline(y_hbms[part])
            plsc.subcore_barrier()
            drain(out_hbms[part])
            if part + 1 < nparts:
                plsc.subcore_barrier()

    return agg_kernel


_agg_cache = {}


def _agg(y, src, dst):
    if 1 not in _agg_cache:
        _agg_cache[1] = _make_agg(H, 1)
    return _agg_cache[1](y, src, dst)[0]


def _agg_wide(x, src, dst):
    if 2 not in _agg_cache:
        _agg_cache[2] = _make_agg(H, 2)
    return _agg_cache[2](x[:, :H], x[:, H:], src, dst)



def _bn(h, g, b):
    m = jnp.mean(h, axis=0, keepdims=True)
    v = jnp.mean(h * h, axis=0, keepdims=True) - m * m
    return (h - m) * lax.rsqrt(v + 1e-5) * g + b


def _layer_body(wide, x_ref, *refs):
    if wide:
        agglo_ref, agghi_ref, *refs = refs
        agg = jnp.concatenate([agglo_ref[0] + agglo_ref[1],
                               agghi_ref[0] + agghi_ref[1]], axis=1)
    else:
        agg_ref, *refs = refs
        agg = agg_ref[0] + agg_ref[1]
    (w1_ref, b1_ref, g1_ref, bt1_ref, w2_ref, b2_ref, bng_ref, bnb_ref,
     batch_ref, h_ref, pool_ref) = refs
    xin = x_ref[...] + agg
    s = _dot(xin, w1_ref[...], _MM_PREC) + b1_ref[...]
    r = jax.nn.relu(_bn(s, g1_ref[...], bt1_ref[...]))
    u = _dot(r, w2_ref[...], _MM_PREC) + b2_ref[...]
    h_ref[...] = jax.nn.relu(_bn(u, bng_ref[...], bnb_ref[...]))
    pool_ref[...] = _pool(batch_ref[...], x_ref[...])


def _make_layer(D, wide):
    return pl.pallas_call(
        functools.partial(_layer_body, wide),
        out_shape=[jax.ShapeDtypeStruct((N, H), jnp.float32),
                   jax.ShapeDtypeStruct((G, D), jnp.float32)],
        compiler_params=pltpu.CompilerParams(vmem_limit_bytes=63 * 1024 * 1024))


_layer1 = _make_layer(F, True)
_layer2 = _make_layer(H, False)


def _final_body(h2_ref, batch_ref, p0_ref, p1_ref, w0_ref, w1_ref, w2_ref,
                b_ref, out_ref):
    p2 = _pool(batch_ref[...], h2_ref[...])
    out_ref[...] = (_dot(p0_ref[...], w0_ref[...], _MM_PREC)
                    + _dot(p1_ref[...], w1_ref[...], _MM_PREC)
                    + _dot(p2, w2_ref[...], _MM_PREC)
                    + b_ref[...])


def _final(h2, batch_col, p0, p1, w0, w1, w2, b):
    return pl.pallas_call(
        _final_body,
        out_shape=jax.ShapeDtypeStruct((G, C), jnp.float32),
    )(h2, batch_col, p0, p1, w0, w1, w2, b)



def kernel(x, params, edge_index, batch):
    p = params
    src = edge_index[0].astype(jnp.int32).reshape(NW, NCHUNK, K)
    dst = edge_index[1].astype(jnp.int32).reshape(NW, NCHUNK, K)
    batch_col = batch.astype(jnp.int32).reshape(N, 1)

    def row(v):
        return v.reshape(1, -1)

    c1, c2 = p['conv1'], p['conv2']

    agg1_lo, agg1_hi = _agg_wide(x, src, dst)
    h1, pooled0 = _layer1(
        x, agg1_lo, agg1_hi, c1['W1'], row(c1['b1']), row(c1['g']),
        row(c1['bt']), c1['W2'], row(c1['b2']), row(p['bn1_g']),
        row(p['bn1_b']), batch_col)
    agg2 = _agg(h1, src, dst)
    h2, pooled1 = _layer2(
        h1, agg2, c2['W1'], row(c2['b1']), row(c2['g']), row(c2['bt']),
        c2['W2'], row(c2['b2']), row(p['bn2_g']), row(p['bn2_b']), batch_col)

    bias = row(p['lin0_b'] + p['lin1_b'] + p['lin2_b'])
    out = _final(h2, batch_col, pooled0, pooled1,
                 p['lin0_W'], p['lin1_W'], p['lin2_W'], bias)
    return (x, h1, h2, out)

# --- scband reference (transcript-rebuilt; emitter-appended) ---
"""Pipeline reference for scband-gin-10892037062711 (READ-ONLY COPY).

The authoritative reference and input builder live on the scoring server;
editing this copy changes nothing except your own understanding.
"""

import jax, jax.numpy as jnp
import numpy as np

N = 10000
E = 320000
F = 128
H = 64
C = 16
G = 64


def _init_params():
    keys = jax.random.split(jax.random.key(1), 8)
    def lin(k, i, o):
        return jax.random.normal(k, (i, o), jnp.float32) * 0.05
    params = {
        'conv1': {'W1': lin(keys[0], F, H), 'b1': jnp.zeros(H, jnp.float32),
                  'g': jnp.ones(H, jnp.float32), 'bt': jnp.zeros(H, jnp.float32),
                  'W2': lin(keys[1], H, H), 'b2': jnp.zeros(H, jnp.float32)},
        'conv2': {'W1': lin(keys[2], H, H), 'b1': jnp.zeros(H, jnp.float32),
                  'g': jnp.ones(H, jnp.float32), 'bt': jnp.zeros(H, jnp.float32),
                  'W2': lin(keys[3], H, H), 'b2': jnp.zeros(H, jnp.float32)},
        'bn1_g': jnp.ones(H, jnp.float32), 'bn1_b': jnp.zeros(H, jnp.float32),
        'bn2_g': jnp.ones(H, jnp.float32), 'bn2_b': jnp.zeros(H, jnp.float32),
        'lin0_W': lin(keys[4], F, C), 'lin0_b': jnp.zeros(C, jnp.float32),
        'lin1_W': lin(keys[5], H, C), 'lin1_b': jnp.zeros(C, jnp.float32),
        'lin2_W': lin(keys[6], H, C), 'lin2_b': jnp.zeros(C, jnp.float32),
    }
    return params


def setup_inputs(seed: int = 0):
    key = jax.random.key(seed)
    k1, k2, k3 = jax.random.split(key, 3)
    x = jax.random.normal(k1, (N, F), jnp.float32)
    edge_index = jax.random.randint(k2, (2, E), 0, N)
    batch = jnp.sort(jax.random.randint(k3, (N,), 0, G))
    return {'x': x, 'params': _init_params(), 'edge_index': edge_index, 'batch': batch}


def _bn(h, g, b):
    m = h.mean(axis=0)
    v = h.var(axis=0)
    return (h - m) / jnp.sqrt(v + 1e-5) * g + b


def _mlp(h, p):
    h = h @ p['W1'] + p['b1']
    h = jax.nn.relu(_bn(h, p['g'], p['bt']))
    return h @ p['W2'] + p['b2']


def _gin_forward(x, params, edge_index, batch):
    src, dst = edge_index[0], edge_index[1]
    h_list = [x]
    for cp, gk, bk in [(params['conv1'], 'bn1_g', 'bn1_b'),
                       (params['conv2'], 'bn2_g', 'bn2_b')]:
        h = h_list[-1]
        # GINConv with eps=0 (train_eps=False): MLP((1+eps)*x + sum_{j in N(i)} x_j)
        agg = jnp.zeros_like(h).at[dst].add(h[src])
        h = _mlp(h + agg, cp)
        h_list.append(jax.nn.relu(_bn(h, params[gk], params[bk])))
    out = jnp.zeros((G, C), jnp.float32)
    for i in range(3):
        pooled = jax.ops.segment_sum(h_list[i], batch, num_segments=G)
        out = out + pooled @ params['lin%d_W' % i] + params['lin%d_b' % i]
    return h_list, out


def reference(x, params, edge_index, batch):
    h_list, out = _gin_forward(x, params, edge_index, batch)
    return (h_list[0], h_list[1], h_list[2], out)

if __name__ == "__main__":
    import jax
    _d = setup_inputs()
    print(jax.jit(kernel)(*tuple(_d.values())))

</pallas_src>

<mosaic_0001>
#map = affine_map<(d0, d1) -> (0, 0)>
#map1 = affine_map<(d0, d1) -> (0, 0, 0)>
module attributes {stable_mosaic.version = 14 : i64} {
  func.func @agg_kernel(%arg0: i32, %arg1: i32, %arg2: memref<10000x64xf32, #tpu.memory_space<hbm>>, %arg3: memref<32x125x80xi32, #tpu.memory_space<hbm>>, %arg4: memref<32x125x80xi32, #tpu.memory_space<hbm>>, %arg5: memref<2x10000x64xf32, #tpu.memory_space<hbm>>, %arg6: memref<125x80xi32, #tpu.memory_space<vmem>>, %arg7: memref<125x80xi32, #tpu.memory_space<vmem>>, %arg8: memref<4x80x64xf32, #tpu.memory_space<vmem>>, %arg9: memref<160x64xf32, #tpu.memory_space<vmem>>, %arg10: memref<10240x64xf32, #tpu.memory_space<vmem_shared>>, %arg11: memref<!tpu.dma_semaphore, #tpu.memory_space<semaphore_mem>>, %arg12: memref<!tpu.dma_semaphore, #tpu.memory_space<semaphore_mem>>, %arg13: memref<!tpu.dma_semaphore, #tpu.memory_space<semaphore_mem>>, %arg14: memref<!tpu.dma_semaphore, #tpu.memory_space<semaphore_mem>>, %arg15: memref<!tpu.dma_semaphore, #tpu.memory_space<semaphore_mem>>, %arg16: memref<!tpu.dma_semaphore, #tpu.memory_space<semaphore_mem>>, %arg17: memref<!tpu.dma_semaphore, #tpu.memory_space<semaphore_mem>>, %arg18: memref<!tpu.dma_semaphore, #tpu.memory_space<semaphore_mem>>) attributes {dimension_semantics = [#tpu.dimension_semantics<core_parallel>, #tpu.dimension_semantics<subcore_parallel>], iteration_bounds = array<i64: 2, 16>, scalar_prefetch = 0 : i64, scratch_operands = 13 : i64, tpu.core_type = #tpu.core_type<sc_vector_subcore>, window_params = [{transform_indices = #map}, {transform_indices = #map1}, {transform_indices = #map1}, {transform_indices = #map1}]} {
    %mul3A = arith.constant 16 : i32
    %mul3A_0 = arith.muli %arg0, %mul3A : i32
    %add3A = arith.addi %mul3A_0, %arg1 : i32
    %scan3A = arith.constant 0 : i32
    %scan3A_1 = arith.constant 160 : i32
    %scan3A_2 = arith.addi %scan3A, %scan3A_1 : i32
    %scan3A_3 = arith.constant 1 : i32
    scf.for %scan3A_260 = %scan3A to %scan3A_2 step %scan3A_3  : i32 {
      %mul3A_261 = arith.constant 1 : i32
      %mul3A_262 = arith.muli %scan3A_260, %mul3A_261 : i32
      %add3A_263 = arith.constant 0 : i32
      %add3A_264 = arith.addi %add3A_263, %mul3A_262 : i32
      %scan3A_265 = arith.constant 0 : i32
      %scan3A_266 = arith.constant 4 : i32
      %scan3A_267 = arith.addi %scan3A_265, %scan3A_266 : i32
      %scan3A_268 = arith.constant 1 : i32
      scf.for %scan3A_270 = %scan3A_265 to %scan3A_267 step %scan3A_268  : i32 {
        %mul3A_271 = arith.constant 1 : i32
        %mul3A_272 = arith.muli %scan3A_270, %mul3A_271 : i32
        %add3A_273 = arith.constant 0 : i32
        %add3A_274 = arith.addi %add3A_273, %mul3A_272 : i32
        %broadcast_in_dim3A = arith.constant 0.000000e+00 : f32
        %broadcast_in_dim3A_275 = vector.broadcast %broadcast_in_dim3A : f32 to vector<16xf32>
        %mul3A_276 = arith.constant 16 : i32
        %mul3A_277 = arith.muli %add3A_274, %mul3A_276 : i32
        %swap3A = arith.index_cast %add3A_264 : i32 to index
        %swap3A_278 = arith.index_cast %mul3A_277 : i32 to index
        %swap3A_279 = tpu.vector_load %arg9[%swap3A, %swap3A_278] {strides = array<i32>} : memref<160x64xf32, #tpu.memory_space<vmem>>, vector<1x16xf32>,
        %swap3A_280 = vector.shape_cast %swap3A_279 : vector<1x16xf32> to vector<16xf32>
        %swap3A_281 = vector.shape_cast %broadcast_in_dim3A_275 : vector<16xf32> to vector<1x16xf32>
        tpu.vector_store %arg9[%swap3A, %swap3A_278], %swap3A_281 {strides = array<i32>} : memref<160x64xf32, #tpu.memory_space<vmem>>, vector<1x16xf32>,
      }
      %scan3A_269 = arith.constant 4 : i32
    }
    %scan3A_4 = arith.constant 160 : i32
    "tpu.region"() ({
      %run_scoped3A = tpu.sem_alloc : memref<!tpu.dma_semaphore, #tpu.memory_space<semaphore_mem>>
      %dma_start3A_260 = arith.constant 0 : i32
      %dma_start3A_261 = arith.constant 0 : i32
      %dma_start3A_262 = tpu.memref_slice %arg3[%add3A, %dma_start3A_260, %dma_start3A_261] : memref<32x125x80xi32, #tpu.memory_space<hbm>> -> memref<1x125x80xi32, #tpu.memory_space<hbm>>
      %dma_start3A_263 = tpu.memref_squeeze %dma_start3A_262 : memref<1x125x80xi32, #tpu.memory_space<hbm>> -> memref<125x80xi32, #tpu.memory_space<hbm>>
      %dma_start3A_264 = arith.constant 0 : i32
      %dma_start3A_265 = arith.constant 0 : i32
      %dma_start3A_266 = tpu.memref_slice %arg3[%add3A, %dma_start3A_264, %dma_start3A_265] : memref<32x125x80xi32, #tpu.memory_space<hbm>> -> memref<1x125x80xi32, #tpu.memory_space<hbm>>
      %dma_start3A_267 = tpu.memref_squeeze %dma_start3A_266 : memref<1x125x80xi32, #tpu.memory_space<hbm>> -> memref<125x80xi32, #tpu.memory_space<hbm>>
      tpu.enqueue_dma source(%dma_start3A_267 : memref<125x80xi32, #tpu.memory_space<hbm>>) target(%arg6 : memref<125x80xi32, #tpu.memory_space<vmem>>) target_semaphore(%run_scoped3A : memref<!tpu.dma_semaphore, #tpu.memory_space<semaphore_mem>>)
      %dma_wait3A_268 = arith.constant 0 : i32
      %dma_wait3A_269 = arith.constant 0 : i32
      %dma_wait3A_270 = tpu.memref_slice %arg3[%add3A, %dma_wait3A_268, %dma_wait3A_269] : memref<32x125x80xi32, #tpu.memory_space<hbm>> -> memref<1x125x80xi32, #tpu.memory_space<hbm>>
      %dma_wait3A_271 = tpu.memref_squeeze %dma_wait3A_270 : memref<1x125x80xi32, #tpu.memory_space<hbm>> -> memref<125x80xi32, #tpu.memory_space<hbm>>
      %dma_wait3A_272 = arith.constant 0 : i32
      %dma_wait3A_273 = arith.constant 0 : i32
      %dma_wait3A_274 = tpu.memref_slice %arg3[%add3A, %dma_wait3A_272, %dma_wait3A_273] : memref<32x125x80xi32, #tpu.memory_space<hbm>> -> memref<1x125x80xi32, #tpu.memory_space<hbm>>
      %dma_wait3A_275 = tpu.memref_squeeze %dma_wait3A_274 : memref<1x125x80xi32, #tpu.memory_space<hbm>> -> memref<125x80xi32, #tpu.memory_space<hbm>>
      tpu.wait_dma2 semaphore(%run_scoped3A : memref<!tpu.dma_semaphore, #tpu.memory_space<semaphore_mem>>) src(%dma_wait3A_275 : memref<125x80xi32, #tpu.memory_space<hbm>>) dst(%arg6 : memref<125x80xi32, #tpu.memory_space<vmem>>)
      tpu.yield
    }) : () -> ()
    "tpu.region"() ({
      %run_scoped3A = tpu.sem_alloc : memref<!tpu.dma_semaphore, #tpu.memory_space<semaphore_mem>>
      %dma_start3A_260 = arith.constant 0 : i32
      %dma_start3A_261 = arith.constant 0 : i32
      %dma_start3A_262 = tpu.memref_slice %arg4[%add3A, %dma_start3A_260, %dma_start3A_261] : memref<32x125x80xi32, #tpu.memory_space<hbm>> -> memref<1x125x80xi32, #tpu.memory_space<hbm>>
      %dma_start3A_263 = tpu.memref_squeeze %dma_start3A_262 : memref<1x125x80xi32, #tpu.memory_space<hbm>> -> memref<125x80xi32, #tpu.memory_space<hbm>>
      %dma_start3A_264 = arith.constant 0 : i32
      %dma_start3A_265 = arith.constant 0 : i32
      %dma_start3A_266 = tpu.memref_slice %arg4[%add3A, %dma_start3A_264, %dma_start3A_265] : memref<32x125x80xi32, #tpu.memory_space<hbm>> -> memref<1x125x80xi32, #tpu.memory_space<hbm>>
      %dma_start3A_267 = tpu.memref_squeeze %dma_start3A_266 : memref<1x125x80xi32, #tpu.memory_space<hbm>> -> memref<125x80xi32, #tpu.memory_space<hbm>>
      tpu.enqueue_dma source(%dma_start3A_267 : memref<125x80xi32, #tpu.memory_space<hbm>>) target(%arg7 : memref<125x80xi32, #tpu.memory_space<vmem>>) target_semaphore(%run_scoped3A : memref<!tpu.dma_semaphore, #tpu.memory_space<semaphore_mem>>)
      %dma_wait3A_268 = arith.constant 0 : i32
      %dma_wait3A_269 = arith.constant 0 : i32
      %dma_wait3A_270 = tpu.memref_slice %arg4[%add3A, %dma_wait3A_268, %dma_wait3A_269] : memref<32x125x80xi32, #tpu.memory_space<hbm>> -> memref<1x125x80xi32, #tpu.memory_space<hbm>>
      %dma_wait3A_271 = tpu.memref_squeeze %dma_wait3A_270 : memref<1x125x80xi32, #tpu.memory_space<hbm>> -> memref<125x80xi32, #tpu.memory_space<hbm>>
      %dma_wait3A_272 = arith.constant 0 : i32
      %dma_wait3A_273 = arith.constant 0 : i32
      %dma_wait3A_274 = tpu.memref_slice %arg4[%add3A, %dma_wait3A_272, %dma_wait3A_273] : memref<32x125x80xi32, #tpu.memory_space<hbm>> -> memref<1x125x80xi32, #tpu.memory_space<hbm>>
      %dma_wait3A_275 = tpu.memref_squeeze %dma_wait3A_274 : memref<1x125x80xi32, #tpu.memory_space<hbm>> -> memref<125x80xi32, #tpu.memory_space<hbm>>
      tpu.wait_dma2 semaphore(%run_scoped3A : memref<!tpu.dma_semaphore, #tpu.memory_space<semaphore_mem>>) src(%dma_wait3A_275 : memref<125x80xi32, #tpu.memory_space<hbm>>) dst(%arg7 : memref<125x80xi32, #tpu.memory_space<vmem>>)
      tpu.yield
    }) : () -> ()
    %scan3A_5 = arith.constant 0 : i32
    %scan3A_6 = arith.constant 4 : i32
    %scan3A_7 = arith.addi %scan3A_5, %scan3A_6 : i32
    %scan3A_8 = arith.constant 1 : i32
    scf.for %scan3A_260 = %scan3A_5 to %scan3A_7 step %scan3A_8  : i32 {
      %mul3A_261 = arith.constant 1 : i32
      %mul3A_262 = arith.muli %scan3A_260, %mul3A_261 : i32
      %add3A_263 = arith.constant 0 : i32
      %add3A_264 = arith.addi %add3A_263, %mul3A_262 : i32
      %mul3A_265 = arith.constant 640 : i32
      %mul3A_266 = arith.muli %arg1, %mul3A_265 : i32
      %mul3A_267 = arith.constant 160 : i32
      %mul3A_268 = arith.muli %add3A_264, %mul3A_267 : i32
      %add3A_269 = arith.addi %mul3A_266, %mul3A_268 : i32
      "tpu.region"() ({
        %run_scoped3A = tpu.sem_alloc : memref<!tpu.dma_semaphore, #tpu.memory_space<semaphore_mem>>
        %dma_start3A_270 = arith.constant 0 : i32
        %dma_start3A_271 = tpu.memref_slice %arg10[%add3A_269, %dma_start3A_270] : memref<10240x64xf32, #tpu.memory_space<vmem_shared>> -> memref<160x64xf32, #tpu.memory_space<vmem_shared>>
        %dma_start3A_272 = arith.constant 0 : i32
        %dma_start3A_273 = tpu.memref_slice %arg10[%add3A_269, %dma_start3A_272] : memref<10240x64xf32, #tpu.memory_space<vmem_shared>> -> memref<160x64xf32, #tpu.memory_space<vmem_shared>>
        tpu.enqueue_dma source(%arg9 : memref<160x64xf32, #tpu.memory_space<vmem>>) target(%dma_start3A_273 : memref<160x64xf32, #tpu.memory_space<vmem_shared>>) target_semaphore(%run_scoped3A : memref<!tpu.dma_semaphore, #tpu.memory_space<semaphore_mem>>)
        %dma_wait3A_274 = arith.constant 0 : i32
        %dma_wait3A_275 = tpu.memref_slice %arg10[%add3A_269, %dma_wait3A_274] : memref<10240x64xf32, #tpu.memory_space<vmem_shared>> -> memref<160x64xf32, #tpu.memory_space<vmem_shared>>
        %dma_wait3A_276 = arith.constant 0 : i32
        %dma_wait3A_277 = tpu.memref_slice %arg10[%add3A_269, %dma_wait3A_276] : memref<10240x64xf32, #tpu.memory_space<vmem_shared>> -> memref<160x64xf32, #tpu.memory_space<vmem_shared>>
        tpu.wait_dma2 semaphore(%run_scoped3A : memref<!tpu.dma_semaphore, #tpu.memory_space<semaphore_mem>>) src(%arg9 : memref<160x64xf32, #tpu.memory_space<vmem>>) dst(%dma_wait3A_277 : memref<160x64xf32, #tpu.memory_space<vmem_shared>>)
        tpu.yield
      }) : () -> ()
    }
    %scan3A_9 = arith.constant 4 : i32
    %barrier3A = arith.constant 0 : index
    tpu.barrier barrier_id(%barrier3A)
    %dma_start3A = arith.constant 0 : i32
    %dma_start3A_10 = arith.constant 0 : i32
    %dma_start3A_11 = arith.constant 0 : i32
    %dma_start3A_12 = arith.constant 0 : i32
    %dma_start3A_13 = tpu.memref_slice %arg8[%dma_start3A_10, %dma_start3A_11, %dma_start3A_12] : memref<4x80x64xf32, #tpu.memory_space<vmem>> -> memref<1x80x64xf32, #tpu.memory_space<vmem>>
    %dma_start3A_14 = tpu.memref_squeeze %dma_start3A_13 : memref<1x80x64xf32, #tpu.memory_space<vmem>> -> memref<80x64xf32, #tpu.memory_space<vmem>>
    %dma_start3A_15 = arith.constant 0 : i32
    %dma_start3A_16 = tpu.memref_slice %arg6[%dma_start3A, %dma_start3A_15] : memref<125x80xi32, #tpu.memory_space<vmem>> -> memref<1x80xi32, #tpu.memory_space<vmem>>
    %dma_start3A_17 = tpu.memref_squeeze %dma_start3A_16 : memref<1x80xi32, #tpu.memory_space<vmem>> -> memref<80xi32, #tpu.memory_space<vmem>>
    %dma_start3A_18 = arith.constant 0 : i32
    %dma_start3A_19 = arith.constant 0 : i32
    %dma_start3A_20 = tpu.memref_slice %arg2[%dma_start3A_18, %dma_start3A_19] : memref<10000x64xf32, #tpu.memory_space<hbm>> -> memref<10000x64xf32, #tpu.memory_space<hbm>>
    tpu.enqueue_indirect_dma source(%dma_start3A_20 : memref<10000x64xf32, #tpu.memory_space<hbm>>) target(%dma_start3A_14 : memref<80x64xf32, #tpu.memory_space<vmem>>) offsets(%dma_start3A_17 : memref<80xi32, #tpu.memory_space<vmem>>) semaphore(%arg11 : memref<!tpu.dma_semaphore, #tpu.memory_space<semaphore_mem>>)
    %dma_start3A_21 = arith.constant 1 : i32
    %dma_start3A_22 = arith.constant 1 : i32
    %dma_start3A_23 = arith.constant 0 : i32
    %dma_start3A_24 = arith.constant 0 : i32
    %dma_start3A_25 = tpu.memref_slice %arg8[%dma_start3A_22, %dma_start3A_23, %dma_start3A_24] : memref<4x80x64xf32, #tpu.memory_space<vmem>> -> memref<1x80x64xf32, #tpu.memory_space<vmem>>
    %dma_start3A_26 = tpu.memref_squeeze %dma_start3A_25 : memref<1x80x64xf32, #tpu.memory_space<vmem>> -> memref<80x64xf32, #tpu.memory_space<vmem>>
    %dma_start3A_27 = arith.constant 0 : i32
    %dma_start3A_28 = tpu.memref_slice %arg6[%dma_start3A_21, %dma_start3A_27] : memref<125x80xi32, #tpu.memory_space<vmem>> -> memref<1x80xi32, #tpu.memory_space<vmem>>
    %dma_start3A_29 = tpu.memref_squeeze %dma_start3A_28 : memref<1x80xi32, #tpu.memory_space<vmem>> -> memref<80xi32, #tpu.memory_space<vmem>>
    %dma_start3A_30 = arith.constant 0 : i32
    %dma_start3A_31 = arith.constant 0 : i32
    %dma_start3A_32 = tpu.memref_slice %arg2[%dma_start3A_30, %dma_start3A_31] : memref<10000x64xf32, #tpu.memory_space<hbm>> -> memref<10000x64xf32, #tpu.memory_space<hbm>>
    tpu.enqueue_indirect_dma source(%dma_start3A_32 : memref<10000x64xf32, #tpu.memory_space<hbm>>) target(%dma_start3A_26 : memref<80x64xf32, #tpu.memory_space<vmem>>) offsets(%dma_start3A_29 : memref<80xi32, #tpu.memory_space<vmem>>) semaphore(%arg12 : memref<!tpu.dma_semaphore, #tpu.memory_space<semaphore_mem>>)
    %dma_start3A_33 = arith.constant 2 : i32
    %dma_start3A_34 = arith.constant 2 : i32
    %dma_start3A_35 = arith.constant 0 : i32
    %dma_start3A_36 = arith.constant 0 : i32
    %dma_start3A_37 = tpu.memref_slice %arg8[%dma_start3A_34, %dma_start3A_35, %dma_start3A_36] : memref<4x80x64xf32, #tpu.memory_space<vmem>> -> memref<1x80x64xf32, #tpu.memory_space<vmem>>
    %dma_start3A_38 = tpu.memref_squeeze %dma_start3A_37 : memref<1x80x64xf32, #tpu.memory_space<vmem>> -> memref<80x64xf32, #tpu.memory_space<vmem>>
    %dma_start3A_39 = arith.constant 0 : i32
    %dma_start3A_40 = tpu.memref_slice %arg6[%dma_start3A_33, %dma_start3A_39] : memref<125x80xi32, #tpu.memory_space<vmem>> -> memref<1x80xi32, #tpu.memory_space<vmem>>
    %dma_start3A_41 = tpu.memref_squeeze %dma_start3A_40 : memref<1x80xi32, #tpu.memory_space<vmem>> -> memref<80xi32, #tpu.memory_space<vmem>>
    %dma_start3A_42 = arith.constant 0 : i32
    %dma_start3A_43 = arith.constant 0 : i32
    %dma_start3A_44 = tpu.memref_slice %arg2[%dma_start3A_42, %dma_start3A_43] : memref<10000x64xf32, #tpu.memory_space<hbm>> -> memref<10000x64xf32, #tpu.memory_space<hbm>>
    tpu.enqueue_indirect_dma source(%dma_start3A_44 : memref<10000x64xf32, #tpu.memory_space<hbm>>) target(%dma_start3A_38 : memref<80x64xf32, #tpu.memory_space<vmem>>) offsets(%dma_start3A_41 : memref<80xi32, #tpu.memory_space<vmem>>) semaphore(%arg13 : memref<!tpu.dma_semaphore, #tpu.memory_space<semaphore_mem>>)
    %dma_wait3A = arith.constant 0 : i32
    %dma_wait3A_45 = arith.constant 0 : i32
    %dma_wait3A_46 = arith.constant 0 : i32
    %dma_wait3A_47 = arith.constant 0 : i32
    %dma_wait3A_48 = tpu.memref_slice %arg8[%dma_wait3A_45, %dma_wait3A_46, %dma_wait3A_47] : memref<4x80x64xf32, #tpu.memory_space<vmem>> -> memref<1x80x64xf32, #tpu.memory_space<vmem>>
    %dma_wait3A_49 = tpu.memref_squeeze %dma_wait3A_48 : memref<1x80x64xf32, #tpu.memory_space<vmem>> -> memref<80x64xf32, #tpu.memory_space<vmem>>
    %dma_wait3A_50 = arith.constant 0 : i32
    %dma_wait3A_51 = tpu.memref_slice %arg6[%dma_wait3A, %dma_wait3A_50] : memref<125x80xi32, #tpu.memory_space<vmem>> -> memref<1x80xi32, #tpu.memory_space<vmem>>
    %dma_wait3A_52 = tpu.memref_squeeze %dma_wait3A_51 : memref<1x80xi32, #tpu.memory_space<vmem>> -> memref<80xi32, #tpu.memory_space<vmem>>
    %dma_wait3A_53 = arith.constant 0 : i32
    %dma_wait3A_54 = arith.constant 0 : i32
    %dma_wait3A_55 = tpu.memref_slice %arg2[%dma_wait3A_53, %dma_wait3A_54] : memref<10000x64xf32, #tpu.memory_space<hbm>> -> memref<10000x64xf32, #tpu.memory_space<hbm>>
    tpu.wait_indirect_dma semaphore(%arg11 : memref<!tpu.dma_semaphore, #tpu.memory_space<semaphore_mem>>) src(%dma_wait3A_55 : memref<10000x64xf32, #tpu.memory_space<hbm>>) dst(%dma_wait3A_49 : memref<80x64xf32, #tpu.memory_space<vmem>>)
    %dma_start3A_56 = arith.constant 0 : i32
    %dma_start3A_57 = arith.constant 0 : i32
    %dma_start3A_58 = arith.constant 0 : i32
    %dma_start3A_59 = arith.constant 0 : i32
    %dma_start3A_60 = tpu.memref_slice %arg8[%dma_start3A_56, %dma_start3A_58, %dma_start3A_59] : memref<4x80x64xf32, #tpu.memory_space<vmem>> -> memref<1x80x64xf32, #tpu.memory_space<vmem>>
    %dma_start3A_61 = tpu.memref_squeeze %dma_start3A_60 : memref<1x80x64xf32, #tpu.memory_space<vmem>> -> memref<80x64xf32, #tpu.memory_space<vmem>>
    %dma_start3A_62 = arith.constant 0 : i32
    %dma_start3A_63 = tpu.memref_slice %arg7[%dma_start3A_57, %dma_start3A_62] : memref<125x80xi32, #tpu.memory_space<vmem>> -> memref<1x80xi32, #tpu.memory_space<vmem>>
    %dma_start3A_64 = tpu.memref_squeeze %dma_start3A_63 : memref<1x80xi32, #tpu.memory_space<vmem>> -> memref<80xi32, #tpu.memory_space<vmem>>
    %dma_start3A_65 = arith.constant 0 : i32
    %dma_start3A_66 = arith.constant 0 : i32
    %dma_start3A_67 = tpu.memref_slice %arg10[%dma_start3A_65, %dma_start3A_66] : memref<10240x64xf32, #tpu.memory_space<vmem_shared>> -> memref<10240x64xf32, #tpu.memory_space<vmem_shared>>
    tpu.enqueue_indirect_dma source(%dma_start3A_61 : memref<80x64xf32, #tpu.memory_space<vmem>>) target(%dma_start3A_67 : memref<10240x64xf32, #tpu.memory_space<vmem_shared>>) offsets(%dma_start3A_64 : memref<80xi32, #tpu.memory_space<vmem>>) semaphore(%arg15 : memref<!tpu.dma_semaphore, #tpu.memory_space<semaphore_mem>>) {add = true}
    %dma_start3A_68 = arith.constant 3 : i32
    %dma_start3A_69 = arith.constant 3 : i32
    %dma_start3A_70 = arith.constant 0 : i32
    %dma_start3A_71 = arith.constant 0 : i32
    %dma_start3A_72 = tpu.memref_slice %arg8[%dma_start3A_69, %dma_start3A_70, %dma_start3A_71] : memref<4x80x64xf32, #tpu.memory_space<vmem>> -> memref<1x80x64xf32, #tpu.memory_space<vmem>>
    %dma_start3A_73 = tpu.memref_squeeze %dma_start3A_72 : memref<1x80x64xf32, #tpu.memory_space<vmem>> -> memref<80x64xf32, #tpu.memory_space<vmem>>
    %dma_start3A_74 = arith.constant 0 : i32
    %dma_start3A_75 = tpu.memref_slice %arg6[%dma_start3A_68, %dma_start3A_74] : memref<125x80xi32, #tpu.memory_space<vmem>> -> memref<1x80xi32, #tpu.memory_space<vmem>>
    %dma_start3A_76 = tpu.memref_squeeze %dma_start3A_75 : memref<1x80xi32, #tpu.memory_space<vmem>> -> memref<80xi32, #tpu.memory_space<vmem>>
    %dma_start3A_77 = arith.constant 0 : i32
    %dma_start3A_78 = arith.constant 0 : i32
    %dma_start3A_79 = tpu.memref_slice %arg2[%dma_start3A_77, %dma_start3A_78] : memref<10000x64xf32, #tpu.memory_space<hbm>> -> memref<10000x64xf32, #tpu.memory_space<hbm>>
    tpu.enqueue_indirect_dma source(%dma_start3A_79 : memref<10000x64xf32, #tpu.memory_space<hbm>>) target(%dma_start3A_73 : memref<80x64xf32, #tpu.memory_space<vmem>>) offsets(%dma_start3A_76 : memref<80xi32, #tpu.memory_space<vmem>>) semaphore(%arg14 : memref<!tpu.dma_semaphore, #tpu.memory_space<semaphore_mem>>)
    %scan3A_80 = arith.constant 0 : i32
    %scan3A_81 = arith.constant 30 : i32
    %scan3A_82 = arith.addi %scan3A_80, %scan3A_81 : i32
    %scan3A_83 = arith.constant 1 : i32
    scf.for %scan3A_260 = %scan3A_80 to %scan3A_82 step %scan3A_83  : i32 {
      %mul3A_261 = arith.constant 4 : i32
      %mul3A_262 = arith.muli %scan3A_260, %mul3A_261 : i32
      %add3A_263 = arith.constant 1 : i32
      %add3A_264 = arith.addi %add3A_263, %mul3A_262 : i32
      %add3A_265 = arith.constant 0 : i32
      %add3A_266 = arith.addi %add3A_264, %add3A_265 : i32
      %dma_wait3A_267 = arith.constant 1 : i32
      %dma_wait3A_268 = arith.constant 0 : i32
      %dma_wait3A_269 = arith.constant 0 : i32
      %dma_wait3A_270 = tpu.memref_slice %arg8[%dma_wait3A_267, %dma_wait3A_268, %dma_wait3A_269] : memref<4x80x64xf32, #tpu.memory_space<vmem>> -> memref<1x80x64xf32, #tpu.memory_space<vmem>>
      %dma_wait3A_271 = tpu.memref_squeeze %dma_wait3A_270 : memref<1x80x64xf32, #tpu.memory_space<vmem>> -> memref<80x64xf32, #tpu.memory_space<vmem>>
      %dma_wait3A_272 = arith.constant 0 : i32
      %dma_wait3A_273 = tpu.memref_slice %arg6[%add3A_266, %dma_wait3A_272] : memref<125x80xi32, #tpu.memory_space<vmem>> -> memref<1x80xi32, #tpu.memory_space<vmem>>
      %dma_wait3A_274 = tpu.memref_squeeze %dma_wait3A_273 : memref<1x80xi32, #tpu.memory_space<vmem>> -> memref<80xi32, #tpu.memory_space<vmem>>
      %dma_wait3A_275 = arith.constant 0 : i32
      %dma_wait3A_276 = arith.constant 0 : i32
      %dma_wait3A_277 = tpu.memref_slice %arg2[%dma_wait3A_275, %dma_wait3A_276] : memref<10000x64xf32, #tpu.memory_space<hbm>> -> memref<10000x64xf32, #tpu.memory_space<hbm>>
      tpu.wait_indirect_dma semaphore(%arg12 : memref<!tpu.dma_semaphore, #tpu.memory_space<semaphore_mem>>) src(%dma_wait3A_277 : memref<10000x64xf32, #tpu.memory_space<hbm>>) dst(%dma_wait3A_271 : memref<80x64xf32, #tpu.memory_space<vmem>>)
      %dma_start3A_278 = arith.constant 1 : i32
      %dma_start3A_279 = arith.constant 0 : i32
      %dma_start3A_280 = arith.constant 0 : i32
      %dma_start3A_281 = tpu.memref_slice %arg8[%dma_start3A_278, %dma_start3A_279, %dma_start3A_280] : memref<4x80x64xf32, #tpu.memory_space<vmem>> -> memref<1x80x64xf32, #tpu.memory_space<vmem>>
      %dma_start3A_282 = tpu.memref_squeeze %dma_start3A_281 : memref<1x80x64xf32, #tpu.memory_space<vmem>> -> memref<80x64xf32, #tpu.memory_space<vmem>>
      %dma_start3A_283 = arith.constant 0 : i32
      %dma_start3A_284 = tpu.memref_slice %arg7[%add3A_266, %dma_start3A_283] : memref<125x80xi32, #tpu.memory_space<vmem>> -> memref<1x80xi32, #tpu.memory_space<vmem>>
      %dma_start3A_285 = tpu.memref_squeeze %dma_start3A_284 : memref<1x80xi32, #tpu.memory_space<vmem>> -> memref<80xi32, #tpu.memory_space<vmem>>
      %dma_start3A_286 = arith.constant 0 : i32
      %dma_start3A_287 = arith.constant 0 : i32
      %dma_start3A_288 = tpu.memref_slice %arg10[%dma_start3A_286, %dma_start3A_287] : memref<10240x64xf32, #tpu.memory_space<vmem_shared>> -> memref<10240x64xf32, #tpu.memory_space<vmem_shared>>
      tpu.enqueue_indirect_dma source(%dma_start3A_282 : memref<80x64xf32, #tpu.memory_space<vmem>>) target(%dma_start3A_288 : memref<10240x64xf32, #tpu.memory_space<vmem_shared>>) offsets(%dma_start3A_285 : memref<80xi32, #tpu.memory_space<vmem>>) semaphore(%arg16 : memref<!tpu.dma_semaphore, #tpu.memory_space<semaphore_mem>>) {add = true}
      %sub3A = arith.constant 1 : i32
      %sub3A_289 = arith.subi %add3A_266, %sub3A : i32
      %dma_wait3A_290 = arith.constant 0 : i32
      %dma_wait3A_291 = arith.constant 0 : i32
      %dma_wait3A_292 = arith.constant 0 : i32
      %dma_wait3A_293 = tpu.memref_slice %arg8[%dma_wait3A_290, %dma_wait3A_291, %dma_wait3A_292] : memref<4x80x64xf32, #tpu.memory_space<vmem>> -> memref<1x80x64xf32, #tpu.memory_space<vmem>>
      %dma_wait3A_294 = tpu.memref_squeeze %dma_wait3A_293 : memref<1x80x64xf32, #tpu.memory_space<vmem>> -> memref<80x64xf32, #tpu.memory_space<vmem>>
      %dma_wait3A_295 = arith.constant 0 : i32
      %dma_wait3A_296 = tpu.memref_slice %arg7[%sub3A_289, %dma_wait3A_295] : memref<125x80xi32, #tpu.memory_space<vmem>> -> memref<1x80xi32, #tpu.memory_space<vmem>>
      %dma_wait3A_297 = tpu.memref_squeeze %dma_wait3A_296 : memref<1x80xi32, #tpu.memory_space<vmem>> -> memref<80xi32, #tpu.memory_space<vmem>>
      %dma_wait3A_298 = arith.constant 0 : i32
      %dma_wait3A_299 = arith.constant 0 : i32
      %dma_wait3A_300 = tpu.memref_slice %arg10[%dma_wait3A_298, %dma_wait3A_299] : memref<10240x64xf32, #tpu.memory_space<vmem_shared>> -> memref<10240x64xf32, #tpu.memory_space<vmem_shared>>
      tpu.wait_indirect_dma semaphore(%arg15 : memref<!tpu.dma_semaphore, #tpu.memory_space<semaphore_mem>>) src(%dma_wait3A_294 : memref<80x64xf32, #tpu.memory_space<vmem>>) dst(%dma_wait3A_300 : memref<10240x64xf32, #tpu.memory_space<vmem_shared>>)
      %add3A_301 = arith.constant 3 : i32
      %add3A_302 = arith.addi %add3A_266, %add3A_301 : i32
      %dma_start3A_303 = arith.constant 0 : i32
      %dma_start3A_304 = arith.constant 0 : i32
      %dma_start3A_305 = arith.constant 0 : i32
      %dma_start3A_306 = tpu.memref_slice %arg8[%dma_start3A_303, %dma_start3A_304, %dma_start3A_305] : memref<4x80x64xf32, #tpu.memory_space<vmem>> -> memref<1x80x64xf32, #tpu.memory_space<vmem>>
      %dma_start3A_307 = tpu.memref_squeeze %dma_start3A_306 : memref<1x80x64xf32, #tpu.memory_space<vmem>> -> memref<80x64xf32, #tpu.memory_space<vmem>>
      %dma_start3A_308 = arith.constant 0 : i32
      %dma_start3A_309 = tpu.memref_slice %arg6[%add3A_302, %dma_start3A_308] : memref<125x80xi32, #tpu.memory_space<vmem>> -> memref<1x80xi32, #tpu.memory_space<vmem>>
      %dma_start3A_310 = tpu.memref_squeeze %dma_start3A_309 : memref<1x80xi32, #tpu.memory_space<vmem>> -> memref<80xi32, #tpu.memory_space<vmem>>
      %dma_start3A_311 = arith.constant 0 : i32
      %dma_start3A_312 = arith.constant 0 : i32
      %dma_start3A_313 = tpu.memref_slice %arg2[%dma_start3A_311, %dma_start3A_312] : memref<10000x64xf32, #tpu.memory_space<hbm>> -> memref<10000x64xf32, #tpu.memory_space<hbm>>
      tpu.enqueue_indirect_dma source(%dma_start3A_313 : memref<10000x64xf32, #tpu.memory_space<hbm>>) target(%dma_start3A_307 : memref<80x64xf32, #tpu.memory_space<vmem>>) offsets(%dma_start3A_310 : memref<80xi32, #tpu.memory_space<vmem>>) semaphore(%arg11 : memref<!tpu.dma_semaphore, #tpu.memory_space<semaphore_mem>>)
      %add3A_314 = arith.constant 1 : i32
      %add3A_315 = arith.addi %add3A_264, %add3A_314 : i32
      %dma_wait3A_316 = arith.constant 2 : i32
      %dma_wait3A_317 = arith.constant 0 : i32
      %dma_wait3A_318 = arith.constant 0 : i32
      %dma_wait3A_319 = tpu.memref_slice %arg8[%dma_wait3A_316, %dma_wait3A_317, %dma_wait3A_318] : memref<4x80x64xf32, #tpu.memory_space<vmem>> -> memref<1x80x64xf32, #tpu.memory_space<vmem>>
      %dma_wait3A_320 = tpu.memref_squeeze %dma_wait3A_319 : memref<1x80x64xf32, #tpu.memory_space<vmem>> -> memref<80x64xf32, #tpu.memory_space<vmem>>
      %dma_wait3A_321 = arith.constant 0 : i32
      %dma_wait3A_322 = tpu.memref_slice %arg6[%add3A_315, %dma_wait3A_321] : memref<125x80xi32, #tpu.memory_space<vmem>> -> memref<1x80xi32, #tpu.memory_space<vmem>>
      %dma_wait3A_323 = tpu.memref_squeeze %dma_wait3A_322 : memref<1x80xi32, #tpu.memory_space<vmem>> -> memref<80xi32, #tpu.memory_space<vmem>>
      %dma_wait3A_324 = arith.constant 0 : i32
      %dma_wait3A_325 = arith.constant 0 : i32
      %dma_wait3A_326 = tpu.memref_slice %arg2[%dma_wait3A_324, %dma_wait3A_325] : memref<10000x64xf32, #tpu.memory_space<hbm>> -> memref<10000x64xf32, #tpu.memory_space<hbm>>
      tpu.wait_indirect_dma semaphore(%arg13 : memref<!tpu.dma_semaphore, #tpu.memory_space<semaphore_mem>>) src(%dma_wait3A_326 : memref<10000x64xf32, #tpu.memory_space<hbm>>) dst(%dma_wait3A_320 : memref<80x64xf32, #tpu.memory_space<vmem>>)
      %dma_start3A_327 = arith.constant 2 : i32
      %dma_start3A_328 = arith.constant 0 : i32
      %dma_start3A_329 = arith.constant 0 : i32
      %dma_start3A_330 = tpu.memref_slice %arg8[%dma_start3A_327, %dma_start3A_328, %dma_start3A_329] : memref<4x80x64xf32, #tpu.memory_space<vmem>> -> memref<1x80x64xf32, #tpu.memory_space<vmem>>
      %dma_start3A_331 = tpu.memref_squeeze %dma_start3A_330 : memref<1x80x64xf32, #tpu.memory_space<vmem>> -> memref<80x64xf32, #tpu.memory_space<vmem>>
      %dma_start3A_332 = arith.constant 0 : i32
      %dma_start3A_333 = tpu.memref_slice %arg7[%add3A_315, %dma_start3A_332] : memref<125x80xi32, #tpu.memory_space<vmem>> -> memref<1x80xi32, #tpu.memory_space<vmem>>
      %dma_start3A_334 = tpu.memref_squeeze %dma_start3A_333 : memref<1x80xi32, #tpu.memory_space<vmem>> -> memref<80xi32, #tpu.memory_space<vmem>>
      %dma_start3A_335 = arith.constant 0 : i32
      %dma_start3A_336 = arith.constant 0 : i32
      %dma_start3A_337 = tpu.memref_slice %arg10[%dma_start3A_335, %dma_start3A_336] : memref<10240x64xf32, #tpu.memory_space<vmem_shared>> -> memref<10240x64xf32, #tpu.memory_space<vmem_shared>>
      tpu.enqueue_indirect_dma source(%dma_start3A_331 : memref<80x64xf32, #tpu.memory_space<vmem>>) target(%dma_start3A_337 : memref<10240x64xf32, #tpu.memory_space<vmem_shared>>) offsets(%dma_start3A_334 : memref<80xi32, #tpu.memory_space<vmem>>) semaphore(%arg17 : memref<!tpu.dma_semaphore, #tpu.memory_space<semaphore_mem>>) {add = true}
      %sub3A_338 = arith.constant 1 : i32
      %sub3A_339 = arith.subi %add3A_315, %sub3A_338 : i32
      %dma_wait3A_340 = arith.constant 1 : i32
      %dma_wait3A_341 = arith.constant 0 : i32
      %dma_wait3A_342 = arith.constant 0 : i32
      %dma_wait3A_343 = tpu.memref_slice %arg8[%dma_wait3A_340, %dma_wait3A_341, %dma_wait3A_342] : memref<4x80x64xf32, #tpu.memory_space<vmem>> -> memref<1x80x64xf32, #tpu.memory_space<vmem>>
      %dma_wait3A_344 = tpu.memref_squeeze %dma_wait3A_343 : memref<1x80x64xf32, #tpu.memory_space<vmem>> -> memref<80x64xf32, #tpu.memory_space<vmem>>
      %dma_wait3A_345 = arith.constant 0 : i32
      %dma_wait3A_346 = tpu.memref_slice %arg7[%sub3A_339, %dma_wait3A_345] : memref<125x80xi32, #tpu.memory_space<vmem>> -> memref<1x80xi32, #tpu.memory_space<vmem>>
      %dma_wait3A_347 = tpu.memref_squeeze %dma_wait3A_346 : memref<1x80xi32, #tpu.memory_space<vmem>> -> memref<80xi32, #tpu.memory_space<vmem>>
      %dma_wait3A_348 = arith.constant 0 : i32
      %dma_wait3A_349 = arith.constant 0 : i32
      %dma_wait3A_350 = tpu.memref_slice %arg10[%dma_wait3A_348, %dma_wait3A_349] : memref<10240x64xf32, #tpu.memory_space<vmem_shared>> -> memref<10240x64xf32, #tpu.memory_space<vmem_shared>>
      tpu.wait_indirect_dma semaphore(%arg16 : memref<!tpu.dma_semaphore, #tpu.memory_space<semaphore_mem>>) src(%dma_wait3A_344 : memref<80x64xf32, #tpu.memory_space<vmem>>) dst(%dma_wait3A_350 : memref<10240x64xf32, #tpu.memory_space<vmem_shared>>)
      %add3A_351 = arith.constant 3 : i32
      %add3A_352 = arith.addi %add3A_315, %add3A_351 : i32
      %dma_start3A_353 = arith.constant 1 : i32
      %dma_start3A_354 = arith.constant 0 : i32
      %dma_start3A_355 = arith.constant 0 : i32
      %dma_start3A_356 = tpu.memref_slice %arg8[%dma_start3A_353, %dma_start3A_354, %dma_start3A_355] : memref<4x80x64xf32, #tpu.memory_space<vmem>> -> memref<1x80x64xf32, #tpu.memory_space<vmem>>
      %dma_start3A_357 = tpu.memref_squeeze %dma_start3A_356 : memref<1x80x64xf32, #tpu.memory_space<vmem>> -> memref<80x64xf32, #tpu.memory_space<vmem>>
      %dma_start3A_358 = arith.constant 0 : i32
      %dma_start3A_359 = tpu.memref_slice %arg6[%add3A_352, %dma_start3A_358] : memref<125x80xi32, #tpu.memory_space<vmem>> -> memref<1x80xi32, #tpu.memory_space<vmem>>
      %dma_start3A_360 = tpu.memref_squeeze %dma_start3A_359 : memref<1x80xi32, #tpu.memory_space<vmem>> -> memref<80xi32, #tpu.memory_space<vmem>>
      %dma_start3A_361 = arith.constant 0 : i32
      %dma_start3A_362 = arith.constant 0 : i32
      %dma_start3A_363 = tpu.memref_slice %arg2[%dma_start3A_361, %dma_start3A_362] : memref<10000x64xf32, #tpu.memory_space<hbm>> -> memref<10000x64xf32, #tpu.memory_space<hbm>>
      tpu.enqueue_indirect_dma source(%dma_start3A_363 : memref<10000x64xf32, #tpu.memory_space<hbm>>) target(%dma_start3A_357 : memref<80x64xf32, #tpu.memory_space<vmem>>) offsets(%dma_start3A_360 : memref<80xi32, #tpu.memory_space<vmem>>) semaphore(%arg12 : memref<!tpu.dma_semaphore, #tpu.memory_space<semaphore_mem>>)
      %add3A_364 = arith.constant 2 : i32
      %add3A_365 = arith.addi %add3A_264, %add3A_364 : i32
      %dma_wait3A_366 = arith.constant 3 : i32
      %dma_wait3A_367 = arith.constant 0 : i32
      %dma_wait3A_368 = arith.constant 0 : i32
      %dma_wait3A_369 = tpu.memref_slice %arg8[%dma_wait3A_366, %dma_wait3A_367, %dma_wait3A_368] : memref<4x80x64xf32, #tpu.memory_space<vmem>> -> memref<1x80x64xf32, #tpu.memory_space<vmem>>
      %dma_wait3A_370 = tpu.memref_squeeze %dma_wait3A_369 : memref<1x80x64xf32, #tpu.memory_space<vmem>> -> memref<80x64xf32, #tpu.memory_space<vmem>>
      %dma_wait3A_371 = arith.constant 0 : i32
      %dma_wait3A_372 = tpu.memref_slice %arg6[%add3A_365, %dma_wait3A_371] : memref<125x80xi32, #tpu.memory_space<vmem>> -> memref<1x80xi32, #tpu.memory_space<vmem>>
      %dma_wait3A_373 = tpu.memref_squeeze %dma_wait3A_372 : memref<1x80xi32, #tpu.memory_space<vmem>> -> memref<80xi32, #tpu.memory_space<vmem>>
      %dma_wait3A_374 = arith.constant 0 : i32
      %dma_wait3A_375 = arith.constant 0 : i32
      %dma_wait3A_376 = tpu.memref_slice %arg2[%dma_wait3A_374, %dma_wait3A_375] : memref<10000x64xf32, #tpu.memory_space<hbm>> -> memref<10000x64xf32, #tpu.memory_space<hbm>>
      tpu.wait_indirect_dma semaphore(%arg14 : memref<!tpu.dma_semaphore, #tpu.memory_space<semaphore_mem>>) src(%dma_wait3A_376 : memref<10000x64xf32, #tpu.memory_space<hbm>>) dst(%dma_wait3A_370 : memref<80x64xf32, #tpu.memory_space<vmem>>)
      %dma_start3A_377 = arith.constant 3 : i32
      %dma_start3A_378 = arith.constant 0 : i32
      %dma_start3A_379 = arith.constant 0 : i32
      %dma_start3A_380 = tpu.memref_slice %arg8[%dma_start3A_377, %dma_start3A_378, %dma_start3A_379] : memref<4x80x64xf32, #tpu.memory_space<vmem>> -> memref<1x80x64xf32, #tpu.memory_space<vmem>>
      %dma_start3A_381 = tpu.memref_squeeze %dma_start3A_380 : memref<1x80x64xf32, #tpu.memory_space<vmem>> -> memref<80x64xf32, #tpu.memory_space<vmem>>
      %dma_start3A_382 = arith.constant 0 : i32
      %dma_start3A_383 = tpu.memref_slice %arg7[%add3A_365, %dma_start3A_382] : memref<125x80xi32, #tpu.memory_space<vmem>> -> memref<1x80xi32, #tpu.memory_space<vmem>>
      %dma_start3A_384 = tpu.memref_squeeze %dma_start3A_383 : memref<1x80xi32, #tpu.memory_space<vmem>> -> memref<80xi32, #tpu.memory_space<vmem>>
      %dma_start3A_385 = arith.constant 0 : i32
      %dma_start3A_386 = arith.constant 0 : i32
      %dma_start3A_387 = tpu.memref_slice %arg10[%dma_start3A_385, %dma_start3A_386] : memref<10240x64xf32, #tpu.memory_space<vmem_shared>> -> memref<10240x64xf32, #tpu.memory_space<vmem_shared>>
      tpu.enqueue_indirect_dma source(%dma_start3A_381 : memref<80x64xf32, #tpu.memory_space<vmem>>) target(%dma_start3A_387 : memref<10240x64xf32, #tpu.memory_space<vmem_shared>>) offsets(%dma_start3A_384 : memref<80xi32, #tpu.memory_space<vmem>>) semaphore(%arg18 : memref<!tpu.dma_semaphore, #tpu.memory_space<semaphore_mem>>) {add = true}
      %sub3A_388 = arith.constant 1 : i32
      %sub3A_389 = arith.subi %add3A_365, %sub3A_388 : i32
      %dma_wait3A_390 = arith.constant 2 : i32
      %dma_wait3A_391 = arith.constant 0 : i32
      %dma_wait3A_392 = arith.constant 0 : i32
      %dma_wait3A_393 = tpu.memref_slice %arg8[%dma_wait3A_390, %dma_wait3A_391, %dma_wait3A_392] : memref<4x80x64xf32, #tpu.memory_space<vmem>> -> memref<1x80x64xf32, #tpu.memory_space<vmem>>
      %dma_wait3A_394 = tpu.memref_squeeze %dma_wait3A_393 : memref<1x80x64xf32, #tpu.memory_space<vmem>> -> memref<80x64xf32, #tpu.memory_space<vmem>>
      %dma_wait3A_395 = arith.constant 0 : i32
      %dma_wait3A_396 = tpu.memref_slice %arg7[%sub3A_389, %dma_wait3A_395] : memref<125x80xi32, #tpu.memory_space<vmem>> -> memref<1x80xi32, #tpu.memory_space<vmem>>
      %dma_wait3A_397 = tpu.memref_squeeze %dma_wait3A_396 : memref<1x80xi32, #tpu.memory_space<vmem>> -> memref<80xi32, #tpu.memory_space<vmem>>
      %dma_wait3A_398 = arith.constant 0 : i32
      %dma_wait3A_399 = arith.constant 0 : i32
      %dma_wait3A_400 = tpu.memref_slice %arg10[%dma_wait3A_398, %dma_wait3A_399] : memref<10240x64xf32, #tpu.memory_space<vmem_shared>> -> memref<10240x64xf32, #tpu.memory_space<vmem_shared>>
      tpu.wait_indirect_dma semaphore(%arg17 : memref<!tpu.dma_semaphore, #tpu.memory_space<semaphore_mem>>) src(%dma_wait3A_394 : memref<80x64xf32, #tpu.memory_space<vmem>>) dst(%dma_wait3A_400 : memref<10240x64xf32, #tpu.memory_space<vmem_shared>>)
      %add3A_401 = arith.constant 3 : i32
      %add3A_402 = arith.addi %add3A_365, %add3A_401 : i32
      %dma_start3A_403 = arith.constant 2 : i32
      %dma_start3A_404 = arith.constant 0 : i32
      %dma_start3A_405 = arith.constant 0 : i32
      %dma_start3A_406 = tpu.memref_slice %arg8[%dma_start3A_403, %dma_start3A_404, %dma_start3A_405] : memref<4x80x64xf32, #tpu.memory_space<vmem>> -> memref<1x80x64xf32, #tpu.memory_space<vmem>>
      %dma_start3A_407 = tpu.memref_squeeze %dma_start3A_406 : memref<1x80x64xf32, #tpu.memory_space<vmem>> -> memref<80x64xf32, #tpu.memory_space<vmem>>
      %dma_start3A_408 = arith.constant 0 : i32
      %dma_start3A_409 = tpu.memref_slice %arg6[%add3A_402, %dma_start3A_408] : memref<125x80xi32, #tpu.memory_space<vmem>> -> memref<1x80xi32, #tpu.memory_space<vmem>>
      %dma_start3A_410 = tpu.memref_squeeze %dma_start3A_409 : memref<1x80xi32, #tpu.memory_space<vmem>> -> memref<80xi32, #tpu.memory_space<vmem>>
      %dma_start3A_411 = arith.constant 0 : i32
      %dma_start3A_412 = arith.constant 0 : i32
      %dma_start3A_413 = tpu.memref_slice %arg2[%dma_start3A_411, %dma_start3A_412] : memref<10000x64xf32, #tpu.memory_space<hbm>> -> memref<10000x64xf32, #tpu.memory_space<hbm>>
      tpu.enqueue_indirect_dma source(%dma_start3A_413 : memref<10000x64xf32, #tpu.memory_space<hbm>>) target(%dma_start3A_407 : memref<80x64xf32, #tpu.memory_space<vmem>>) offsets(%dma_start3A_410 : memref<80xi32, #tpu.memory_space<vmem>>) semaphore(%arg13 : memref<!tpu.dma_semaphore, #tpu.memory_space<semaphore_mem>>)
      %add3A_414 = arith.constant 3 : i32
      %add3A_415 = arith.addi %add3A_264, %add3A_414 : i32
      %dma_wait3A_416 = arith.constant 0 : i32
      %dma_wait3A_417 = arith.constant 0 : i32
      %dma_wait3A_418 = arith.constant 0 : i32
      %dma_wait3A_419 = tpu.memref_slice %arg8[%dma_wait3A_416, %dma_wait3A_417, %dma_wait3A_418] : memref<4x80x64xf32, #tpu.memory_space<vmem>> -> memref<1x80x64xf32, #tpu.memory_space<vmem>>
      %dma_wait3A_420 = tpu.memref_squeeze %dma_wait3A_419 : memref<1x80x64xf32, #tpu.memory_space<vmem>> -> memref<80x64xf32, #tpu.memory_space<vmem>>
      %dma_wait3A_421 = arith.constant 0 : i32
      %dma_wait3A_422 = tpu.memref_slice %arg6[%add3A_415, %dma_wait3A_421] : memref<125x80xi32, #tpu.memory_space<vmem>> -> memref<1x80xi32, #tpu.memory_space<vmem>>
      %dma_wait3A_423 = tpu.memref_squeeze %dma_wait3A_422 : memref<1x80xi32, #tpu.memory_space<vmem>> -> memref<80xi32, #tpu.memory_space<vmem>>
      %dma_wait3A_424 = arith.constant 0 : i32
      %dma_wait3A_425 = arith.constant 0 : i32
      %dma_wait3A_426 = tpu.memref_slice %arg2[%dma_wait3A_424, %dma_wait3A_425] : memref<10000x64xf32, #tpu.memory_space<hbm>> -> memref<10000x64xf32, #tpu.memory_space<hbm>>
      tpu.wait_indirect_dma semaphore(%arg11 : memref<!tpu.dma_semaphore, #tpu.memory_space<semaphore_mem>>) src(%dma_wait3A_426 : memref<10000x64xf32, #tpu.memory_space<hbm>>) dst(%dma_wait3A_420 : memref<80x64xf32, #tpu.memory_space<vmem>>)
      %dma_start3A_427 = arith.constant 0 : i32
      %dma_start3A_428 = arith.constant 0 : i32
      %dma_start3A_429 = arith.constant 0 : i32
      %dma_start3A_430 = tpu.memref_slice %arg8[%dma_start3A_427, %dma_start3A_428, %dma_start3A_429] : memref<4x80x64xf32, #tpu.memory_space<vmem>> -> memref<1x80x64xf32, #tpu.memory_space<vmem>>
      %dma_start3A_431 = tpu.memref_squeeze %dma_start3A_430 : memref<1x80x64xf32, #tpu.memory_space<vmem>> -> memref<80x64xf32, #tpu.memory_space<vmem>>
      %dma_start3A_432 = arith.constant 0 : i32
      %dma_start3A_433 = tpu.memref_slice %arg7[%add3A_415, %dma_start3A_432] : memref<125x80xi32, #tpu.memory_space<vmem>> -> memref<1x80xi32, #tpu.memory_space<vmem>>
      %dma_start3A_434 = tpu.memref_squeeze %dma_start3A_433 : memref<1x80xi32, #tpu.memory_space<vmem>> -> memref<80xi32, #tpu.memory_space<vmem>>
      %dma_start3A_435 = arith.constant 0 : i32
      %dma_start3A_436 = arith.constant 0 : i32
      %dma_start3A_437 = tpu.memref_slice %arg10[%dma_start3A_435, %dma_start3A_436] : memref<10240x64xf32, #tpu.memory_space<vmem_shared>> -> memref<10240x64xf32, #tpu.memory_space<vmem_shared>>
      tpu.enqueue_indirect_dma source(%dma_start3A_431 : memref<80x64xf32, #tpu.memory_space<vmem>>) target(%dma_start3A_437 : memref<10240x64xf32, #tpu.memory_space<vmem_shared>>) offsets(%dma_start3A_434 : memref<80xi32, #tpu.memory_space<vmem>>) semaphore(%arg15 : memref<!tpu.dma_semaphore, #tpu.memory_space<semaphore_mem>>) {add = true}
      %sub3A_438 = arith.constant 1 : i32
      %sub3A_439 = arith.subi %add3A_415, %sub3A_438 : i32
      %dma_wait3A_440 = arith.constant 3 : i32
      %dma_wait3A_441 = arith.constant 0 : i32
      %dma_wait3A_442 = arith.constant 0 : i32
      %dma_wait3A_443 = tpu.memref_slice %arg8[%dma_wait3A_440, %dma_wait3A_441, %dma_wait3A_442] : memref<4x80x64xf32, #tpu.memory_space<vmem>> -> memref<1x80x64xf32, #tpu.memory_space<vmem>>
      %dma_wait3A_444 = tpu.memref_squeeze %dma_wait3A_443 : memref<1x80x64xf32, #tpu.memory_space<vmem>> -> memref<80x64xf32, #tpu.memory_space<vmem>>
      %dma_wait3A_445 = arith.constant 0 : i32
      %dma_wait3A_446 = tpu.memref_slice %arg7[%sub3A_439, %dma_wait3A_445] : memref<125x80xi32, #tpu.memory_space<vmem>> -> memref<1x80xi32, #tpu.memory_space<vmem>>
      %dma_wait3A_447 = tpu.memref_squeeze %dma_wait3A_446 : memref<1x80xi32, #tpu.memory_space<vmem>> -> memref<80xi32, #tpu.memory_space<vmem>>
      %dma_wait3A_448 = arith.constant 0 : i32
      %dma_wait3A_449 = arith.constant 0 : i32
      %dma_wait3A_450 = tpu.memref_slice %arg10[%dma_wait3A_448, %dma_wait3A_449] : memref<10240x64xf32, #tpu.memory_space<vmem_shared>> -> memref<10240x64xf32, #tpu.memory_space<vmem_shared>>
      tpu.wait_indirect_dma semaphore(%arg18 : memref<!tpu.dma_semaphore, #tpu.memory_space<semaphore_mem>>) src(%dma_wait3A_444 : memref<80x64xf32, #tpu.memory_space<vmem>>) dst(%dma_wait3A_450 : memref<10240x64xf32, #tpu.memory_space<vmem_shared>>)
      %add3A_451 = arith.constant 3 : i32
      %add3A_452 = arith.addi %add3A_415, %add3A_451 : i32
      %dma_start3A_453 = arith.constant 3 : i32
      %dma_start3A_454 = arith.constant 0 : i32
      %dma_start3A_455 = arith.constant 0 : i32
      %dma_start3A_456 = tpu.memref_slice %arg8[%dma_start3A_453, %dma_start3A_454, %dma_start3A_455] : memref<4x80x64xf32, #tpu.memory_space<vmem>> -> memref<1x80x64xf32, #tpu.memory_space<vmem>>
      %dma_start3A_457 = tpu.memref_squeeze %dma_start3A_456 : memref<1x80x64xf32, #tpu.memory_space<vmem>> -> memref<80x64xf32, #tpu.memory_space<vmem>>
      %dma_start3A_458 = arith.constant 0 : i32
      %dma_start3A_459 = tpu.memref_slice %arg6[%add3A_452, %dma_start3A_458] : memref<125x80xi32, #tpu.memory_space<vmem>> -> memref<1x80xi32, #tpu.memory_space<vmem>>
      %dma_start3A_460 = tpu.memref_squeeze %dma_start3A_459 : memref<1x80xi32, #tpu.memory_space<vmem>> -> memref<80xi32, #tpu.memory_space<vmem>>
      %dma_start3A_461 = arith.constant 0 : i32
      %dma_start3A_462 = arith.constant 0 : i32
      %dma_start3A_463 = tpu.memref_slice %arg2[%dma_start3A_461, %dma_start3A_462] : memref<10000x64xf32, #tpu.memory_space<hbm>> -> memref<10000x64xf32, #tpu.memory_space<hbm>>
      tpu.enqueue_indirect_dma source(%dma_start3A_463 : memref<10000x64xf32, #tpu.memory_space<hbm>>) target(%dma_start3A_457 : memref<80x64xf32, #tpu.memory_space<vmem>>) offsets(%dma_start3A_460 : memref<80xi32, #tpu.memory_space<vmem>>) semaphore(%arg14 : memref<!tpu.dma_semaphore, #tpu.memory_space<semaphore_mem>>)
    }
    %scan3A_84 = arith.constant 30 : i32
    %dma_wait3A_85 = arith.constant 121 : i32
    %dma_wait3A_86 = arith.constant 1 : i32
    %dma_wait3A_87 = arith.constant 0 : i32
    %dma_wait3A_88 = arith.constant 0 : i32
    %dma_wait3A_89 = tpu.memref_slice %arg8[%dma_wait3A_86, %dma_wait3A_87, %dma_wait3A_88] : memref<4x80x64xf32, #tpu.memory_space<vmem>> -> memref<1x80x64xf32, #tpu.memory_space<vmem>>
    %dma_wait3A_90 = tpu.memref_squeeze %dma_wait3A_89 : memref<1x80x64xf32, #tpu.memory_space<vmem>> -> memref<80x64xf32, #tpu.memory_space<vmem>>
    %dma_wait3A_91 = arith.constant 0 : i32
    %dma_wait3A_92 = tpu.memref_slice %arg6[%dma_wait3A_85, %dma_wait3A_91] : memref<125x80xi32, #tpu.memory_space<vmem>> -> memref<1x80xi32, #tpu.memory_space<vmem>>
    %dma_wait3A_93 = tpu.memref_squeeze %dma_wait3A_92 : memref<1x80xi32, #tpu.memory_space<vmem>> -> memref<80xi32, #tpu.memory_space<vmem>>
    %dma_wait3A_94 = arith.constant 0 : i32
    %dma_wait3A_95 = arith.constant 0 : i32
    %dma_wait3A_96 = tpu.memref_slice %arg2[%dma_wait3A_94, %dma_wait3A_95] : memref<10000x64xf32, #tpu.memory_space<hbm>> -> memref<10000x64xf32, #tpu.memory_space<hbm>>
    tpu.wait_indirect_dma semaphore(%arg12 : memref<!tpu.dma_semaphore, #tpu.memory_space<semaphore_mem>>) src(%dma_wait3A_96 : memref<10000x64xf32, #tpu.memory_space<hbm>>) dst(%dma_wait3A_90 : memref<80x64xf32, #tpu.memory_space<vmem>>)
    %dma_start3A_97 = arith.constant 1 : i32
    %dma_start3A_98 = arith.constant 121 : i32
    %dma_start3A_99 = arith.constant 0 : i32
    %dma_start3A_100 = arith.constant 0 : i32
    %dma_start3A_101 = tpu.memref_slice %arg8[%dma_start3A_97, %dma_start3A_99, %dma_start3A_100] : memref<4x80x64xf32, #tpu.memory_space<vmem>> -> memref<1x80x64xf32, #tpu.memory_space<vmem>>
    %dma_start3A_102 = tpu.memref_squeeze %dma_start3A_101 : memref<1x80x64xf32, #tpu.memory_space<vmem>> -> memref<80x64xf32, #tpu.memory_space<vmem>>
    %dma_start3A_103 = arith.constant 0 : i32
    %dma_start3A_104 = tpu.memref_slice %arg7[%dma_start3A_98, %dma_start3A_103] : memref<125x80xi32, #tpu.memory_space<vmem>> -> memref<1x80xi32, #tpu.memory_space<vmem>>
    %dma_start3A_105 = tpu.memref_squeeze %dma_start3A_104 : memref<1x80xi32, #tpu.memory_space<vmem>> -> memref<80xi32, #tpu.memory_space<vmem>>
    %dma_start3A_106 = arith.constant 0 : i32
    %dma_start3A_107 = arith.constant 0 : i32
    %dma_start3A_108 = tpu.memref_slice %arg10[%dma_start3A_106, %dma_start3A_107] : memref<10240x64xf32, #tpu.memory_space<vmem_shared>> -> memref<10240x64xf32, #tpu.memory_space<vmem_shared>>
    tpu.enqueue_indirect_dma source(%dma_start3A_102 : memref<80x64xf32, #tpu.memory_space<vmem>>) target(%dma_start3A_108 : memref<10240x64xf32, #tpu.memory_space<vmem_shared>>) offsets(%dma_start3A_105 : memref<80xi32, #tpu.memory_space<vmem>>) semaphore(%arg16 : memref<!tpu.dma_semaphore, #tpu.memory_space<semaphore_mem>>) {add = true}
    %dma_wait3A_109 = arith.constant 0 : i32
    %dma_wait3A_110 = arith.constant 120 : i32
    %dma_wait3A_111 = arith.constant 0 : i32
    %dma_wait3A_112 = arith.constant 0 : i32
    %dma_wait3A_113 = tpu.memref_slice %arg8[%dma_wait3A_109, %dma_wait3A_111, %dma_wait3A_112] : memref<4x80x64xf32, #tpu.memory_space<vmem>> -> memref<1x80x64xf32, #tpu.memory_space<vmem>>
    %dma_wait3A_114 = tpu.memref_squeeze %dma_wait3A_113 : memref<1x80x64xf32, #tpu.memory_space<vmem>> -> memref<80x64xf32, #tpu.memory_space<vmem>>
    %dma_wait3A_115 = arith.constant 0 : i32
    %dma_wait3A_116 = tpu.memref_slice %arg7[%dma_wait3A_110, %dma_wait3A_115] : memref<125x80xi32, #tpu.memory_space<vmem>> -> memref<1x80xi32, #tpu.memory_space<vmem>>
    %dma_wait3A_117 = tpu.memref_squeeze %dma_wait3A_116 : memref<1x80xi32, #tpu.memory_space<vmem>> -> memref<80xi32, #tpu.memory_space<vmem>>
    %dma_wait3A_118 = arith.constant 0 : i32
    %dma_wait3A_119 = arith.constant 0 : i32
    %dma_wait3A_120 = tpu.memref_slice %arg10[%dma_wait3A_118, %dma_wait3A_119] : memref<10240x64xf32, #tpu.memory_space<vmem_shared>> -> memref<10240x64xf32, #tpu.memory_space<vmem_shared>>
    tpu.wait_indirect_dma semaphore(%arg15 : memref<!tpu.dma_semaphore, #tpu.memory_space<semaphore_mem>>) src(%dma_wait3A_114 : memref<80x64xf32, #tpu.memory_space<vmem>>) dst(%dma_wait3A_120 : memref<10240x64xf32, #tpu.memory_space<vmem_shared>>)
    %dma_start3A_121 = arith.constant 124 : i32
    %dma_start3A_122 = arith.constant 0 : i32
    %dma_start3A_123 = arith.constant 0 : i32
    %dma_start3A_124 = arith.constant 0 : i32
    %dma_start3A_125 = tpu.memref_slice %arg8[%dma_start3A_122, %dma_start3A_123, %dma_start3A_124] : memref<4x80x64xf32, #tpu.memory_space<vmem>> -> memref<1x80x64xf32, #tpu.memory_space<vmem>>
    %dma_start3A_126 = tpu.memref_squeeze %dma_start3A_125 : memref<1x80x64xf32, #tpu.memory_space<vmem>> -> memref<80x64xf32, #tpu.memory_space<vmem>>
    %dma_start3A_127 = arith.constant 0 : i32
    %dma_start3A_128 = tpu.memref_slice %arg6[%dma_start3A_121, %dma_start3A_127] : memref<125x80xi32, #tpu.memory_space<vmem>> -> memref<1x80xi32, #tpu.memory_space<vmem>>
    %dma_start3A_129 = tpu.memref_squeeze %dma_start3A_128 : memref<1x80xi32, #tpu.memory_space<vmem>> -> memref<80xi32, #tpu.memory_space<vmem>>
    %dma_start3A_130 = arith.constant 0 : i32
    %dma_start3A_131 = arith.constant 0 : i32
    %dma_start3A_132 = tpu.memref_slice %arg2[%dma_start3A_130, %dma_start3A_131] : memref<10000x64xf32, #tpu.memory_space<hbm>> -> memref<10000x64xf32, #tpu.memory_space<hbm>>
    tpu.enqueue_indirect_dma source(%dma_start3A_132 : memref<10000x64xf32, #tpu.memory_space<hbm>>) target(%dma_start3A_126 : memref<80x64xf32, #tpu.memory_space<vmem>>) offsets(%dma_start3A_129 : memref<80xi32, #tpu.memory_space<vmem>>) semaphore(%arg11 : memref<!tpu.dma_semaphore, #tpu.memory_space<semaphore_mem>>)
    %dma_wait3A_133 = arith.constant 122 : i32
    %dma_wait3A_134 = arith.constant 2 : i32
    %dma_wait3A_135 = arith.constant 0 : i32
    %dma_wait3A_136 = arith.constant 0 : i32
    %dma_wait3A_137 = tpu.memref_slice %arg8[%dma_wait3A_134, %dma_wait3A_135, %dma_wait3A_136] : memref<4x80x64xf32, #tpu.memory_space<vmem>> -> memref<1x80x64xf32, #tpu.memory_space<vmem>>
    %dma_wait3A_138 = tpu.memref_squeeze %dma_wait3A_137 : memref<1x80x64xf32, #tpu.memory_space<vmem>> -> memref<80x64xf32, #tpu.memory_space<vmem>>
    %dma_wait3A_139 = arith.constant 0 : i32
    %dma_wait3A_140 = tpu.memref_slice %arg6[%dma_wait3A_133, %dma_wait3A_139] : memref<125x80xi32, #tpu.memory_space<vmem>> -> memref<1x80xi32, #tpu.memory_space<vmem>>
    %dma_wait3A_141 = tpu.memref_squeeze %dma_wait3A_140 : memref<1x80xi32, #tpu.memory_space<vmem>> -> memref<80xi32, #tpu.memory_space<vmem>>
    %dma_wait3A_142 = arith.constant 0 : i32
    %dma_wait3A_143 = arith.constant 0 : i32
    %dma_wait3A_144 = tpu.memref_slice %arg2[%dma_wait3A_142, %dma_wait3A_143] : memref<10000x64xf32, #tpu.memory_space<hbm>> -> memref<10000x64xf32, #tpu.memory_space<hbm>>
    tpu.wait_indirect_dma semaphore(%arg13 : memref<!tpu.dma_semaphore, #tpu.memory_space<semaphore_mem>>) src(%dma_wait3A_144 : memref<10000x64xf32, #tpu.memory_space<hbm>>) dst(%dma_wait3A_138 : memref<80x64xf32, #tpu.memory_space<vmem>>)
    %dma_start3A_145 = arith.constant 2 : i32
    %dma_start3A_146 = arith.constant 122 : i32
    %dma_start3A_147 = arith.constant 0 : i32
    %dma_start3A_148 = arith.constant 0 : i32
    %dma_start3A_149 = tpu.memref_slice %arg8[%dma_start3A_145, %dma_start3A_147, %dma_start3A_148] : memref<4x80x64xf32, #tpu.memory_space<vmem>> -> memref<1x80x64xf32, #tpu.memory_space<vmem>>
    %dma_start3A_150 = tpu.memref_squeeze %dma_start3A_149 : memref<1x80x64xf32, #tpu.memory_space<vmem>> -> memref<80x64xf32, #tpu.memory_space<vmem>>
    %dma_start3A_151 = arith.constant 0 : i32
    %dma_start3A_152 = tpu.memref_slice %arg7[%dma_start3A_146, %dma_start3A_151] : memref<125x80xi32, #tpu.memory_space<vmem>> -> memref<1x80xi32, #tpu.memory_space<vmem>>
    %dma_start3A_153 = tpu.memref_squeeze %dma_start3A_152 : memref<1x80xi32, #tpu.memory_space<vmem>> -> memref<80xi32, #tpu.memory_space<vmem>>
    %dma_start3A_154 = arith.constant 0 : i32
    %dma_start3A_155 = arith.constant 0 : i32
    %dma_start3A_156 = tpu.memref_slice %arg10[%dma_start3A_154, %dma_start3A_155] : memref<10240x64xf32, #tpu.memory_space<vmem_shared>> -> memref<10240x64xf32, #tpu.memory_space<vmem_shared>>
    tpu.enqueue_indirect_dma source(%dma_start3A_150 : memref<80x64xf32, #tpu.memory_space<vmem>>) target(%dma_start3A_156 : memref<10240x64xf32, #tpu.memory_space<vmem_shared>>) offsets(%dma_start3A_153 : memref<80xi32, #tpu.memory_space<vmem>>) semaphore(%arg17 : memref<!tpu.dma_semaphore, #tpu.memory_space<semaphore_mem>>) {add = true}
    %dma_wait3A_157 = arith.constant 1 : i32
    %dma_wait3A_158 = arith.constant 121 : i32
    %dma_wait3A_159 = arith.constant 0 : i32
    %dma_wait3A_160 = arith.constant 0 : i32
    %dma_wait3A_161 = tpu.memref_slice %arg8[%dma_wait3A_157, %dma_wait3A_159, %dma_wait3A_160] : memref<4x80x64xf32, #tpu.memory_space<vmem>> -> memref<1x80x64xf32, #tpu.memory_space<vmem>>
    %dma_wait3A_162 = tpu.memref_squeeze %dma_wait3A_161 : memref<1x80x64xf32, #tpu.memory_space<vmem>> -> memref<80x64xf32, #tpu.memory_space<vmem>>
    %dma_wait3A_163 = arith.constant 0 : i32
    %dma_wait3A_164 = tpu.memref_slice %arg7[%dma_wait3A_158, %dma_wait3A_163] : memref<125x80xi32, #tpu.memory_space<vmem>> -> memref<1x80xi32, #tpu.memory_space<vmem>>
    %dma_wait3A_165 = tpu.memref_squeeze %dma_wait3A_164 : memref<1x80xi32, #tpu.memory_space<vmem>> -> memref<80xi32, #tpu.memory_space<vmem>>
    %dma_wait3A_166 = arith.constant 0 : i32
    %dma_wait3A_167 = arith.constant 0 : i32
    %dma_wait3A_168 = tpu.memref_slice %arg10[%dma_wait3A_166, %dma_wait3A_167] : memref<10240x64xf32, #tpu.memory_space<vmem_shared>> -> memref<10240x64xf32, #tpu.memory_space<vmem_shared>>
    tpu.wait_indirect_dma semaphore(%arg16 : memref<!tpu.dma_semaphore, #tpu.memory_space<semaphore_mem>>) src(%dma_wait3A_162 : memref<80x64xf32, #tpu.memory_space<vmem>>) dst(%dma_wait3A_168 : memref<10240x64xf32, #tpu.memory_space<vmem_shared>>)
    %dma_wait3A_169 = arith.constant 123 : i32
    %dma_wait3A_170 = arith.constant 3 : i32
    %dma_wait3A_171 = arith.constant 0 : i32
    %dma_wait3A_172 = arith.constant 0 : i32
    %dma_wait3A_173 = tpu.memref_slice %arg8[%dma_wait3A_170, %dma_wait3A_171, %dma_wait3A_172] : memref<4x80x64xf32, #tpu.memory_space<vmem>> -> memref<1x80x64xf32, #tpu.memory_space<vmem>>
    %dma_wait3A_174 = tpu.memref_squeeze %dma_wait3A_173 : memref<1x80x64xf32, #tpu.memory_space<vmem>> -> memref<80x64xf32, #tpu.memory_space<vmem>>
    %dma_wait3A_175 = arith.constant 0 : i32
    %dma_wait3A_176 = tpu.memref_slice %arg6[%dma_wait3A_169, %dma_wait3A_175] : memref<125x80xi32, #tpu.memory_space<vmem>> -> memref<1x80xi32, #tpu.memory_space<vmem>>
    %dma_wait3A_177 = tpu.memref_squeeze %dma_wait3A_176 : memref<1x80xi32, #tpu.memory_space<vmem>> -> memref<80xi32, #tpu.memory_space<vmem>>
    %dma_wait3A_178 = arith.constant 0 : i32
    %dma_wait3A_179 = arith.constant 0 : i32
    %dma_wait3A_180 = tpu.memref_slice %arg2[%dma_wait3A_178, %dma_wait3A_179] : memref<10000x64xf32, #tpu.memory_space<hbm>> -> memref<10000x64xf32, #tpu.memory_space<hbm>>
    tpu.wait_indirect_dma semaphore(%arg14 : memref<!tpu.dma_semaphore, #tpu.memory_space<semaphore_mem>>) src(%dma_wait3A_180 : memref<10000x64xf32, #tpu.memory_space<hbm>>) dst(%dma_wait3A_174 : memref<80x64xf32, #tpu.memory_space<vmem>>)
    %dma_start3A_181 = arith.constant 3 : i32
    %dma_start3A_182 = arith.constant 123 : i32
    %dma_start3A_183 = arith.constant 0 : i32
    %dma_start3A_184 = arith.constant 0 : i32
    %dma_start3A_185 = tpu.memref_slice %arg8[%dma_start3A_181, %dma_start3A_183, %dma_start3A_184] : memref<4x80x64xf32, #tpu.memory_space<vmem>> -> memref<1x80x64xf32, #tpu.memory_space<vmem>>
    %dma_start3A_186 = tpu.memref_squeeze %dma_start3A_185 : memref<1x80x64xf32, #tpu.memory_space<vmem>> -> memref<80x64xf32, #tpu.memory_space<vmem>>
    %dma_start3A_187 = arith.constant 0 : i32
    %dma_start3A_188 = tpu.memref_slice %arg7[%dma_start3A_182, %dma_start3A_187] : memref<125x80xi32, #tpu.memory_space<vmem>> -> memref<1x80xi32, #tpu.memory_space<vmem>>
    %dma_start3A_189 = tpu.memref_squeeze %dma_start3A_188 : memref<1x80xi32, #tpu.memory_space<vmem>> -> memref<80xi32, #tpu.memory_space<vmem>>
    %dma_start3A_190 = arith.constant 0 : i32
    %dma_start3A_191 = arith.constant 0 : i32
    %dma_start3A_192 = tpu.memref_slice %arg10[%dma_start3A_190, %dma_start3A_191] : memref<10240x64xf32, #tpu.memory_space<vmem_shared>> -> memref<10240x64xf32, #tpu.memory_space<vmem_shared>>
    tpu.enqueue_indirect_dma source(%dma_start3A_186 : memref<80x64xf32, #tpu.memory_space<vmem>>) target(%dma_start3A_192 : memref<10240x64xf32, #tpu.memory_space<vmem_shared>>) offsets(%dma_start3A_189 : memref<80xi32, #tpu.memory_space<vmem>>) semaphore(%arg18 : memref<!tpu.dma_semaphore, #tpu.memory_space<semaphore_mem>>) {add = true}
    %dma_wait3A_193 = arith.constant 2 : i32
    %dma_wait3A_194 = arith.constant 122 : i32
    %dma_wait3A_195 = arith.constant 0 : i32
    %dma_wait3A_196 = arith.constant 0 : i32
    %dma_wait3A_197 = tpu.memref_slice %arg8[%dma_wait3A_193, %dma_wait3A_195, %dma_wait3A_196] : memref<4x80x64xf32, #tpu.memory_space<vmem>> -> memref<1x80x64xf32, #tpu.memory_space<vmem>>
    %dma_wait3A_198 = tpu.memref_squeeze %dma_wait3A_197 : memref<1x80x64xf32, #tpu.memory_space<vmem>> -> memref<80x64xf32, #tpu.memory_space<vmem>>
    %dma_wait3A_199 = arith.constant 0 : i32
    %dma_wait3A_200 = tpu.memref_slice %arg7[%dma_wait3A_194, %dma_wait3A_199] : memref<125x80xi32, #tpu.memory_space<vmem>> -> memref<1x80xi32, #tpu.memory_space<vmem>>
    %dma_wait3A_201 = tpu.memref_squeeze %dma_wait3A_200 : memref<1x80xi32, #tpu.memory_space<vmem>> -> memref<80xi32, #tpu.memory_space<vmem>>
    %dma_wait3A_202 = arith.constant 0 : i32
    %dma_wait3A_203 = arith.constant 0 : i32
    %dma_wait3A_204 = tpu.memref_slice %arg10[%dma_wait3A_202, %dma_wait3A_203] : memref<10240x64xf32, #tpu.memory_space<vmem_shared>> -> memref<10240x64xf32, #tpu.memory_space<vmem_shared>>
    tpu.wait_indirect_dma semaphore(%arg17 : memref<!tpu.dma_semaphore, #tpu.memory_space<semaphore_mem>>) src(%dma_wait3A_198 : memref<80x64xf32, #tpu.memory_space<vmem>>) dst(%dma_wait3A_204 : memref<10240x64xf32, #tpu.memory_space<vmem_shared>>)
    %dma_wait3A_205 = arith.constant 124 : i32
    %dma_wait3A_206 = arith.constant 0 : i32
    %dma_wait3A_207 = arith.constant 0 : i32
    %dma_wait3A_208 = arith.constant 0 : i32
    %dma_wait3A_209 = tpu.memref_slice %arg8[%dma_wait3A_206, %dma_wait3A_207, %dma_wait3A_208] : memref<4x80x64xf32, #tpu.memory_space<vmem>> -> memref<1x80x64xf32, #tpu.memory_space<vmem>>
    %dma_wait3A_210 = tpu.memref_squeeze %dma_wait3A_209 : memref<1x80x64xf32, #tpu.memory_space<vmem>> -> memref<80x64xf32, #tpu.memory_space<vmem>>
    %dma_wait3A_211 = arith.constant 0 : i32
    %dma_wait3A_212 = tpu.memref_slice %arg6[%dma_wait3A_205, %dma_wait3A_211] : memref<125x80xi32, #tpu.memory_space<vmem>> -> memref<1x80xi32, #tpu.memory_space<vmem>>
    %dma_wait3A_213 = tpu.memref_squeeze %dma_wait3A_212 : memref<1x80xi32, #tpu.memory_space<vmem>> -> memref<80xi32, #tpu.memory_space<vmem>>
    %dma_wait3A_214 = arith.constant 0 : i32
    %dma_wait3A_215 = arith.constant 0 : i32
    %dma_wait3A_216 = tpu.memref_slice %arg2[%dma_wait3A_214, %dma_wait3A_215] : memref<10000x64xf32, #tpu.memory_space<hbm>> -> memref<10000x64xf32, #tpu.memory_space<hbm>>
    tpu.wait_indirect_dma semaphore(%arg11 : memref<!tpu.dma_semaphore, #tpu.memory_space<semaphore_mem>>) src(%dma_wait3A_216 : memref<10000x64xf32, #tpu.memory_space<hbm>>) dst(%dma_wait3A_210 : memref<80x64xf32, #tpu.memory_space<vmem>>)
    %dma_start3A_217 = arith.constant 0 : i32
    %dma_start3A_218 = arith.constant 124 : i32
    %dma_start3A_219 = arith.constant 0 : i32
    %dma_start3A_220 = arith.constant 0 : i32
    %dma_start3A_221 = tpu.memref_slice %arg8[%dma_start3A_217, %dma_start3A_219, %dma_start3A_220] : memref<4x80x64xf32, #tpu.memory_space<vmem>> -> memref<1x80x64xf32, #tpu.memory_space<vmem>>
    %dma_start3A_222 = tpu.memref_squeeze %dma_start3A_221 : memref<1x80x64xf32, #tpu.memory_space<vmem>> -> memref<80x64xf32, #tpu.memory_space<vmem>>
    %dma_start3A_223 = arith.constant 0 : i32
    %dma_start3A_224 = tpu.memref_slice %arg7[%dma_start3A_218, %dma_start3A_223] : memref<125x80xi32, #tpu.memory_space<vmem>> -> memref<1x80xi32, #tpu.memory_space<vmem>>
    %dma_start3A_225 = tpu.memref_squeeze %dma_start3A_224 : memref<1x80xi32, #tpu.memory_space<vmem>> -> memref<80xi32, #tpu.memory_space<vmem>>
    %dma_start3A_226 = arith.constant 0 : i32
    %dma_start3A_227 = arith.constant 0 : i32
    %dma_start3A_228 = tpu.memref_slice %arg10[%dma_start3A_226, %dma_start3A_227] : memref<10240x64xf32, #tpu.memory_space<vmem_shared>> -> memref<10240x64xf32, #tpu.memory_space<vmem_shared>>
    tpu.enqueue_indirect_dma source(%dma_start3A_222 : memref<80x64xf32, #tpu.memory_space<vmem>>) target(%dma_start3A_228 : memref<10240x64xf32, #tpu.memory_space<vmem_shared>>) offsets(%dma_start3A_225 : memref<80xi32, #tpu.memory_space<vmem>>) semaphore(%arg15 : memref<!tpu.dma_semaphore, #tpu.memory_space<semaphore_mem>>) {add = true}
    %dma_wait3A_229 = arith.constant 3 : i32
    %dma_wait3A_230 = arith.constant 123 : i32
    %dma_wait3A_231 = arith.constant 0 : i32
    %dma_wait3A_232 = arith.constant 0 : i32
    %dma_wait3A_233 = tpu.memref_slice %arg8[%dma_wait3A_229, %dma_wait3A_231, %dma_wait3A_232] : memref<4x80x64xf32, #tpu.memory_space<vmem>> -> memref<1x80x64xf32, #tpu.memory_space<vmem>>
    %dma_wait3A_234 = tpu.memref_squeeze %dma_wait3A_233 : memref<1x80x64xf32, #tpu.memory_space<vmem>> -> memref<80x64xf32, #tpu.memory_space<vmem>>
    %dma_wait3A_235 = arith.constant 0 : i32
    %dma_wait3A_236 = tpu.memref_slice %arg7[%dma_wait3A_230, %dma_wait3A_235] : memref<125x80xi32, #tpu.memory_space<vmem>> -> memref<1x80xi32, #tpu.memory_space<vmem>>
    %dma_wait3A_237 = tpu.memref_squeeze %dma_wait3A_236 : memref<1x80xi32, #tpu.memory_space<vmem>> -> memref<80xi32, #tpu.memory_space<vmem>>
    %dma_wait3A_238 = arith.constant 0 : i32
    %dma_wait3A_239 = arith.constant 0 : i32
    %dma_wait3A_240 = tpu.memref_slice %arg10[%dma_wait3A_238, %dma_wait3A_239] : memref<10240x64xf32, #tpu.memory_space<vmem_shared>> -> memref<10240x64xf32, #tpu.memory_space<vmem_shared>>
    tpu.wait_indirect_dma semaphore(%arg18 : memref<!tpu.dma_semaphore, #tpu.memory_space<semaphore_mem>>) src(%dma_wait3A_234 : memref<80x64xf32, #tpu.memory_space<vmem>>) dst(%dma_wait3A_240 : memref<10240x64xf32, #tpu.memory_space<vmem_shared>>)
    %dma_wait3A_241 = arith.constant 0 : i32
    %dma_wait3A_242 = arith.constant 124 : i32
    %dma_wait3A_243 = arith.constant 0 : i32
    %dma_wait3A_244 = arith.constant 0 : i32
    %dma_wait3A_245 = tpu.memref_slice %arg8[%dma_wait3A_241, %dma_wait3A_243, %dma_wait3A_244] : memref<4x80x64xf32, #tpu.memory_space<vmem>> -> memref<1x80x64xf32, #tpu.memory_space<vmem>>
    %dma_wait3A_246 = tpu.memref_squeeze %dma_wait3A_245 : memref<1x80x64xf32, #tpu.memory_space<vmem>> -> memref<80x64xf32, #tpu.memory_space<vmem>>
    %dma_wait3A_247 = arith.constant 0 : i32
    %dma_wait3A_248 = tpu.memref_slice %arg7[%dma_wait3A_242, %dma_wait3A_247] : memref<125x80xi32, #tpu.memory_space<vmem>> -> memref<1x80xi32, #tpu.memory_space<vmem>>
    %dma_wait3A_249 = tpu.memref_squeeze %dma_wait3A_248 : memref<1x80xi32, #tpu.memory_space<vmem>> -> memref<80xi32, #tpu.memory_space<vmem>>
    %dma_wait3A_250 = arith.constant 0 : i32
    %dma_wait3A_251 = arith.constant 0 : i32
    %dma_wait3A_252 = tpu.memref_slice %arg10[%dma_wait3A_250, %dma_wait3A_251] : memref<10240x64xf32, #tpu.memory_space<vmem_shared>> -> memref<10240x64xf32, #tpu.memory_space<vmem_shared>>
    tpu.wait_indirect_dma semaphore(%arg15 : memref<!tpu.dma_semaphore, #tpu.memory_space<semaphore_mem>>) src(%dma_wait3A_246 : memref<80x64xf32, #tpu.memory_space<vmem>>) dst(%dma_wait3A_252 : memref<10240x64xf32, #tpu.memory_space<vmem_shared>>)
    %barrier3A_253 = arith.constant 0 : index
    tpu.barrier barrier_id(%barrier3A_253)
    %mul3A_254 = arith.constant 624 : i32
    %mul3A_255 = arith.muli %arg1, %mul3A_254 : i32
    %mul3A_256 = arith.constant 624 : i32
    %mul3A_257 = arith.muli %arg1, %mul3A_256 : i32
    "tpu.region"() ({
      %run_scoped3A = tpu.sem_alloc : memref<!tpu.dma_semaphore, #tpu.memory_space<semaphore_mem>>
      %dma_start3A_260 = arith.constant 0 : i32
      %dma_start3A_261 = tpu.memref_slice %arg5[%arg0, %mul3A_257, %dma_start3A_260] : memref<2x10000x64xf32, #tpu.memory_space<hbm>> -> memref<1x624x64xf32, #tpu.memory_space<hbm>>
      %dma_start3A_262 = tpu.memref_squeeze %dma_start3A_261 : memref<1x624x64xf32, #tpu.memory_space<hbm>> -> memref<624x64xf32, #tpu.memory_space<hbm>>
      %dma_start3A_263 = arith.constant 0 : i32
      %dma_start3A_264 = tpu.memref_slice %arg10[%mul3A_255, %dma_start3A_263] : memref<10240x64xf32, #tpu.memory_space<vmem_shared>> -> memref<624x64xf32, #tpu.memory_space<vmem_shared>>
      tpu.enqueue_dma source(%dma_start3A_264 : memref<624x64xf32, #tpu.memory_space<vmem_shared>>) target(%dma_start3A_262 : memref<624x64xf32, #tpu.memory_space<hbm>>) target_semaphore(%run_scoped3A : memref<!tpu.dma_semaphore, #tpu.memory_space<semaphore_mem>>)
      %dma_wait3A_265 = arith.constant 0 : i32
      %dma_wait3A_266 = tpu.memref_slice %arg5[%arg0, %mul3A_257, %dma_wait3A_265] : memref<2x10000x64xf32, #tpu.memory_space<hbm>> -> memref<1x624x64xf32, #tpu.memory_space<hbm>>
      %dma_wait3A_267 = tpu.memref_squeeze %dma_wait3A_266 : memref<1x624x64xf32, #tpu.memory_space<hbm>> -> memref<624x64xf32, #tpu.memory_space<hbm>>
      %dma_wait3A_268 = arith.constant 0 : i32
      %dma_wait3A_269 = tpu.memref_slice %arg10[%mul3A_255, %dma_wait3A_268] : memref<10240x64xf32, #tpu.memory_space<vmem_shared>> -> memref<624x64xf32, #tpu.memory_space<vmem_shared>>
      tpu.wait_dma2 semaphore(%run_scoped3A : memref<!tpu.dma_semaphore, #tpu.memory_space<semaphore_mem>>) src(%dma_wait3A_269 : memref<624x64xf32, #tpu.memory_space<vmem_shared>>) dst(%dma_wait3A_267 : memref<624x64xf32, #tpu.memory_space<hbm>>)
      tpu.yield
    }) : () -> ()
    %eq3A = arith.constant 15 : i32
    %eq3A_258 = arith.cmpi eq, %arg1, %eq3A : i32
    %convert_element_type3A = arith.extui %eq3A_258 : i1 to i32
    %cond3A = arith.constant 0 : i32
    %cond3A_259 = arith.cmpi ne, %convert_element_type3A, %cond3A : i32
    scf.if %cond3A_259 {
      "tpu.region"() ({
        %run_scoped3A = tpu.sem_alloc : memref<!tpu.dma_semaphore, #tpu.memory_space<semaphore_mem>>
        %dma_start3A_260 = arith.constant 9984 : i32
        %dma_start3A_261 = arith.constant 0 : i32
        %dma_start3A_262 = tpu.memref_slice %arg5[%arg0, %dma_start3A_260, %dma_start3A_261] : memref<2x10000x64xf32, #tpu.memory_space<hbm>> -> memref<1x16x64xf32, #tpu.memory_space<hbm>>
        %dma_start3A_263 = tpu.memref_squeeze %dma_start3A_262 : memref<1x16x64xf32, #tpu.memory_space<hbm>> -> memref<16x64xf32, #tpu.memory_space<hbm>>
        %dma_start3A_264 = arith.constant 9984 : i32
        %dma_start3A_265 = arith.constant 0 : i32
        %dma_start3A_266 = tpu.memref_slice %arg10[%dma_start3A_264, %dma_start3A_265] : memref<10240x64xf32, #tpu.memory_space<vmem_shared>> -> memref<16x64xf32, #tpu.memory_space<vmem_shared>>
        tpu.enqueue_dma source(%dma_start3A_266 : memref<16x64xf32, #tpu.memory_space<vmem_shared>>) target(%dma_start3A_263 : memref<16x64xf32, #tpu.memory_space<hbm>>) target_semaphore(%run_scoped3A : memref<!tpu.dma_semaphore, #tpu.memory_space<semaphore_mem>>)
        %dma_wait3A_267 = arith.constant 9984 : i32
        %dma_wait3A_268 = arith.constant 0 : i32
        %dma_wait3A_269 = tpu.memref_slice %arg5[%arg0, %dma_wait3A_267, %dma_wait3A_268] : memref<2x10000x64xf32, #tpu.memory_space<hbm>> -> memref<1x16x64xf32, #tpu.memory_space<hbm>>
        %dma_wait3A_270 = tpu.memref_squeeze %dma_wait3A_269 : memref<1x16x64xf32, #tpu.memory_space<hbm>> -> memref<16x64xf32, #tpu.memory_space<hbm>>
        %dma_wait3A_271 = arith.constant 9984 : i32
        %dma_wait3A_272 = arith.constant 0 : i32
        %dma_wait3A_273 = tpu.memref_slice %arg10[%dma_wait3A_271, %dma_wait3A_272] : memref<10240x64xf32, #tpu.memory_space<vmem_shared>> -> memref<16x64xf32, #tpu.memory_space<vmem_shared>>
        tpu.wait_dma2 semaphore(%run_scoped3A : memref<!tpu.dma_semaphore, #tpu.memory_space<semaphore_mem>>) src(%dma_wait3A_273 : memref<16x64xf32, #tpu.memory_space<vmem_shared>>) dst(%dma_wait3A_270 : memref<16x64xf32, #tpu.memory_space<hbm>>)
        tpu.yield
      }) : () -> ()
    } else {
    }
    return
  }
}

#map = affine_map<(d0, d1) -> (0, 0)>
#map1 = affine_map<(d0, d1) -> (0, 0, 0)>
module attributes {stable_mosaic.version = 14 : i64} {
  func.func @agg_kernel(%arg0: i32, %arg1: i32, %arg2: memref<10000x64xf32, #tpu.memory_space<hbm>>, %arg3: memref<10000x64xf32, #tpu.memory_space<hbm>>, %arg4: memref<32x125x80xi32, #tpu.memory_space<hbm>>, %arg5: memref<32x125x80xi32, #tpu.memory_space<hbm>>, %arg6: memref<2x10000x64xf32, #tpu.memory_space<hbm>>, %arg7: memref<2x10000x64xf32, #tpu.memory_space<hbm>>, %arg8: memref<125x80xi32, #tpu.memory_space<vmem>>, %arg9: memref<125x80xi32, #tpu.memory_space<vmem>>, %arg10: memref<4x80x64xf32, #tpu.memory_space<vmem>>, %arg11: memref<160x64xf32, #tpu.memory_space<vmem>>, %arg12: memref<10240x64xf32, #tpu.memory_space<vmem_shared>>, %arg13: memref<!tpu.dma_semaphore, #tpu.memory_space<semaphore_mem>>, %arg14: memref<!tpu.dma_semaphore, #tpu.memory_space<semaphore_mem>>, %arg15: memref<!tpu.dma_semaphore, #tpu.memory_space<semaphore_mem>>, %arg16: memref<!tpu.dma_semaphore, #tpu.memory_space<semaphore_mem>>, %arg17: memref<!tpu.dma_semaphore, #tpu.memory_space<semaphore_mem>>, %arg18: memref<!tpu.dma_semaphore, #tpu.memory_space<semaphore_mem>>, %arg19: memref<!tpu.dma_semaphore, #tpu.memory_space<semaphore_mem>>, %arg20: memref<!tpu.dma_semaphore, #tpu.memory_space<semaphore_mem>>) attributes {dimension_semantics = [#tpu.dimension_semantics<core_parallel>, #tpu.dimension_semantics<subcore_parallel>], iteration_bounds = array<i64: 2, 16>, scalar_prefetch = 0 : i64, scratch_operands = 13 : i64, tpu.core_type = #tpu.core_type<sc_vector_subcore>, window_params = [{transform_indices = #map}, {transform_indices = #map}, {transform_indices = #map1}, {transform_indices = #map1}, {transform_indices = #map1}, {transform_indices = #map1}]} {
    %mul3A = arith.constant 16 : i32
    %mul3A_0 = arith.muli %arg0, %mul3A : i32
    %add3A = arith.addi %mul3A_0, %arg1 : i32
    %scan3A = arith.constant 0 : i32
    %scan3A_1 = arith.constant 160 : i32
    %scan3A_2 = arith.addi %scan3A, %scan3A_1 : i32
    %scan3A_3 = arith.constant 1 : i32
    scf.for %scan3A_522 = %scan3A to %scan3A_2 step %scan3A_3  : i32 {
      %mul3A_523 = arith.constant 1 : i32
      %mul3A_524 = arith.muli %scan3A_522, %mul3A_523 : i32
      %add3A_525 = arith.constant 0 : i32
      %add3A_526 = arith.addi %add3A_525, %mul3A_524 : i32
      %scan3A_527 = arith.constant 0 : i32
      %scan3A_528 = arith.constant 4 : i32
      %scan3A_529 = arith.addi %scan3A_527, %scan3A_528 : i32
      %scan3A_530 = arith.constant 1 : i32
      scf.for %scan3A_532 = %scan3A_527 to %scan3A_529 step %scan3A_530  : i32 {
        %mul3A_533 = arith.constant 1 : i32
        %mul3A_534 = arith.muli %scan3A_532, %mul3A_533 : i32
        %add3A_535 = arith.constant 0 : i32
        %add3A_536 = arith.addi %add3A_535, %mul3A_534 : i32
        %broadcast_in_dim3A = arith.constant 0.000000e+00 : f32
        %broadcast_in_dim3A_537 = vector.broadcast %broadcast_in_dim3A : f32 to vector<16xf32>
        %mul3A_538 = arith.constant 16 : i32
        %mul3A_539 = arith.muli %add3A_536, %mul3A_538 : i32
        %swap3A = arith.index_cast %add3A_526 : i32 to index
        %swap3A_540 = arith.index_cast %mul3A_539 : i32 to index
        %swap3A_541 = tpu.vector_load %arg11[%swap3A, %swap3A_540] {strides = array<i32>} : memref<160x64xf32, #tpu.memory_space<vmem>>, vector<1x16xf32>,
        %swap3A_542 = vector.shape_cast %swap3A_541 : vector<1x16xf32> to vector<16xf32>
        %swap3A_543 = vector.shape_cast %broadcast_in_dim3A_537 : vector<16xf32> to vector<1x16xf32>
        tpu.vector_store %arg11[%swap3A, %swap3A_540], %swap3A_543 {strides = array<i32>} : memref<160x64xf32, #tpu.memory_space<vmem>>, vector<1x16xf32>,
      }
      %scan3A_531 = arith.constant 4 : i32
    }
    %scan3A_4 = arith.constant 160 : i32
    "tpu.region"() ({
      %run_scoped3A = tpu.sem_alloc : memref<!tpu.dma_semaphore, #tpu.memory_space<semaphore_mem>>
      %dma_start3A_522 = arith.constant 0 : i32
      %dma_start3A_523 = arith.constant 0 : i32
      %dma_start3A_524 = tpu.memref_slice %arg4[%add3A, %dma_start3A_522, %dma_start3A_523] : memref<32x125x80xi32, #tpu.memory_space<hbm>> -> memref<1x125x80xi32, #tpu.memory_space<hbm>>
      %dma_start3A_525 = tpu.memref_squeeze %dma_start3A_524 : memref<1x125x80xi32, #tpu.memory_space<hbm>> -> memref<125x80xi32, #tpu.memory_space<hbm>>
      %dma_start3A_526 = arith.constant 0 : i32
      %dma_start3A_527 = arith.constant 0 : i32
      %dma_start3A_528 = tpu.memref_slice %arg4[%add3A, %dma_start3A_526, %dma_start3A_527] : memref<32x125x80xi32, #tpu.memory_space<hbm>> -> memref<1x125x80xi32, #tpu.memory_space<hbm>>
      %dma_start3A_529 = tpu.memref_squeeze %dma_start3A_528 : memref<1x125x80xi32, #tpu.memory_space<hbm>> -> memref<125x80xi32, #tpu.memory_space<hbm>>
      tpu.enqueue_dma source(%dma_start3A_529 : memref<125x80xi32, #tpu.memory_space<hbm>>) target(%arg8 : memref<125x80xi32, #tpu.memory_space<vmem>>) target_semaphore(%run_scoped3A : memref<!tpu.dma_semaphore, #tpu.memory_space<semaphore_mem>>)
      %dma_wait3A_530 = arith.constant 0 : i32
      %dma_wait3A_531 = arith.constant 0 : i32
      %dma_wait3A_532 = tpu.memref_slice %arg4[%add3A, %dma_wait3A_530, %dma_wait3A_531] : memref<32x125x80xi32, #tpu.memory_space<hbm>> -> memref<1x125x80xi32, #tpu.memory_space<hbm>>
      %dma_wait3A_533 = tpu.memref_squeeze %dma_wait3A_532 : memref<1x125x80xi32, #tpu.memory_space<hbm>> -> memref<125x80xi32, #tpu.memory_space<hbm>>
      %dma_wait3A_534 = arith.constant 0 : i32
      %dma_wait3A_535 = arith.constant 0 : i32
      %dma_wait3A_536 = tpu.memref_slice %arg4[%add3A, %dma_wait3A_534, %dma_wait3A_535] : memref<32x125x80xi32, #tpu.memory_space<hbm>> -> memref<1x125x80xi32, #tpu.memory_space<hbm>>
      %dma_wait3A_537 = tpu.memref_squeeze %dma_wait3A_536 : memref<1x125x80xi32, #tpu.memory_space<hbm>> -> memref<125x80xi32, #tpu.memory_space<hbm>>
      tpu.wait_dma2 semaphore(%run_scoped3A : memref<!tpu.dma_semaphore, #tpu.memory_space<semaphore_mem>>) src(%dma_wait3A_537 : memref<125x80xi32, #tpu.memory_space<hbm>>) dst(%arg8 : memref<125x80xi32, #tpu.memory_space<vmem>>)
      tpu.yield
    }) : () -> ()
    "tpu.region"() ({
      %run_scoped3A = tpu.sem_alloc : memref<!tpu.dma_semaphore, #tpu.memory_space<semaphore_mem>>
      %dma_start3A_522 = arith.constant 0 : i32
      %dma_start3A_523 = arith.constant 0 : i32
      %dma_start3A_524 = tpu.memref_slice %arg5[%add3A, %dma_start3A_522, %dma_start3A_523] : memref<32x125x80xi32, #tpu.memory_space<hbm>> -> memref<1x125x80xi32, #tpu.memory_space<hbm>>
      %dma_start3A_525 = tpu.memref_squeeze %dma_start3A_524 : memref<1x125x80xi32, #tpu.memory_space<hbm>> -> memref<125x80xi32, #tpu.memory_space<hbm>>
      %dma_start3A_526 = arith.constant 0 : i32
      %dma_start3A_527 = arith.constant 0 : i32
      %dma_start3A_528 = tpu.memref_slice %arg5[%add3A, %dma_start3A_526, %dma_start3A_527] : memref<32x125x80xi32, #tpu.memory_space<hbm>> -> memref<1x125x80xi32, #tpu.memory_space<hbm>>
      %dma_start3A_529 = tpu.memref_squeeze %dma_start3A_528 : memref<1x125x80xi32, #tpu.memory_space<hbm>> -> memref<125x80xi32, #tpu.memory_space<hbm>>
      tpu.enqueue_dma source(%dma_start3A_529 : memref<125x80xi32, #tpu.memory_space<hbm>>) target(%arg9 : memref<125x80xi32, #tpu.memory_space<vmem>>) target_semaphore(%run_scoped3A : memref<!tpu.dma_semaphore, #tpu.memory_space<semaphore_mem>>)
      %dma_wait3A_530 = arith.constant 0 : i32
      %dma_wait3A_531 = arith.constant 0 : i32
      %dma_wait3A_532 = tpu.memref_slice %arg5[%add3A, %dma_wait3A_530, %dma_wait3A_531] : memref<32x125x80xi32, #tpu.memory_space<hbm>> -> memref<1x125x80xi32, #tpu.memory_space<hbm>>
      %dma_wait3A_533 = tpu.memref_squeeze %dma_wait3A_532 : memref<1x125x80xi32, #tpu.memory_space<hbm>> -> memref<125x80xi32, #tpu.memory_space<hbm>>
      %dma_wait3A_534 = arith.constant 0 : i32
      %dma_wait3A_535 = arith.constant 0 : i32
      %dma_wait3A_536 = tpu.memref_slice %arg5[%add3A, %dma_wait3A_534, %dma_wait3A_535] : memref<32x125x80xi32, #tpu.memory_space<hbm>> -> memref<1x125x80xi32, #tpu.memory_space<hbm>>
      %dma_wait3A_537 = tpu.memref_squeeze %dma_wait3A_536 : memref<1x125x80xi32, #tpu.memory_space<hbm>> -> memref<125x80xi32, #tpu.memory_space<hbm>>
      tpu.wait_dma2 semaphore(%run_scoped3A : memref<!tpu.dma_semaphore, #tpu.memory_space<semaphore_mem>>) src(%dma_wait3A_537 : memref<125x80xi32, #tpu.memory_space<hbm>>) dst(%arg9 : memref<125x80xi32, #tpu.memory_space<vmem>>)
      tpu.yield
    }) : () -> ()
    %scan3A_5 = arith.constant 0 : i32
    %scan3A_6 = arith.constant 4 : i32
    %scan3A_7 = arith.addi %scan3A_5, %scan3A_6 : i32
    %scan3A_8 = arith.constant 1 : i32
    scf.for %scan3A_522 = %scan3A_5 to %scan3A_7 step %scan3A_8  : i32 {
      %mul3A_523 = arith.constant 1 : i32
      %mul3A_524 = arith.muli %scan3A_522, %mul3A_523 : i32
      %add3A_525 = arith.constant 0 : i32
      %add3A_526 = arith.addi %add3A_525, %mul3A_524 : i32
      %mul3A_527 = arith.constant 640 : i32
      %mul3A_528 = arith.muli %arg1, %mul3A_527 : i32
      %mul3A_529 = arith.constant 160 : i32
      %mul3A_530 = arith.muli %add3A_526, %mul3A_529 : i32
      %add3A_531 = arith.addi %mul3A_528, %mul3A_530 : i32
      "tpu.region"() ({
        %run_scoped3A = tpu.sem_alloc : memref<!tpu.dma_semaphore, #tpu.memory_space<semaphore_mem>>
        %dma_start3A_532 = arith.constant 0 : i32
        %dma_start3A_533 = tpu.memref_slice %arg12[%add3A_531, %dma_start3A_532] : memref<10240x64xf32, #tpu.memory_space<vmem_shared>> -> memref<160x64xf32, #tpu.memory_space<vmem_shared>>
        %dma_start3A_534 = arith.constant 0 : i32
        %dma_start3A_535 = tpu.memref_slice %arg12[%add3A_531, %dma_start3A_534] : memref<10240x64xf32, #tpu.memory_space<vmem_shared>> -> memref<160x64xf32, #tpu.memory_space<vmem_shared>>
        tpu.enqueue_dma source(%arg11 : memref<160x64xf32, #tpu.memory_space<vmem>>) target(%dma_start3A_535 : memref<160x64xf32, #tpu.memory_space<vmem_shared>>) target_semaphore(%run_scoped3A : memref<!tpu.dma_semaphore, #tpu.memory_space<semaphore_mem>>)
        %dma_wait3A_536 = arith.constant 0 : i32
        %dma_wait3A_537 = tpu.memref_slice %arg12[%add3A_531, %dma_wait3A_536] : memref<10240x64xf32, #tpu.memory_space<vmem_shared>> -> memref<160x64xf32, #tpu.memory_space<vmem_shared>>
        %dma_wait3A_538 = arith.constant 0 : i32
        %dma_wait3A_539 = tpu.memref_slice %arg12[%add3A_531, %dma_wait3A_538] : memref<10240x64xf32, #tpu.memory_space<vmem_shared>> -> memref<160x64xf32, #tpu.memory_space<vmem_shared>>
        tpu.wait_dma2 semaphore(%run_scoped3A : memref<!tpu.dma_semaphore, #tpu.memory_space<semaphore_mem>>) src(%arg11 : memref<160x64xf32, #tpu.memory_space<vmem>>) dst(%dma_wait3A_539 : memref<160x64xf32, #tpu.memory_space<vmem_shared>>)
        tpu.yield
      }) : () -> ()
    }
    %scan3A_9 = arith.constant 4 : i32
    %barrier3A = arith.constant 0 : index
    tpu.barrier barrier_id(%barrier3A)
    %dma_start3A = arith.constant 0 : i32
    %dma_start3A_10 = arith.constant 0 : i32
    %dma_start3A_11 = arith.constant 0 : i32
    %dma_start3A_12 = arith.constant 0 : i32
    %dma_start3A_13 = tpu.memref_slice %arg10[%dma_start3A_10, %dma_start3A_11, %dma_start3A_12] : memref<4x80x64xf32, #tpu.memory_space<vmem>> -> memref<1x80x64xf32, #tpu.memory_space<vmem>>
    %dma_start3A_14 = tpu.memref_squeeze %dma_start3A_13 : memref<1x80x64xf32, #tpu.memory_space<vmem>> -> memref<80x64xf32, #tpu.memory_space<vmem>>
    %dma_start3A_15 = arith.constant 0 : i32
    %dma_start3A_16 = tpu.memref_slice %arg8[%dma_start3A, %dma_start3A_15] : memref<125x80xi32, #tpu.memory_space<vmem>> -> memref<1x80xi32, #tpu.memory_space<vmem>>
    %dma_start3A_17 = tpu.memref_squeeze %dma_start3A_16 : memref<1x80xi32, #tpu.memory_space<vmem>> -> memref<80xi32, #tpu.memory_space<vmem>>
    %dma_start3A_18 = arith.constant 0 : i32
    %dma_start3A_19 = arith.constant 0 : i32
    %dma_start3A_20 = tpu.memref_slice %arg2[%dma_start3A_18, %dma_start3A_19] : memref<10000x64xf32, #tpu.memory_space<hbm>> -> memref<10000x64xf32, #tpu.memory_space<hbm>>
    tpu.enqueue_indirect_dma source(%dma_start3A_20 : memref<10000x64xf32, #tpu.memory_space<hbm>>) target(%dma_start3A_14 : memref<80x64xf32, #tpu.memory_space<vmem>>) offsets(%dma_start3A_17 : memref<80xi32, #tpu.memory_space<vmem>>) semaphore(%arg13 : memref<!tpu.dma_semaphore, #tpu.memory_space<semaphore_mem>>)
    %dma_start3A_21 = arith.constant 1 : i32
    %dma_start3A_22 = arith.constant 1 : i32
    %dma_start3A_23 = arith.constant 0 : i32
    %dma_start3A_24 = arith.constant 0 : i32
    %dma_start3A_25 = tpu.memref_slice %arg10[%dma_start3A_22, %dma_start3A_23, %dma_start3A_24] : memref<4x80x64xf32, #tpu.memory_space<vmem>> -> memref<1x80x64xf32, #tpu.memory_space<vmem>>
    %dma_start3A_26 = tpu.memref_squeeze %dma_start3A_25 : memref<1x80x64xf32, #tpu.memory_space<vmem>> -> memref<80x64xf32, #tpu.memory_space<vmem>>
    %dma_start3A_27 = arith.constant 0 : i32
    %dma_start3A_28 = tpu.memref_slice %arg8[%dma_start3A_21, %dma_start3A_27] : memref<125x80xi32, #tpu.memory_space<vmem>> -> memref<1x80xi32, #tpu.memory_space<vmem>>
    %dma_start3A_29 = tpu.memref_squeeze %dma_start3A_28 : memref<1x80xi32, #tpu.memory_space<vmem>> -> memref<80xi32, #tpu.memory_space<vmem>>
    %dma_start3A_30 = arith.constant 0 : i32
    %dma_start3A_31 = arith.constant 0 : i32
    %dma_start3A_32 = tpu.memref_slice %arg2[%dma_start3A_30, %dma_start3A_31] : memref<10000x64xf32, #tpu.memory_space<hbm>> -> memref<10000x64xf32, #tpu.memory_space<hbm>>
    tpu.enqueue_indirect_dma source(%dma_start3A_32 : memref<10000x64xf32, #tpu.memory_space<hbm>>) target(%dma_start3A_26 : memref<80x64xf32, #tpu.memory_space<vmem>>) offsets(%dma_start3A_29 : memref<80xi32, #tpu.memory_space<vmem>>) semaphore(%arg14 : memref<!tpu.dma_semaphore, #tpu.memory_space<semaphore_mem>>)
    %dma_start3A_33 = arith.constant 2 : i32
    %dma_start3A_34 = arith.constant 2 : i32
    %dma_start3A_35 = arith.constant 0 : i32
    %dma_start3A_36 = arith.constant 0 : i32
    %dma_start3A_37 = tpu.memref_slice %arg10[%dma_start3A_34, %dma_start3A_35, %dma_start3A_36] : memref<4x80x64xf32, #tpu.memory_space<vmem>> -> memref<1x80x64xf32, #tpu.memory_space<vmem>>
    %dma_start3A_38 = tpu.memref_squeeze %dma_start3A_37 : memref<1x80x64xf32, #tpu.memory_space<vmem>> -> memref<80x64xf32, #tpu.memory_space<vmem>>
    %dma_start3A_39 = arith.constant 0 : i32
    %dma_start3A_40 = tpu.memref_slice %arg8[%dma_start3A_33, %dma_start3A_39] : memref<125x80xi32, #tpu.memory_space<vmem>> -> memref<1x80xi32, #tpu.memory_space<vmem>>
    %dma_start3A_41 = tpu.memref_squeeze %dma_start3A_40 : memref<1x80xi32, #tpu.memory_space<vmem>> -> memref<80xi32, #tpu.memory_space<vmem>>
    %dma_start3A_42 = arith.constant 0 : i32
    %dma_start3A_43 = arith.constant 0 : i32
    %dma_start3A_44 = tpu.memref_slice %arg2[%dma_start3A_42, %dma_start3A_43] : memref<10000x64xf32, #tpu.memory_space<hbm>> -> memref<10000x64xf32, #tpu.memory_space<hbm>>
    tpu.enqueue_indirect_dma source(%dma_start3A_44 : memref<10000x64xf32, #tpu.memory_space<hbm>>) target(%dma_start3A_38 : memref<80x64xf32, #tpu.memory_space<vmem>>) offsets(%dma_start3A_41 : memref<80xi32, #tpu.memory_space<vmem>>) semaphore(%arg15 : memref<!tpu.dma_semaphore, #tpu.memory_space<semaphore_mem>>)
    %dma_wait3A = arith.constant 0 : i32
    %dma_wait3A_45 = arith.constant 0 : i32
    %dma_wait3A_46 = arith.constant 0 : i32
    %dma_wait3A_47 = arith.constant 0 : i32
    %dma_wait3A_48 = tpu.memref_slice %arg10[%dma_wait3A_45, %dma_wait3A_46, %dma_wait3A_47] : memref<4x80x64xf32, #tpu.memory_space<vmem>> -> memref<1x80x64xf32, #tpu.memory_space<vmem>>
    %dma_wait3A_49 = tpu.memref_squeeze %dma_wait3A_48 : memref<1x80x64xf32, #tpu.memory_space<vmem>> -> memref<80x64xf32, #tpu.memory_space<vmem>>
    %dma_wait3A_50 = arith.constant 0 : i32
    %dma_wait3A_51 = tpu.memref_slice %arg8[%dma_wait3A, %dma_wait3A_50] : memref<125x80xi32, #tpu.memory_space<vmem>> -> memref<1x80xi32, #tpu.memory_space<vmem>>
    %dma_wait3A_52 = tpu.memref_squeeze %dma_wait3A_51 : memref<1x80xi32, #tpu.memory_space<vmem>> -> memref<80xi32, #tpu.memory_space<vmem>>
    %dma_wait3A_53 = arith.constant 0 : i32
    %dma_wait3A_54 = arith.constant 0 : i32
    %dma_wait3A_55 = tpu.memref_slice %arg2[%dma_wait3A_53, %dma_wait3A_54] : memref<10000x64xf32, #tpu.memory_space<hbm>> -> memref<10000x64xf32, #tpu.memory_space<hbm>>
    tpu.wait_indirect_dma semaphore(%arg13 : memref<!tpu.dma_semaphore, #tpu.memory_space<semaphore_mem>>) src(%dma_wait3A_55 : memref<10000x64xf32, #tpu.memory_space<hbm>>) dst(%dma_wait3A_49 : memref<80x64xf32, #tpu.memory_space<vmem>>)
    %dma_start3A_56 = arith.constant 0 : i32
    %dma_start3A_57 = arith.constant 0 : i32
    %dma_start3A_58 = arith.constant 0 : i32
    %dma_start3A_59 = arith.constant 0 : i32
    %dma_start3A_60 = tpu.memref_slice %arg10[%dma_start3A_56, %dma_start3A_58, %dma_start3A_59] : memref<4x80x64xf32, #tpu.memory_space<vmem>> -> memref<1x80x64xf32, #tpu.memory_space<vmem>>
    %dma_start3A_61 = tpu.memref_squeeze %dma_start3A_60 : memref<1x80x64xf32, #tpu.memory_space<vmem>> -> memref<80x64xf32, #tpu.memory_space<vmem>>
    %dma_start3A_62 = arith.constant 0 : i32
    %dma_start3A_63 = tpu.memref_slice %arg9[%dma_start3A_57, %dma_start3A_62] : memref<125x80xi32, #tpu.memory_space<vmem>> -> memref<1x80xi32, #tpu.memory_space<vmem>>
    %dma_start3A_64 = tpu.memref_squeeze %dma_start3A_63 : memref<1x80xi32, #tpu.memory_space<vmem>> -> memref<80xi32, #tpu.memory_space<vmem>>
    %dma_start3A_65 = arith.constant 0 : i32
    %dma_start3A_66 = arith.constant 0 : i32
    %dma_start3A_67 = tpu.memref_slice %arg12[%dma_start3A_65, %dma_start3A_66] : memref<10240x64xf32, #tpu.memory_space<vmem_shared>> -> memref<10240x64xf32, #tpu.memory_space<vmem_shared>>
    tpu.enqueue_indirect_dma source(%dma_start3A_61 : memref<80x64xf32, #tpu.memory_space<vmem>>) target(%dma_start3A_67 : memref<10240x64xf32, #tpu.memory_space<vmem_shared>>) offsets(%dma_start3A_64 : memref<80xi32, #tpu.memory_space<vmem>>) semaphore(%arg17 : memref<!tpu.dma_semaphore, #tpu.memory_space<semaphore_mem>>) {add = true}
    %dma_start3A_68 = arith.constant 3 : i32
    %dma_start3A_69 = arith.constant 3 : i32
    %dma_start3A_70 = arith.constant 0 : i32
    %dma_start3A_71 = arith.constant 0 : i32
    %dma_start3A_72 = tpu.memref_slice %arg10[%dma_start3A_69, %dma_start3A_70, %dma_start3A_71] : memref<4x80x64xf32, #tpu.memory_space<vmem>> -> memref<1x80x64xf32, #tpu.memory_space<vmem>>
    %dma_start3A_73 = tpu.memref_squeeze %dma_start3A_72 : memref<1x80x64xf32, #tpu.memory_space<vmem>> -> memref<80x64xf32, #tpu.memory_space<vmem>>
    %dma_start3A_74 = arith.constant 0 : i32
    %dma_start3A_75 = tpu.memref_slice %arg8[%dma_start3A_68, %dma_start3A_74] : memref<125x80xi32, #tpu.memory_space<vmem>> -> memref<1x80xi32, #tpu.memory_space<vmem>>
    %dma_start3A_76 = tpu.memref_squeeze %dma_start3A_75 : memref<1x80xi32, #tpu.memory_space<vmem>> -> memref<80xi32, #tpu.memory_space<vmem>>
    %dma_start3A_77 = arith.constant 0 : i32
    %dma_start3A_78 = arith.constant 0 : i32
    %dma_start3A_79 = tpu.memref_slice %arg2[%dma_start3A_77, %dma_start3A_78] : memref<10000x64xf32, #tpu.memory_space<hbm>> -> memref<10000x64xf32, #tpu.memory_space<hbm>>
    tpu.enqueue_indirect_dma source(%dma_start3A_79 : memref<10000x64xf32, #tpu.memory_space<hbm>>) target(%dma_start3A_73 : memref<80x64xf32, #tpu.memory_space<vmem>>) offsets(%dma_start3A_76 : memref<80xi32, #tpu.memory_space<vmem>>) semaphore(%arg16 : memref<!tpu.dma_semaphore, #tpu.memory_space<semaphore_mem>>)
    %scan3A_80 = arith.constant 0 : i32
    %scan3A_81 = arith.constant 30 : i32
    %scan3A_82 = arith.addi %scan3A_80, %scan3A_81 : i32
    %scan3A_83 = arith.constant 1 : i32
    scf.for %scan3A_522 = %scan3A_80 to %scan3A_82 step %scan3A_83  : i32 {
      %mul3A_523 = arith.constant 4 : i32
      %mul3A_524 = arith.muli %scan3A_522, %mul3A_523 : i32
      %add3A_525 = arith.constant 1 : i32
      %add3A_526 = arith.addi %add3A_525, %mul3A_524 : i32
      %add3A_527 = arith.constant 0 : i32
      %add3A_528 = arith.addi %add3A_526, %add3A_527 : i32
      %dma_wait3A_529 = arith.constant 1 : i32
      %dma_wait3A_530 = arith.constant 0 : i32
      %dma_wait3A_531 = arith.constant 0 : i32
      %dma_wait3A_532 = tpu.memref_slice %arg10[%dma_wait3A_529, %dma_wait3A_530, %dma_wait3A_531] : memref<4x80x64xf32, #tpu.memory_space<vmem>> -> memref<1x80x64xf32, #tpu.memory_space<vmem>>
      %dma_wait3A_533 = tpu.memref_squeeze %dma_wait3A_532 : memref<1x80x64xf32, #tpu.memory_space<vmem>> -> memref<80x64xf32, #tpu.memory_space<vmem>>
      %dma_wait3A_534 = arith.constant 0 : i32
      %dma_wait3A_535 = tpu.memref_slice %arg8[%add3A_528, %dma_wait3A_534] : memref<125x80xi32, #tpu.memory_space<vmem>> -> memref<1x80xi32, #tpu.memory_space<vmem>>
      %dma_wait3A_536 = tpu.memref_squeeze %dma_wait3A_535 : memref<1x80xi32, #tpu.memory_space<vmem>> -> memref<80xi32, #tpu.memory_space<vmem>>
      %dma_wait3A_537 = arith.constant 0 : i32
      %dma_wait3A_538 = arith.constant 0 : i32
      %dma_wait3A_539 = tpu.memref_slice %arg2[%dma_wait3A_537, %dma_wait3A_538] : memref<10000x64xf32, #tpu.memory_space<hbm>> -> memref<10000x64xf32, #tpu.memory_space<hbm>>
      tpu.wait_indirect_dma semaphore(%arg14 : memref<!tpu.dma_semaphore, #tpu.memory_space<semaphore_mem>>) src(%dma_wait3A_539 : memref<10000x64xf32, #tpu.memory_space<hbm>>) dst(%dma_wait3A_533 : memref<80x64xf32, #tpu.memory_space<vmem>>)
      %dma_start3A_540 = arith.constant 1 : i32
      %dma_start3A_541 = arith.constant 0 : i32
      %dma_start3A_542 = arith.constant 0 : i32
      %dma_start3A_543 = tpu.memref_slice %arg10[%dma_start3A_540, %dma_start3A_541, %dma_start3A_542] : memref<4x80x64xf32, #tpu.memory_space<vmem>> -> memref<1x80x64xf32, #tpu.memory_space<vmem>>
      %dma_start3A_544 = tpu.memref_squeeze %dma_start3A_543 : memref<1x80x64xf32, #tpu.memory_space<vmem>> -> memref<80x64xf32, #tpu.memory_space<vmem>>
      %dma_start3A_545 = arith.constant 0 : i32
      %dma_start3A_546 = tpu.memref_slice %arg9[%add3A_528, %dma_start3A_545] : memref<125x80xi32, #tpu.memory_space<vmem>> -> memref<1x80xi32, #tpu.memory_space<vmem>>
      %dma_start3A_547 = tpu.memref_squeeze %dma_start3A_546 : memref<1x80xi32, #tpu.memory_space<vmem>> -> memref<80xi32, #tpu.memory_space<vmem>>
      %dma_start3A_548 = arith.constant 0 : i32
      %dma_start3A_549 = arith.constant 0 : i32
      %dma_start3A_550 = tpu.memref_slice %arg12[%dma_start3A_548, %dma_start3A_549] : memref<10240x64xf32, #tpu.memory_space<vmem_shared>> -> memref<10240x64xf32, #tpu.memory_space<vmem_shared>>
      tpu.enqueue_indirect_dma source(%dma_start3A_544 : memref<80x64xf32, #tpu.memory_space<vmem>>) target(%dma_start3A_550 : memref<10240x64xf32, #tpu.memory_space<vmem_shared>>) offsets(%dma_start3A_547 : memref<80xi32, #tpu.memory_space<vmem>>) semaphore(%arg18 : memref<!tpu.dma_semaphore, #tpu.memory_space<semaphore_mem>>) {add = true}
      %sub3A = arith.constant 1 : i32
      %sub3A_551 = arith.subi %add3A_528, %sub3A : i32
      %dma_wait3A_552 = arith.constant 0 : i32
      %dma_wait3A_553 = arith.constant 0 : i32
      %dma_wait3A_554 = arith.constant 0 : i32
      %dma_wait3A_555 = tpu.memref_slice %arg10[%dma_wait3A_552, %dma_wait3A_553, %dma_wait3A_554] : memref<4x80x64xf32, #tpu.memory_space<vmem>> -> memref<1x80x64xf32, #tpu.memory_space<vmem>>
      %dma_wait3A_556 = tpu.memref_squeeze %dma_wait3A_555 : memref<1x80x64xf32, #tpu.memory_space<vmem>> -> memref<80x64xf32, #tpu.memory_space<vmem>>
      %dma_wait3A_557 = arith.constant 0 : i32
      %dma_wait3A_558 = tpu.memref_slice %arg9[%sub3A_551, %dma_wait3A_557] : memref<125x80xi32, #tpu.memory_space<vmem>> -> memref<1x80xi32, #tpu.memory_space<vmem>>
      %dma_wait3A_559 = tpu.memref_squeeze %dma_wait3A_558 : memref<1x80xi32, #tpu.memory_space<vmem>> -> memref<80xi32, #tpu.memory_space<vmem>>
      %dma_wait3A_560 = arith.constant 0 : i32
      %dma_wait3A_561 = arith.constant 0 : i32
      %dma_wait3A_562 = tpu.memref_slice %arg12[%dma_wait3A_560, %dma_wait3A_561] : memref<10240x64xf32, #tpu.memory_space<vmem_shared>> -> memref<10240x64xf32, #tpu.memory_space<vmem_shared>>
      tpu.wait_indirect_dma semaphore(%arg17 : memref<!tpu.dma_semaphore, #tpu.memory_space<semaphore_mem>>) src(%dma_wait3A_556 : memref<80x64xf32, #tpu.memory_space<vmem>>) dst(%dma_wait3A_562 : memref<10240x64xf32, #tpu.memory_space<vmem_shared>>)
      %add3A_563 = arith.constant 3 : i32
      %add3A_564 = arith.addi %add3A_528, %add3A_563 : i32
      %dma_start3A_565 = arith.constant 0 : i32
      %dma_start3A_566 = arith.constant 0 : i32
      %dma_start3A_567 = arith.constant 0 : i32
      %dma_start3A_568 = tpu.memref_slice %arg10[%dma_start3A_565, %dma_start3A_566, %dma_start3A_567] : memref<4x80x64xf32, #tpu.memory_space<vmem>> -> memref<1x80x64xf32, #tpu.memory_space<vmem>>
      %dma_start3A_569 = tpu.memref_squeeze %dma_start3A_568 : memref<1x80x64xf32, #tpu.memory_space<vmem>> -> memref<80x64xf32, #tpu.memory_space<vmem>>
      %dma_start3A_570 = arith.constant 0 : i32
      %dma_start3A_571 = tpu.memref_slice %arg8[%add3A_564, %dma_start3A_570] : memref<125x80xi32, #tpu.memory_space<vmem>> -> memref<1x80xi32, #tpu.memory_space<vmem>>
      %dma_start3A_572 = tpu.memref_squeeze %dma_start3A_571 : memref<1x80xi32, #tpu.memory_space<vmem>> -> memref<80xi32, #tpu.memory_space<vmem>>
      %dma_start3A_573 = arith.constant 0 : i32
      %dma_start3A_574 = arith.constant 0 : i32
      %dma_start3A_575 = tpu.memref_slice %arg2[%dma_start3A_573, %dma_start3A_574] : memref<10000x64xf32, #tpu.memory_space<hbm>> -> memref<10000x64xf32, #tpu.memory_space<hbm>>
      tpu.enqueue_indirect_dma source(%dma_start3A_575 : memref<10000x64xf32, #tpu.memory_space<hbm>>) target(%dma_start3A_569 : memref<80x64xf32, #tpu.memory_space<vmem>>) offsets(%dma_start3A_572 : memref<80xi32, #tpu.memory_space<vmem>>) semaphore(%arg13 : memref<!tpu.dma_semaphore, #tpu.memory_space<semaphore_mem>>)
      %add3A_576 = arith.constant 1 : i32
      %add3A_577 = arith.addi %add3A_526, %add3A_576 : i32
      %dma_wait3A_578 = arith.constant 2 : i32
      %dma_wait3A_579 = arith.constant 0 : i32
      %dma_wait3A_580 = arith.constant 0 : i32
      %dma_wait3A_581 = tpu.memref_slice %arg10[%dma_wait3A_578, %dma_wait3A_579, %dma_wait3A_580] : memref<4x80x64xf32, #tpu.memory_space<vmem>> -> memref<1x80x64xf32, #tpu.memory_space<vmem>>
      %dma_wait3A_582 = tpu.memref_squeeze %dma_wait3A_581 : memref<1x80x64xf32, #tpu.memory_space<vmem>> -> memref<80x64xf32, #tpu.memory_space<vmem>>
      %dma_wait3A_583 = arith.constant 0 : i32
      %dma_wait3A_584 = tpu.memref_slice %arg8[%add3A_577, %dma_wait3A_583] : memref<125x80xi32, #tpu.memory_space<vmem>> -> memref<1x80xi32, #tpu.memory_space<vmem>>
      %dma_wait3A_585 = tpu.memref_squeeze %dma_wait3A_584 : memref<1x80xi32, #tpu.memory_space<vmem>> -> memref<80xi32, #tpu.memory_space<vmem>>
      %dma_wait3A_586 = arith.constant 0 : i32
      %dma_wait3A_587 = arith.constant 0 : i32
      %dma_wait3A_588 = tpu.memref_slice %arg2[%dma_wait3A_586, %dma_wait3A_587] : memref<10000x64xf32, #tpu.memory_space<hbm>> -> memref<10000x64xf32, #tpu.memory_space<hbm>>
      tpu.wait_indirect_dma semaphore(%arg15 : memref<!tpu.dma_semaphore, #tpu.memory_space<semaphore_mem>>) src(%dma_wait3A_588 : memref<10000x64xf32, #tpu.memory_space<hbm>>) dst(%dma_wait3A_582 : memref<80x64xf32, #tpu.memory_space<vmem>>)
      %dma_start3A_589 = arith.constant 2 : i32
      %dma_start3A_590 = arith.constant 0 : i32
      %dma_start3A_591 = arith.constant 0 : i32
      %dma_start3A_592 = tpu.memref_slice %arg10[%dma_start3A_589, %dma_start3A_590, %dma_start3A_591] : memref<4x80x64xf32, #tpu.memory_space<vmem>> -> memref<1x80x64xf32, #tpu.memory_space<vmem>>
      %dma_start3A_593 = tpu.memref_squeeze %dma_start3A_592 : memref<1x80x64xf32, #tpu.memory_space<vmem>> -> memref<80x64xf32, #tpu.memory_space<vmem>>
      %dma_start3A_594 = arith.constant 0 : i32
      %dma_start3A_595 = tpu.memref_slice %arg9[%add3A_577, %dma_start3A_594] : memref<125x80xi32, #tpu.memory_space<vmem>> -> memref<1x80xi32, #tpu.memory_space<vmem>>
      %dma_start3A_596 = tpu.memref_squeeze %dma_start3A_595 : memref<1x80xi32, #tpu.memory_space<vmem>> -> memref<80xi32, #tpu.memory_space<vmem>>
      %dma_start3A_597 = arith.constant 0 : i32
      %dma_start3A_598 = arith.constant 0 : i32
      %dma_start3A_599 = tpu.memref_slice %arg12[%dma_start3A_597, %dma_start3A_598] : memref<10240x64xf32, #tpu.memory_space<vmem_shared>> -> memref<10240x64xf32, #tpu.memory_space<vmem_shared>>
      tpu.enqueue_indirect_dma source(%dma_start3A_593 : memref<80x64xf32, #tpu.memory_space<vmem>>) target(%dma_start3A_599 : memref<10240x64xf32, #tpu.memory_space<vmem_shared>>) offsets(%dma_start3A_596 : memref<80xi32, #tpu.memory_space<vmem>>) semaphore(%arg19 : memref<!tpu.dma_semaphore, #tpu.memory_space<semaphore_mem>>) {add = true}
      %sub3A_600 = arith.constant 1 : i32
      %sub3A_601 = arith.subi %add3A_577, %sub3A_600 : i32
      %dma_wait3A_602 = arith.constant 1 : i32
      %dma_wait3A_603 = arith.constant 0 : i32
      %dma_wait3A_604 = arith.constant 0 : i32
      %dma_wait3A_605 = tpu.memref_slice %arg10[%dma_wait3A_602, %dma_wait3A_603, %dma_wait3A_604] : memref<4x80x64xf32, #tpu.memory_space<vmem>> -> memref<1x80x64xf32, #tpu.memory_space<vmem>>
      %dma_wait3A_606 = tpu.memref_squeeze %dma_wait3A_605 : memref<1x80x64xf32, #tpu.memory_space<vmem>> -> memref<80x64xf32, #tpu.memory_space<vmem>>
      %dma_wait3A_607 = arith.constant 0 : i32
      %dma_wait3A_608 = tpu.memref_slice %arg9[%sub3A_601, %dma_wait3A_607] : memref<125x80xi32, #tpu.memory_space<vmem>> -> memref<1x80xi32, #tpu.memory_space<vmem>>
      %dma_wait3A_609 = tpu.memref_squeeze %dma_wait3A_608 : memref<1x80xi32, #tpu.memory_space<vmem>> -> memref<80xi32, #tpu.memory_space<vmem>>
      %dma_wait3A_610 = arith.constant 0 : i32
      %dma_wait3A_611 = arith.constant 0 : i32
      %dma_wait3A_612 = tpu.memref_slice %arg12[%dma_wait3A_610, %dma_wait3A_611] : memref<10240x64xf32, #tpu.memory_space<vmem_shared>> -> memref<10240x64xf32, #tpu.memory_space<vmem_shared>>
      tpu.wait_indirect_dma semaphore(%arg18 : memref<!tpu.dma_semaphore, #tpu.memory_space<semaphore_mem>>) src(%dma_wait3A_606 : memref<80x64xf32, #tpu.memory_space<vmem>>) dst(%dma_wait3A_612 : memref<10240x64xf32, #tpu.memory_space<vmem_shared>>)
      %add3A_613 = arith.constant 3 : i32
      %add3A_614 = arith.addi %add3A_577, %add3A_613 : i32
      %dma_start3A_615 = arith.constant 1 : i32
      %dma_start3A_616 = arith.constant 0 : i32
      %dma_start3A_617 = arith.constant 0 : i32
      %dma_start3A_618 = tpu.memref_slice %arg10[%dma_start3A_615, %dma_start3A_616, %dma_start3A_617] : memref<4x80x64xf32, #tpu.memory_space<vmem>> -> memref<1x80x64xf32, #tpu.memory_space<vmem>>
      %dma_start3A_619 = tpu.memref_squeeze %dma_start3A_618 : memref<1x80x64xf32, #tpu.memory_space<vmem>> -> memref<80x64xf32, #tpu.memory_space<vmem>>
      %dma_start3A_620 = arith.constant 0 : i32
      %dma_start3A_621 = tpu.memref_slice %arg8[%add3A_614, %dma_start3A_620] : memref<125x80xi32, #tpu.memory_space<vmem>> -> memref<1x80xi32, #tpu.memory_space<vmem>>
      %dma_start3A_622 = tpu.memref_squeeze %dma_start3A_621 : memref<1x80xi32, #tpu.memory_space<vmem>> -> memref<80xi32, #tpu.memory_space<vmem>>
      %dma_start3A_623 = arith.constant 0 : i32
      %dma_start3A_624 = arith.constant 0 : i32
      %dma_start3A_625 = tpu.memref_slice %arg2[%dma_start3A_623, %dma_start3A_624] : memref<10000x64xf32, #tpu.memory_space<hbm>> -> memref<10000x64xf32, #tpu.memory_space<hbm>>
      tpu.enqueue_indirect_dma source(%dma_start3A_625 : memref<10000x64xf32, #tpu.memory_space<hbm>>) target(%dma_start3A_619 : memref<80x64xf32, #tpu.memory_space<vmem>>) offsets(%dma_start3A_622 : memref<80xi32, #tpu.memory_space<vmem>>) semaphore(%arg14 : memref<!tpu.dma_semaphore, #tpu.memory_space<semaphore_mem>>)
      %add3A_626 = arith.constant 2 : i32
      %add3A_627 = arith.addi %add3A_526, %add3A_626 : i32
      %dma_wait3A_628 = arith.constant 3 : i32
      %dma_wait3A_629 = arith.constant 0 : i32
      %dma_wait3A_630 = arith.constant 0 : i32
      %dma_wait3A_631 = tpu.memref_slice %arg10[%dma_wait3A_628, %dma_wait3A_629, %dma_wait3A_630] : memref<4x80x64xf32, #tpu.memory_space<vmem>> -> memref<1x80x64xf32, #tpu.memory_space<vmem>>
      %dma_wait3A_632 = tpu.memref_squeeze %dma_wait3A_631 : memref<1x80x64xf32, #tpu.memory_space<vmem>> -> memref<80x64xf32, #tpu.memory_space<vmem>>
      %dma_wait3A_633 = arith.constant 0 : i32
      %dma_wait3A_634 = tpu.memref_slice %arg8[%add3A_627, %dma_wait3A_633] : memref<125x80xi32, #tpu.memory_space<vmem>> -> memref<1x80xi32, #tpu.memory_space<vmem>>
      %dma_wait3A_635 = tpu.memref_squeeze %dma_wait3A_634 : memref<1x80xi32, #tpu.memory_space<vmem>> -> memref<80xi32, #tpu.memory_space<vmem>>
      %dma_wait3A_636 = arith.constant 0 : i32
      %dma_wait3A_637 = arith.constant 0 : i32
      %dma_wait3A_638 = tpu.memref_slice %arg2[%dma_wait3A_636, %dma_wait3A_637] : memref<10000x64xf32, #tpu.memory_space<hbm>> -> memref<10000x64xf32, #tpu.memory_space<hbm>>
      tpu.wait_indirect_dma semaphore(%arg16 : memref<!tpu.dma_semaphore, #tpu.memory_space<semaphore_mem>>) src(%dma_wait3A_638 : memref<10000x64xf32, #tpu.memory_space<hbm>>) dst(%dma_wait3A_632 : memref<80x64xf32, #tpu.memory_space<vmem>>)
      %dma_start3A_639 = arith.constant 3 : i32
      %dma_start3A_640 = arith.constant 0 : i32
      %dma_start3A_641 = arith.constant 0 : i32
      %dma_start3A_642 = tpu.memref_slice %arg10[%dma_start3A_639, %dma_start3A_640, %dma_start3A_641] : memref<4x80x64xf32, #tpu.memory_space<vmem>> -> memref<1x80x64xf32, #tpu.memory_space<vmem>>
      %dma_start3A_643 = tpu.memref_squeeze %dma_start3A_642 : memref<1x80x64xf32, #tpu.memory_space<vmem>> -> memref<80x64xf32, #tpu.memory_space<vmem>>
      %dma_start3A_644 = arith.constant 0 : i32
      %dma_start3A_645 = tpu.memref_slice %arg9[%add3A_627, %dma_start3A_644] : memref<125x80xi32, #tpu.memory_space<vmem>> -> memref<1x80xi32, #tpu.memory_space<vmem>>
      %dma_start3A_646 = tpu.memref_squeeze %dma_start3A_645 : memref<1x80xi32, #tpu.memory_space<vmem>> -> memref<80xi32, #tpu.memory_space<vmem>>
      %dma_start3A_647 = arith.constant 0 : i32
      %dma_start3A_648 = arith.constant 0 : i32
      %dma_start3A_649 = tpu.memref_slice %arg12[%dma_start3A_647, %dma_start3A_648] : memref<10240x64xf32, #tpu.memory_space<vmem_shared>> -> memref<10240x64xf32, #tpu.memory_space<vmem_shared>>
      tpu.enqueue_indirect_dma source(%dma_start3A_643 : memref<80x64xf32, #tpu.memory_space<vmem>>) target(%dma_start3A_649 : memref<10240x64xf32, #tpu.memory_space<vmem_shared>>) offsets(%dma_start3A_646 : memref<80xi32, #tpu.memory_space<vmem>>) semaphore(%arg20 : memref<!tpu.dma_semaphore, #tpu.memory_space<semaphore_mem>>) {add = true}
      %sub3A_650 = arith.constant 1 : i32
      %sub3A_651 = arith.subi %add3A_627, %sub3A_650 : i32
      %dma_wait3A_652 = arith.constant 2 : i32
      %dma_wait3A_653 = arith.constant 0 : i32
      %dma_wait3A_654 = arith.constant 0 : i32
      %dma_wait3A_655 = tpu.memref_slice %arg10[%dma_wait3A_652, %dma_wait3A_653, %dma_wait3A_654] : memref<4x80x64xf32, #tpu.memory_space<vmem>> -> memref<1x80x64xf32, #tpu.memory_space<vmem>>
      %dma_wait3A_656 = tpu.memref_squeeze %dma_wait3A_655 : memref<1x80x64xf32, #tpu.memory_space<vmem>> -> memref<80x64xf32, #tpu.memory_space<vmem>>
      %dma_wait3A_657 = arith.constant 0 : i32
      %dma_wait3A_658 = tpu.memref_slice %arg9[%sub3A_651, %dma_wait3A_657] : memref<125x80xi32, #tpu.memory_space<vmem>> -> memref<1x80xi32, #tpu.memory_space<vmem>>
      %dma_wait3A_659 = tpu.memref_squeeze %dma_wait3A_658 : memref<1x80xi32, #tpu.memory_space<vmem>> -> memref<80xi32, #tpu.memory_space<vmem>>
      %dma_wait3A_660 = arith.constant 0 : i32
      %dma_wait3A_661 = arith.constant 0 : i32
      %dma_wait3A_662 = tpu.memref_slice %arg12[%dma_wait3A_660, %dma_wait3A_661] : memref<10240x64xf32, #tpu.memory_space<vmem_shared>> -> memref<10240x64xf32, #tpu.memory_space<vmem_shared>>
      tpu.wait_indirect_dma semaphore(%arg19 : memref<!tpu.dma_semaphore, #tpu.memory_space<semaphore_mem>>) src(%dma_wait3A_656 : memref<80x64xf32, #tpu.memory_space<vmem>>) dst(%dma_wait3A_662 : memref<10240x64xf32, #tpu.memory_space<vmem_shared>>)
      %add3A_663 = arith.constant 3 : i32
      %add3A_664 = arith.addi %add3A_627, %add3A_663 : i32
      %dma_start3A_665 = arith.constant 2 : i32
      %dma_start3A_666 = arith.constant 0 : i32
      %dma_start3A_667 = arith.constant 0 : i32
      %dma_start3A_668 = tpu.memref_slice %arg10[%dma_start3A_665, %dma_start3A_666, %dma_start3A_667] : memref<4x80x64xf32, #tpu.memory_space<vmem>> -> memref<1x80x64xf32, #tpu.memory_space<vmem>>
      %dma_start3A_669 = tpu.memref_squeeze %dma_start3A_668 : memref<1x80x64xf32, #tpu.memory_space<vmem>> -> memref<80x64xf32, #tpu.memory_space<vmem>>
      %dma_start3A_670 = arith.constant 0 : i32
      %dma_start3A_671 = tpu.memref_slice %arg8[%add3A_664, %dma_start3A_670] : memref<125x80xi32, #tpu.memory_space<vmem>> -> memref<1x80xi32, #tpu.memory_space<vmem>>
      %dma_start3A_672 = tpu.memref_squeeze %dma_start3A_671 : memref<1x80xi32, #tpu.memory_space<vmem>> -> memref<80xi32, #tpu.memory_space<vmem>>
      %dma_start3A_673 = arith.constant 0 : i32
      %dma_start3A_674 = arith.constant 0 : i32
      %dma_start3A_675 = tpu.memref_slice %arg2[%dma_start3A_673, %dma_start3A_674] : memref<10000x64xf32, #tpu.memory_space<hbm>> -> memref<10000x64xf32, #tpu.memory_space<hbm>>
      tpu.enqueue_indirect_dma source(%dma_start3A_675 : memref<10000x64xf32, #tpu.memory_space<hbm>>) target(%dma_start3A_669 : memref<80x64xf32, #tpu.memory_space<vmem>>) offsets(%dma_start3A_672 : memref<80xi32, #tpu.memory_space<vmem>>) semaphore(%arg15 : memref<!tpu.dma_semaphore, #tpu.memory_space<semaphore_mem>>)
      %add3A_676 = arith.constant 3 : i32
      %add3A_677 = arith.addi %add3A_526, %add3A_676 : i32
      %dma_wait3A_678 = arith.constant 0 : i32
      %dma_wait3A_679 = arith.constant 0 : i32
      %dma_wait3A_680 = arith.constant 0 : i32
      %dma_wait3A_681 = tpu.memref_slice %arg10[%dma_wait3A_678, %dma_wait3A_679, %dma_wait3A_680] : memref<4x80x64xf32, #tpu.memory_space<vmem>> -> memref<1x80x64xf32, #tpu.memory_space<vmem>>
      %dma_wait3A_682 = tpu.memref_squeeze %dma_wait3A_681 : memref<1x80x64xf32, #tpu.memory_space<vmem>> -> memref<80x64xf32, #tpu.memory_space<vmem>>
      %dma_wait3A_683 = arith.constant 0 : i32
      %dma_wait3A_684 = tpu.memref_slice %arg8[%add3A_677, %dma_wait3A_683] : memref<125x80xi32, #tpu.memory_space<vmem>> -> memref<1x80xi32, #tpu.memory_space<vmem>>
      %dma_wait3A_685 = tpu.memref_squeeze %dma_wait3A_684 : memref<1x80xi32, #tpu.memory_space<vmem>> -> memref<80xi32, #tpu.memory_space<vmem>>
      %dma_wait3A_686 = arith.constant 0 : i32
      %dma_wait3A_687 = arith.constant 0 : i32
      %dma_wait3A_688 = tpu.memref_slice %arg2[%dma_wait3A_686, %dma_wait3A_687] : memref<10000x64xf32, #tpu.memory_space<hbm>> -> memref<10000x64xf32, #tpu.memory_space<hbm>>
      tpu.wait_indirect_dma semaphore(%arg13 : memref<!tpu.dma_semaphore, #tpu.memory_space<semaphore_mem>>) src(%dma_wait3A_688 : memref<10000x64xf32, #tpu.memory_space<hbm>>) dst(%dma_wait3A_682 : memref<80x64xf32, #tpu.memory_space<vmem>>)
      %dma_start3A_689 = arith.constant 0 : i32
      %dma_start3A_690 = arith.constant 0 : i32
      %dma_start3A_691 = arith.constant 0 : i32
      %dma_start3A_692 = tpu.memref_slice %arg10[%dma_start3A_689, %dma_start3A_690, %dma_start3A_691] : memref<4x80x64xf32, #tpu.memory_space<vmem>> -> memref<1x80x64xf32, #tpu.memory_space<vmem>>
      %dma_start3A_693 = tpu.memref_squeeze %dma_start3A_692 : memref<1x80x64xf32, #tpu.memory_space<vmem>> -> memref<80x64xf32, #tpu.memory_space<vmem>>
      %dma_start3A_694 = arith.constant 0 : i32
      %dma_start3A_695 = tpu.memref_slice %arg9[%add3A_677, %dma_start3A_694] : memref<125x80xi32, #tpu.memory_space<vmem>> -> memref<1x80xi32, #tpu.memory_space<vmem>>
      %dma_start3A_696 = tpu.memref_squeeze %dma_start3A_695 : memref<1x80xi32, #tpu.memory_space<vmem>> -> memref<80xi32, #tpu.memory_space<vmem>>
      %dma_start3A_697 = arith.constant 0 : i32
      %dma_start3A_698 = arith.constant 0 : i32
      %dma_start3A_699 = tpu.memref_slice %arg12[%dma_start3A_697, %dma_start3A_698] : memref<10240x64xf32, #tpu.memory_space<vmem_shared>> -> memref<10240x64xf32, #tpu.memory_space<vmem_shared>>
      tpu.enqueue_indirect_dma source(%dma_start3A_693 : memref<80x64xf32, #tpu.memory_space<vmem>>) target(%dma_start3A_699 : memref<10240x64xf32, #tpu.memory_space<vmem_shared>>) offsets(%dma_start3A_696 : memref<80xi32, #tpu.memory_space<vmem>>) semaphore(%arg17 : memref<!tpu.dma_semaphore, #tpu.memory_space<semaphore_mem>>) {add = true}
      %sub3A_700 = arith.constant 1 : i32
      %sub3A_701 = arith.subi %add3A_677, %sub3A_700 : i32
      %dma_wait3A_702 = arith.constant 3 : i32
      %dma_wait3A_703 = arith.constant 0 : i32
      %dma_wait3A_704 = arith.constant 0 : i32
      %dma_wait3A_705 = tpu.memref_slice %arg10[%dma_wait3A_702, %dma_wait3A_703, %dma_wait3A_704] : memref<4x80x64xf32, #tpu.memory_space<vmem>> -> memref<1x80x64xf32, #tpu.memory_space<vmem>>
      %dma_wait3A_706 = tpu.memref_squeeze %dma_wait3A_705 : memref<1x80x64xf32, #tpu.memory_space<vmem>> -> memref<80x64xf32, #tpu.memory_space<vmem>>
      %dma_wait3A_707 = arith.constant 0 : i32
      %dma_wait3A_708 = tpu.memref_slice %arg9[%sub3A_701, %dma_wait3A_707] : memref<125x80xi32, #tpu.memory_space<vmem>> -> memref<1x80xi32, #tpu.memory_space<vmem>>
      %dma_wait3A_709 = tpu.memref_squeeze %dma_wait3A_708 : memref<1x80xi32, #tpu.memory_space<vmem>> -> memref<80xi32, #tpu.memory_space<vmem>>
      %dma_wait3A_710 = arith.constant 0 : i32
      %dma_wait3A_711 = arith.constant 0 : i32
      %dma_wait3A_712 = tpu.memref_slice %arg12[%dma_wait3A_710, %dma_wait3A_711] : memref<10240x64xf32, #tpu.memory_space<vmem_shared>> -> memref<10240x64xf32, #tpu.memory_space<vmem_shared>>
      tpu.wait_indirect_dma semaphore(%arg20 : memref<!tpu.dma_semaphore, #tpu.memory_space<semaphore_mem>>) src(%dma_wait3A_706 : memref<80x64xf32, #tpu.memory_space<vmem>>) dst(%dma_wait3A_712 : memref<10240x64xf32, #tpu.memory_space<vmem_shared>>)
      %add3A_713 = arith.constant 3 : i32
      %add3A_714 = arith.addi %add3A_677, %add3A_713 : i32
      %dma_start3A_715 = arith.constant 3 : i32
      %dma_start3A_716 = arith.constant 0 : i32
      %dma_start3A_717 = arith.constant 0 : i32
      %dma_start3A_718 = tpu.memref_slice %arg10[%dma_start3A_715, %dma_start3A_716, %dma_start3A_717] : memref<4x80x64xf32, #tpu.memory_space<vmem>> -> memref<1x80x64xf32, #tpu.memory_space<vmem>>
      %dma_start3A_719 = tpu.memref_squeeze %dma_start3A_718 : memref<1x80x64xf32, #tpu.memory_space<vmem>> -> memref<80x64xf32, #tpu.memory_space<vmem>>
      %dma_start3A_720 = arith.constant 0 : i32
      %dma_start3A_721 = tpu.memref_slice %arg8[%add3A_714, %dma_start3A_720] : memref<125x80xi32, #tpu.memory_space<vmem>> -> memref<1x80xi32, #tpu.memory_space<vmem>>
      %dma_start3A_722 = tpu.memref_squeeze %dma_start3A_721 : memref<1x80xi32, #tpu.memory_space<vmem>> -> memref<80xi32, #tpu.memory_space<vmem>>
      %dma_start3A_723 = arith.constant 0 : i32
      %dma_start3A_724 = arith.constant 0 : i32
      %dma_start3A_725 = tpu.memref_slice %arg2[%dma_start3A_723, %dma_start3A_724] : memref<10000x64xf32, #tpu.memory_space<hbm>> -> memref<10000x64xf32, #tpu.memory_space<hbm>>
      tpu.enqueue_indirect_dma source(%dma_start3A_725 : memref<10000x64xf32, #tpu.memory_space<hbm>>) target(%dma_start3A_719 : memref<80x64xf32, #tpu.memory_space<vmem>>) offsets(%dma_start3A_722 : memref<80xi32, #tpu.memory_space<vmem>>) semaphore(%arg16 : memref<!tpu.dma_semaphore, #tpu.memory_space<semaphore_mem>>)
    }
    %scan3A_84 = arith.constant 30 : i32
    %dma_wait3A_85 = arith.constant 121 : i32
    %dma_wait3A_86 = arith.constant 1 : i32
    %dma_wait3A_87 = arith.constant 0 : i32
    %dma_wait3A_88 = arith.constant 0 : i32
    %dma_wait3A_89 = tpu.memref_slice %arg10[%dma_wait3A_86, %dma_wait3A_87, %dma_wait3A_88] : memref<4x80x64xf32, #tpu.memory_space<vmem>> -> memref<1x80x64xf32, #tpu.memory_space<vmem>>
    %dma_wait3A_90 = tpu.memref_squeeze %dma_wait3A_89 : memref<1x80x64xf32, #tpu.memory_space<vmem>> -> memref<80x64xf32, #tpu.memory_space<vmem>>
    %dma_wait3A_91 = arith.constant 0 : i32
    %dma_wait3A_92 = tpu.memref_slice %arg8[%dma_wait3A_85, %dma_wait3A_91] : memref<125x80xi32, #tpu.memory_space<vmem>> -> memref<1x80xi32, #tpu.memory_space<vmem>>
    %dma_wait3A_93 = tpu.memref_squeeze %dma_wait3A_92 : memref<1x80xi32, #tpu.memory_space<vmem>> -> memref<80xi32, #tpu.memory_space<vmem>>
    %dma_wait3A_94 = arith.constant 0 : i32
    %dma_wait3A_95 = arith.constant 0 : i32
    %dma_wait3A_96 = tpu.memref_slice %arg2[%dma_wait3A_94, %dma_wait3A_95] : memref<10000x64xf32, #tpu.memory_space<hbm>> -> memref<10000x64xf32, #tpu.memory_space<hbm>>
    tpu.wait_indirect_dma semaphore(%arg14 : memref<!tpu.dma_semaphore, #tpu.memory_space<semaphore_mem>>) src(%dma_wait3A_96 : memref<10000x64xf32, #tpu.memory_space<hbm>>) dst(%dma_wait3A_90 : memref<80x64xf32, #tpu.memory_space<vmem>>)
    %dma_start3A_97 = arith.constant 1 : i32
    %dma_start3A_98 = arith.constant 121 : i32
    %dma_start3A_99 = arith.constant 0 : i32
    %dma_start3A_100 = arith.constant 0 : i32
    %dma_start3A_101 = tpu.memref_slice %arg10[%dma_start3A_97, %dma_start3A_99, %dma_start3A_100] : memref<4x80x64xf32, #tpu.memory_space<vmem>> -> memref<1x80x64xf32, #tpu.memory_space<vmem>>
    %dma_start3A_102 = tpu.memref_squeeze %dma_start3A_101 : memref<1x80x64xf32, #tpu.memory_space<vmem>> -> memref<80x64xf32, #tpu.memory_space<vmem>>
    %dma_start3A_103 = arith.constant 0 : i32
    %dma_start3A_104 = tpu.memref_slice %arg9[%dma_start3A_98, %dma_start3A_103] : memref<125x80xi32, #tpu.memory_space<vmem>> -> memref<1x80xi32, #tpu.memory_space<vmem>>
    %dma_start3A_105 = tpu.memref_squeeze %dma_start3A_104 : memref<1x80xi32, #tpu.memory_space<vmem>> -> memref<80xi32, #tpu.memory_space<vmem>>
    %dma_start3A_106 = arith.constant 0 : i32
    %dma_start3A_107 = arith.constant 0 : i32
    %dma_start3A_108 = tpu.memref_slice %arg12[%dma_start3A_106, %dma_start3A_107] : memref<10240x64xf32, #tpu.memory_space<vmem_shared>> -> memref<10240x64xf32, #tpu.memory_space<vmem_shared>>
    tpu.enqueue_indirect_dma source(%dma_start3A_102 : memref<80x64xf32, #tpu.memory_space<vmem>>) target(%dma_start3A_108 : memref<10240x64xf32, #tpu.memory_space<vmem_shared>>) offsets(%dma_start3A_105 : memref<80xi32, #tpu.memory_space<vmem>>) semaphore(%arg18 : memref<!tpu.dma_semaphore, #tpu.memory_space<semaphore_mem>>) {add = true}
    %dma_wait3A_109 = arith.constant 0 : i32
    %dma_wait3A_110 = arith.constant 120 : i32
    %dma_wait3A_111 = arith.constant 0 : i32
    %dma_wait3A_112 = arith.constant 0 : i32
    %dma_wait3A_113 = tpu.memref_slice %arg10[%dma_wait3A_109, %dma_wait3A_111, %dma_wait3A_112] : memref<4x80x64xf32, #tpu.memory_space<vmem>> -> memref<1x80x64xf32, #tpu.memory_space<vmem>>
    %dma_wait3A_114 = tpu.memref_squeeze %dma_wait3A_113 : memref<1x80x64xf32, #tpu.memory_space<vmem>> -> memref<80x64xf32, #tpu.memory_space<vmem>>
    %dma_wait3A_115 = arith.constant 0 : i32
    %dma_wait3A_116 = tpu.memref_slice %arg9[%dma_wait3A_110, %dma_wait3A_115] : memref<125x80xi32, #tpu.memory_space<vmem>> -> memref<1x80xi32, #tpu.memory_space<vmem>>
    %dma_wait3A_117 = tpu.memref_squeeze %dma_wait3A_116 : memref<1x80xi32, #tpu.memory_space<vmem>> -> memref<80xi32, #tpu.memory_space<vmem>>
    %dma_wait3A_118 = arith.constant 0 : i32
    %dma_wait3A_119 = arith.constant 0 : i32
    %dma_wait3A_120 = tpu.memref_slice %arg12[%dma_wait3A_118, %dma_wait3A_119] : memref<10240x64xf32, #tpu.memory_space<vmem_shared>> -> memref<10240x64xf32, #tpu.memory_space<vmem_shared>>
    tpu.wait_indirect_dma semaphore(%arg17 : memref<!tpu.dma_semaphore, #tpu.memory_space<semaphore_mem>>) src(%dma_wait3A_114 : memref<80x64xf32, #tpu.memory_space<vmem>>) dst(%dma_wait3A_120 : memref<10240x64xf32, #tpu.memory_space<vmem_shared>>)
    %dma_start3A_121 = arith.constant 124 : i32
    %dma_start3A_122 = arith.constant 0 : i32
    %dma_start3A_123 = arith.constant 0 : i32
    %dma_start3A_124 = arith.constant 0 : i32
    %dma_start3A_125 = tpu.memref_slice %arg10[%dma_start3A_122, %dma_start3A_123, %dma_start3A_124] : memref<4x80x64xf32, #tpu.memory_space<vmem>> -> memref<1x80x64xf32, #tpu.memory_space<vmem>>
    %dma_start3A_126 = tpu.memref_squeeze %dma_start3A_125 : memref<1x80x64xf32, #tpu.memory_space<vmem>> -> memref<80x64xf32, #tpu.memory_space<vmem>>
    %dma_start3A_127 = arith.constant 0 : i32
    %dma_start3A_128 = tpu.memref_slice %arg8[%dma_start3A_121, %dma_start3A_127] : memref<125x80xi32, #tpu.memory_space<vmem>> -> memref<1x80xi32, #tpu.memory_space<vmem>>
    %dma_start3A_129 = tpu.memref_squeeze %dma_start3A_128 : memref<1x80xi32, #tpu.memory_space<vmem>> -> memref<80xi32, #tpu.memory_space<vmem>>
    %dma_start3A_130 = arith.constant 0 : i32
    %dma_start3A_131 = arith.constant 0 : i32
    %dma_start3A_132 = tpu.memref_slice %arg2[%dma_start3A_130, %dma_start3A_131] : memref<10000x64xf32, #tpu.memory_space<hbm>> -> memref<10000x64xf32, #tpu.memory_space<hbm>>
    tpu.enqueue_indirect_dma source(%dma_start3A_132 : memref<10000x64xf32, #tpu.memory_space<hbm>>) target(%dma_start3A_126 : memref<80x64xf32, #tpu.memory_space<vmem>>) offsets(%dma_start3A_129 : memref<80xi32, #tpu.memory_space<vmem>>) semaphore(%arg13 : memref<!tpu.dma_semaphore, #tpu.memory_space<semaphore_mem>>)
    %dma_wait3A_133 = arith.constant 122 : i32
    %dma_wait3A_134 = arith.constant 2 : i32
    %dma_wait3A_135 = arith.constant 0 : i32
    %dma_wait3A_136 = arith.constant 0 : i32
    %dma_wait3A_137 = tpu.memref_slice %arg10[%dma_wait3A_134, %dma_wait3A_135, %dma_wait3A_136] : memref<4x80x64xf32, #tpu.memory_space<vmem>> -> memref<1x80x64xf32, #tpu.memory_space<vmem>>
    %dma_wait3A_138 = tpu.memref_squeeze %dma_wait3A_137 : memref<1x80x64xf32, #tpu.memory_space<vmem>> -> memref<80x64xf32, #tpu.memory_space<vmem>>
    %dma_wait3A_139 = arith.constant 0 : i32
    %dma_wait3A_140 = tpu.memref_slice %arg8[%dma_wait3A_133, %dma_wait3A_139] : memref<125x80xi32, #tpu.memory_space<vmem>> -> memref<1x80xi32, #tpu.memory_space<vmem>>
    %dma_wait3A_141 = tpu.memref_squeeze %dma_wait3A_140 : memref<1x80xi32, #tpu.memory_space<vmem>> -> memref<80xi32, #tpu.memory_space<vmem>>
    %dma_wait3A_142 = arith.constant 0 : i32
    %dma_wait3A_143 = arith.constant 0 : i32
    %dma_wait3A_144 = tpu.memref_slice %arg2[%dma_wait3A_142, %dma_wait3A_143] : memref<10000x64xf32, #tpu.memory_space<hbm>> -> memref<10000x64xf32, #tpu.memory_space<hbm>>
    tpu.wait_indirect_dma semaphore(%arg15 : memref<!tpu.dma_semaphore, #tpu.memory_space<semaphore_mem>>) src(%dma_wait3A_144 : memref<10000x64xf32, #tpu.memory_space<hbm>>) dst(%dma_wait3A_138 : memref<80x64xf32, #tpu.memory_space<vmem>>)
    %dma_start3A_145 = arith.constant 2 : i32
    %dma_start3A_146 = arith.constant 122 : i32
    %dma_start3A_147 = arith.constant 0 : i32
    %dma_start3A_148 = arith.constant 0 : i32
    %dma_start3A_149 = tpu.memref_slice %arg10[%dma_start3A_145, %dma_start3A_147, %dma_start3A_148] : memref<4x80x64xf32, #tpu.memory_space<vmem>> -> memref<1x80x64xf32, #tpu.memory_space<vmem>>
    %dma_start3A_150 = tpu.memref_squeeze %dma_start3A_149 : memref<1x80x64xf32, #tpu.memory_space<vmem>> -> memref<80x64xf32, #tpu.memory_space<vmem>>
    %dma_start3A_151 = arith.constant 0 : i32
    %dma_start3A_152 = tpu.memref_slice %arg9[%dma_start3A_146, %dma_start3A_151] : memref<125x80xi32, #tpu.memory_space<vmem>> -> memref<1x80xi32, #tpu.memory_space<vmem>>
    %dma_start3A_153 = tpu.memref_squeeze %dma_start3A_152 : memref<1x80xi32, #tpu.memory_space<vmem>> -> memref<80xi32, #tpu.memory_space<vmem>>
    %dma_start3A_154 = arith.constant 0 : i32
    %dma_start3A_155 = arith.constant 0 : i32
    %dma_start3A_156 = tpu.memref_slice %arg12[%dma_start3A_154, %dma_start3A_155] : memref<10240x64xf32, #tpu.memory_space<vmem_shared>> -> memref<10240x64xf32, #tpu.memory_space<vmem_shared>>
    tpu.enqueue_indirect_dma source(%dma_start3A_150 : memref<80x64xf32, #tpu.memory_space<vmem>>) target(%dma_start3A_156 : memref<10240x64xf32, #tpu.memory_space<vmem_shared>>) offsets(%dma_start3A_153 : memref<80xi32, #tpu.memory_space<vmem>>) semaphore(%arg19 : memref<!tpu.dma_semaphore, #tpu.memory_space<semaphore_mem>>) {add = true}
    %dma_wait3A_157 = arith.constant 1 : i32
    %dma_wait3A_158 = arith.constant 121 : i32
    %dma_wait3A_159 = arith.constant 0 : i32
    %dma_wait3A_160 = arith.constant 0 : i32
    %dma_wait3A_161 = tpu.memref_slice %arg10[%dma_wait3A_157, %dma_wait3A_159, %dma_wait3A_160] : memref<4x80x64xf32, #tpu.memory_space<vmem>> -> memref<1x80x64xf32, #tpu.memory_space<vmem>>
    %dma_wait3A_162 = tpu.memref_squeeze %dma_wait3A_161 : memref<1x80x64xf32, #tpu.memory_space<vmem>> -> memref<80x64xf32, #tpu.memory_space<vmem>>
    %dma_wait3A_163 = arith.constant 0 : i32
    %dma_wait3A_164 = tpu.memref_slice %arg9[%dma_wait3A_158, %dma_wait3A_163] : memref<125x80xi32, #tpu.memory_space<vmem>> -> memref<1x80xi32, #tpu.memory_space<vmem>>
    %dma_wait3A_165 = tpu.memref_squeeze %dma_wait3A_164 : memref<1x80xi32, #tpu.memory_space<vmem>> -> memref<80xi32, #tpu.memory_space<vmem>>
    %dma_wait3A_166 = arith.constant 0 : i32
    %dma_wait3A_167 = arith.constant 0 : i32
    %dma_wait3A_168 = tpu.memref_slice %arg12[%dma_wait3A_166, %dma_wait3A_167] : memref<10240x64xf32, #tpu.memory_space<vmem_shared>> -> memref<10240x64xf32, #tpu.memory_space<vmem_shared>>
    tpu.wait_indirect_dma semaphore(%arg18 : memref<!tpu.dma_semaphore, #tpu.memory_space<semaphore_mem>>) src(%dma_wait3A_162 : memref<80x64xf32, #tpu.memory_space<vmem>>) dst(%dma_wait3A_168 : memref<10240x64xf32, #tpu.memory_space<vmem_shared>>)
    %dma_wait3A_169 = arith.constant 123 : i32
    %dma_wait3A_170 = arith.constant 3 : i32
    %dma_wait3A_171 = arith.constant 0 : i32
    %dma_wait3A_172 = arith.constant 0 : i32
    %dma_wait3A_173 = tpu.memref_slice %arg10[%dma_wait3A_170, %dma_wait3A_171, %dma_wait3A_172] : memref<4x80x64xf32, #tpu.memory_space<vmem>> -> memref<1x80x64xf32, #tpu.memory_space<vmem>>
    %dma_wait3A_174 = tpu.memref_squeeze %dma_wait3A_173 : memref<1x80x64xf32, #tpu.memory_space<vmem>> -> memref<80x64xf32, #tpu.memory_space<vmem>>
    %dma_wait3A_175 = arith.constant 0 : i32
    %dma_wait3A_176 = tpu.memref_slice %arg8[%dma_wait3A_169, %dma_wait3A_175] : memref<125x80xi32, #tpu.memory_space<vmem>> -> memref<1x80xi32, #tpu.memory_space<vmem>>
    %dma_wait3A_177 = tpu.memref_squeeze %dma_wait3A_176 : memref<1x80xi32, #tpu.memory_space<vmem>> -> memref<80xi32, #tpu.memory_space<vmem>>
    %dma_wait3A_178 = arith.constant 0 : i32
    %dma_wait3A_179 = arith.constant 0 : i32
    %dma_wait3A_180 = tpu.memref_slice %arg2[%dma_wait3A_178, %dma_wait3A_179] : memref<10000x64xf32, #tpu.memory_space<hbm>> -> memref<10000x64xf32, #tpu.memory_space<hbm>>
    tpu.wait_indirect_dma semaphore(%arg16 : memref<!tpu.dma_semaphore, #tpu.memory_space<semaphore_mem>>) src(%dma_wait3A_180 : memref<10000x64xf32, #tpu.memory_space<hbm>>) dst(%dma_wait3A_174 : memref<80x64xf32, #tpu.memory_space<vmem>>)
    %dma_start3A_181 = arith.constant 3 : i32
    %dma_start3A_182 = arith.constant 123 : i32
    %dma_start3A_183 = arith.constant 0 : i32
    %dma_start3A_184 = arith.constant 0 : i32
    %dma_start3A_185 = tpu.memref_slice %arg10[%dma_start3A_181, %dma_start3A_183, %dma_start3A_184] : memref<4x80x64xf32, #tpu.memory_space<vmem>> -> memref<1x80x64xf32, #tpu.memory_space<vmem>>
    %dma_start3A_186 = tpu.memref_squeeze %dma_start3A_185 : memref<1x80x64xf32, #tpu.memory_space<vmem>> -> memref<80x64xf32, #tpu.memory_space<vmem>>
    %dma_start3A_187 = arith.constant 0 : i32
    %dma_start3A_188 = tpu.memref_slice %arg9[%dma_start3A_182, %dma_start3A_187] : memref<125x80xi32, #tpu.memory_space<vmem>> -> memref<1x80xi32, #tpu.memory_space<vmem>>
    %dma_start3A_189 = tpu.memref_squeeze %dma_start3A_188 : memref<1x80xi32, #tpu.memory_space<vmem>> -> memref<80xi32, #tpu.memory_space<vmem>>
    %dma_start3A_190 = arith.constant 0 : i32
    %dma_start3A_191 = arith.constant 0 : i32
    %dma_start3A_192 = tpu.memref_slice %arg12[%dma_start3A_190, %dma_start3A_191] : memref<10240x64xf32, #tpu.memory_space<vmem_shared>> -> memref<10240x64xf32, #tpu.memory_space<vmem_shared>>
    tpu.enqueue_indirect_dma source(%dma_start3A_186 : memref<80x64xf32, #tpu.memory_space<vmem>>) target(%dma_start3A_192 : memref<10240x64xf32, #tpu.memory_space<vmem_shared>>) offsets(%dma_start3A_189 : memref<80xi32, #tpu.memory_space<vmem>>) semaphore(%arg20 : memref<!tpu.dma_semaphore, #tpu.memory_space<semaphore_mem>>) {add = true}
    %dma_wait3A_193 = arith.constant 2 : i32
    %dma_wait3A_194 = arith.constant 122 : i32
    %dma_wait3A_195 = arith.constant 0 : i32
    %dma_wait3A_196 = arith.constant 0 : i32
    %dma_wait3A_197 = tpu.memref_slice %arg10[%dma_wait3A_193, %dma_wait3A_195, %dma_wait3A_196] : memref<4x80x64xf32, #tpu.memory_space<vmem>> -> memref<1x80x64xf32, #tpu.memory_space<vmem>>
    %dma_wait3A_198 = tpu.memref_squeeze %dma_wait3A_197 : memref<1x80x64xf32, #tpu.memory_space<vmem>> -> memref<80x64xf32, #tpu.memory_space<vmem>>
    %dma_wait3A_199 = arith.constant 0 : i32
    %dma_wait3A_200 = tpu.memref_slice %arg9[%dma_wait3A_194, %dma_wait3A_199] : memref<125x80xi32, #tpu.memory_space<vmem>> -> memref<1x80xi32, #tpu.memory_space<vmem>>
    %dma_wait3A_201 = tpu.memref_squeeze %dma_wait3A_200 : memref<1x80xi32, #tpu.memory_space<vmem>> -> memref<80xi32, #tpu.memory_space<vmem>>
    %dma_wait3A_202 = arith.constant 0 : i32
    %dma_wait3A_203 = arith.constant 0 : i32
    %dma_wait3A_204 = tpu.memref_slice %arg12[%dma_wait3A_202, %dma_wait3A_203] : memref<10240x64xf32, #tpu.memory_space<vmem_shared>> -> memref<10240x64xf32, #tpu.memory_space<vmem_shared>>
    tpu.wait_indirect_dma semaphore(%arg19 : memref<!tpu.dma_semaphore, #tpu.memory_space<semaphore_mem>>) src(%dma_wait3A_198 : memref<80x64xf32, #tpu.memory_space<vmem>>) dst(%dma_wait3A_204 : memref<10240x64xf32, #tpu.memory_space<vmem_shared>>)
    %dma_wait3A_205 = arith.constant 124 : i32
    %dma_wait3A_206 = arith.constant 0 : i32
    %dma_wait3A_207 = arith.constant 0 : i32
    %dma_wait3A_208 = arith.constant 0 : i32
    %dma_wait3A_209 = tpu.memref_slice %arg10[%dma_wait3A_206, %dma_wait3A_207, %dma_wait3A_208] : memref<4x80x64xf32, #tpu.memory_space<vmem>> -> memref<1x80x64xf32, #tpu.memory_space<vmem>>
    %dma_wait3A_210 = tpu.memref_squeeze %dma_wait3A_209 : memref<1x80x64xf32, #tpu.memory_space<vmem>> -> memref<80x64xf32, #tpu.memory_space<vmem>>
    %dma_wait3A_211 = arith.constant 0 : i32
    %dma_wait3A_212 = tpu.memref_slice %arg8[%dma_wait3A_205, %dma_wait3A_211] : memref<125x80xi32, #tpu.memory_space<vmem>> -> memref<1x80xi32, #tpu.memory_space<vmem>>
    %dma_wait3A_213 = tpu.memref_squeeze %dma_wait3A_212 : memref<1x80xi32, #tpu.memory_space<vmem>> -> memref<80xi32, #tpu.memory_space<vmem>>
    %dma_wait3A_214 = arith.constant 0 : i32
    %dma_wait3A_215 = arith.constant 0 : i32
    %dma_wait3A_216 = tpu.memref_slice %arg2[%dma_wait3A_214, %dma_wait3A_215] : memref<10000x64xf32, #tpu.memory_space<hbm>> -> memref<10000x64xf32, #tpu.memory_space<hbm>>
    tpu.wait_indirect_dma semaphore(%arg13 : memref<!tpu.dma_semaphore, #tpu.memory_space<semaphore_mem>>) src(%dma_wait3A_216 : memref<10000x64xf32, #tpu.memory_space<hbm>>) dst(%dma_wait3A_210 : memref<80x64xf32, #tpu.memory_space<vmem>>)
    %dma_start3A_217 = arith.constant 0 : i32
    %dma_start3A_218 = arith.constant 124 : i32
    %dma_start3A_219 = arith.constant 0 : i32
    %dma_start3A_220 = arith.constant 0 : i32
    %dma_start3A_221 = tpu.memref_slice %arg10[%dma_start3A_217, %dma_start3A_219, %dma_start3A_220] : memref<4x80x64xf32, #tpu.memory_space<vmem>> -> memref<1x80x64xf32, #tpu.memory_space<vmem>>
    %dma_start3A_222 = tpu.memref_squeeze %dma_start3A_221 : memref<1x80x64xf32, #tpu.memory_space<vmem>> -> memref<80x64xf32, #tpu.memory_space<vmem>>
    %dma_start3A_223 = arith.constant 0 : i32
    %dma_start3A_224 = tpu.memref_slice %arg9[%dma_start3A_218, %dma_start3A_223] : memref<125x80xi32, #tpu.memory_space<vmem>> -> memref<1x80xi32, #tpu.memory_space<vmem>>
    %dma_start3A_225 = tpu.memref_squeeze %dma_start3A_224 : memref<1x80xi32, #tpu.memory_space<vmem>> -> memref<80xi32, #tpu.memory_space<vmem>>
    %dma_start3A_226 = arith.constant 0 : i32
    %dma_start3A_227 = arith.constant 0 : i32
    %dma_start3A_228 = tpu.memref_slice %arg12[%dma_start3A_226, %dma_start3A_227] : memref<10240x64xf32, #tpu.memory_space<vmem_shared>> -> memref<10240x64xf32, #tpu.memory_space<vmem_shared>>
    tpu.enqueue_indirect_dma source(%dma_start3A_222 : memref<80x64xf32, #tpu.memory_space<vmem>>) target(%dma_start3A_228 : memref<10240x64xf32, #tpu.memory_space<vmem_shared>>) offsets(%dma_start3A_225 : memref<80xi32, #tpu.memory_space<vmem>>) semaphore(%arg17 : memref<!tpu.dma_semaphore, #tpu.memory_space<semaphore_mem>>) {add = true}
    %dma_wait3A_229 = arith.constant 3 : i32
    %dma_wait3A_230 = arith.constant 123 : i32
    %dma_wait3A_231 = arith.constant 0 : i32
    %dma_wait3A_232 = arith.constant 0 : i32
    %dma_wait3A_233 = tpu.memref_slice %arg10[%dma_wait3A_229, %dma_wait3A_231, %dma_wait3A_232] : memref<4x80x64xf32, #tpu.memory_space<vmem>> -> memref<1x80x64xf32, #tpu.memory_space<vmem>>
    %dma_wait3A_234 = tpu.memref_squeeze %dma_wait3A_233 : memref<1x80x64xf32, #tpu.memory_space<vmem>> -> memref<80x64xf32, #tpu.memory_space<vmem>>
    %dma_wait3A_235 = arith.constant 0 : i32
    %dma_wait3A_236 = tpu.memref_slice %arg9[%dma_wait3A_230, %dma_wait3A_235] : memref<125x80xi32, #tpu.memory_space<vmem>> -> memref<1x80xi32, #tpu.memory_space<vmem>>
    %dma_wait3A_237 = tpu.memref_squeeze %dma_wait3A_236 : memref<1x80xi32, #tpu.memory_space<vmem>> -> memref<80xi32, #tpu.memory_space<vmem>>
    %dma_wait3A_238 = arith.constant 0 : i32
    %dma_wait3A_239 = arith.constant 0 : i32
    %dma_wait3A_240 = tpu.memref_slice %arg12[%dma_wait3A_238, %dma_wait3A_239] : memref<10240x64xf32, #tpu.memory_space<vmem_shared>> -> memref<10240x64xf32, #tpu.memory_space<vmem_shared>>
    tpu.wait_indirect_dma semaphore(%arg20 : memref<!tpu.dma_semaphore, #tpu.memory_space<semaphore_mem>>) src(%dma_wait3A_234 : memref<80x64xf32, #tpu.memory_space<vmem>>) dst(%dma_wait3A_240 : memref<10240x64xf32, #tpu.memory_space<vmem_shared>>)
    %dma_wait3A_241 = arith.constant 0 : i32
    %dma_wait3A_242 = arith.constant 124 : i32
    %dma_wait3A_243 = arith.constant 0 : i32
    %dma_wait3A_244 = arith.constant 0 : i32
    %dma_wait3A_245 = tpu.memref_slice %arg10[%dma_wait3A_241, %dma_wait3A_243, %dma_wait3A_244] : memref<4x80x64xf32, #tpu.memory_space<vmem>> -> memref<1x80x64xf32, #tpu.memory_space<vmem>>
    %dma_wait3A_246 = tpu.memref_squeeze %dma_wait3A_245 : memref<1x80x64xf32, #tpu.memory_space<vmem>> -> memref<80x64xf32, #tpu.memory_space<vmem>>
    %dma_wait3A_247 = arith.constant 0 : i32
    %dma_wait3A_248 = tpu.memref_slice %arg9[%dma_wait3A_242, %dma_wait3A_247] : memref<125x80xi32, #tpu.memory_space<vmem>> -> memref<1x80xi32, #tpu.memory_space<vmem>>
    %dma_wait3A_249 = tpu.memref_squeeze %dma_wait3A_248 : memref<1x80xi32, #tpu.memory_space<vmem>> -> memref<80xi32, #tpu.memory_space<vmem>>
    %dma_wait3A_250 = arith.constant 0 : i32
    %dma_wait3A_251 = arith.constant 0 : i32
    %dma_wait3A_252 = tpu.memref_slice %arg12[%dma_wait3A_250, %dma_wait3A_251] : memref<10240x64xf32, #tpu.memory_space<vmem_shared>> -> memref<10240x64xf32, #tpu.memory_space<vmem_shared>>
    tpu.wait_indirect_dma semaphore(%arg17 : memref<!tpu.dma_semaphore, #tpu.memory_space<semaphore_mem>>) src(%dma_wait3A_246 : memref<80x64xf32, #tpu.memory_space<vmem>>) dst(%dma_wait3A_252 : memref<10240x64xf32, #tpu.memory_space<vmem_shared>>)
    %barrier3A_253 = arith.constant 0 : index
    tpu.barrier barrier_id(%barrier3A_253)
    %mul3A_254 = arith.constant 624 : i32
    %mul3A_255 = arith.muli %arg1, %mul3A_254 : i32
    %mul3A_256 = arith.constant 624 : i32
    %mul3A_257 = arith.muli %arg1, %mul3A_256 : i32
    "tpu.region"() ({
      %run_scoped3A = tpu.sem_alloc : memref<!tpu.dma_semaphore, #tpu.memory_space<semaphore_mem>>
      %dma_start3A_522 = arith.constant 0 : i32
      %dma_start3A_523 = tpu.memref_slice %arg6[%arg0, %mul3A_257, %dma_start3A_522] : memref<2x10000x64xf32, #tpu.memory_space<hbm>> -> memref<1x624x64xf32, #tpu.memory_space<hbm>>
      %dma_start3A_524 = tpu.memref_squeeze %dma_start3A_523 : memref<1x624x64xf32, #tpu.memory_space<hbm>> -> memref<624x64xf32, #tpu.memory_space<hbm>>
      %dma_start3A_525 = arith.constant 0 : i32
      %dma_start3A_526 = tpu.memref_slice %arg12[%mul3A_255, %dma_start3A_525] : memref<10240x64xf32, #tpu.memory_space<vmem_shared>> -> memref<624x64xf32, #tpu.memory_space<vmem_shared>>
      tpu.enqueue_dma source(%dma_start3A_526 : memref<624x64xf32, #tpu.memory_space<vmem_shared>>) target(%dma_start3A_524 : memref<624x64xf32, #tpu.memory_space<hbm>>) target_semaphore(%run_scoped3A : memref<!tpu.dma_semaphore, #tpu.memory_space<semaphore_mem>>)
      %dma_wait3A_527 = arith.constant 0 : i32
      %dma_wait3A_528 = tpu.memref_slice %arg6[%arg0, %mul3A_257, %dma_wait3A_527] : memref<2x10000x64xf32, #tpu.memory_space<hbm>> -> memref<1x624x64xf32, #tpu.memory_space<hbm>>
      %dma_wait3A_529 = tpu.memref_squeeze %dma_wait3A_528 : memref<1x624x64xf32, #tpu.memory_space<hbm>> -> memref<624x64xf32, #tpu.memory_space<hbm>>
      %dma_wait3A_530 = arith.constant 0 : i32
      %dma_wait3A_531 = tpu.memref_slice %arg12[%mul3A_255, %dma_wait3A_530] : memref<10240x64xf32, #tpu.memory_space<vmem_shared>> -> memref<624x64xf32, #tpu.memory_space<vmem_shared>>
      tpu.wait_dma2 semaphore(%run_scoped3A : memref<!tpu.dma_semaphore, #tpu.memory_space<semaphore_mem>>) src(%dma_wait3A_531 : memref<624x64xf32, #tpu.memory_space<vmem_shared>>) dst(%dma_wait3A_529 : memref<624x64xf32, #tpu.memory_space<hbm>>)
      tpu.yield
    }) : () -> ()
    %eq3A = arith.constant 15 : i32
    %eq3A_258 = arith.cmpi eq, %arg1, %eq3A : i32
    %convert_element_type3A = arith.extui %eq3A_258 : i1 to i32
    %cond3A = arith.constant 0 : i32
    %cond3A_259 = arith.cmpi ne, %convert_element_type3A, %cond3A : i32
    scf.if %cond3A_259 {
      "tpu.region"() ({
        %run_scoped3A = tpu.sem_alloc : memref<!tpu.dma_semaphore, #tpu.memory_space<semaphore_mem>>
        %dma_start3A_522 = arith.constant 9984 : i32
        %dma_start3A_523 = arith.constant 0 : i32
        %dma_start3A_524 = tpu.memref_slice %arg6[%arg0, %dma_start3A_522, %dma_start3A_523] : memref<2x10000x64xf32, #tpu.memory_space<hbm>> -> memref<1x16x64xf32, #tpu.memory_space<hbm>>
        %dma_start3A_525 = tpu.memref_squeeze %dma_start3A_524 : memref<1x16x64xf32, #tpu.memory_space<hbm>> -> memref<16x64xf32, #tpu.memory_space<hbm>>
        %dma_start3A_526 = arith.constant 9984 : i32
        %dma_start3A_527 = arith.constant 0 : i32
        %dma_start3A_528 = tpu.memref_slice %arg12[%dma_start3A_526, %dma_start3A_527] : memref<10240x64xf32, #tpu.memory_space<vmem_shared>> -> memref<16x64xf32, #tpu.memory_space<vmem_shared>>
        tpu.enqueue_dma source(%dma_start3A_528 : memref<16x64xf32, #tpu.memory_space<vmem_shared>>) target(%dma_start3A_525 : memref<16x64xf32, #tpu.memory_space<hbm>>) target_semaphore(%run_scoped3A : memref<!tpu.dma_semaphore, #tpu.memory_space<semaphore_mem>>)
        %dma_wait3A_529 = arith.constant 9984 : i32
        %dma_wait3A_530 = arith.constant 0 : i32
        %dma_wait3A_531 = tpu.memref_slice %arg6[%arg0, %dma_wait3A_529, %dma_wait3A_530] : memref<2x10000x64xf32, #tpu.memory_space<hbm>> -> memref<1x16x64xf32, #tpu.memory_space<hbm>>
        %dma_wait3A_532 = tpu.memref_squeeze %dma_wait3A_531 : memref<1x16x64xf32, #tpu.memory_space<hbm>> -> memref<16x64xf32, #tpu.memory_space<hbm>>
        %dma_wait3A_533 = arith.constant 9984 : i32
        %dma_wait3A_534 = arith.constant 0 : i32
        %dma_wait3A_535 = tpu.memref_slice %arg12[%dma_wait3A_533, %dma_wait3A_534] : memref<10240x64xf32, #tpu.memory_space<vmem_shared>> -> memref<16x64xf32, #tpu.memory_space<vmem_shared>>
        tpu.wait_dma2 semaphore(%run_scoped3A : memref<!tpu.dma_semaphore, #tpu.memory_space<semaphore_mem>>) src(%dma_wait3A_535 : memref<16x64xf32, #tpu.memory_space<vmem_shared>>) dst(%dma_wait3A_532 : memref<16x64xf32, #tpu.memory_space<hbm>>)
        tpu.yield
      }) : () -> ()
    } else {
    }
    %barrier3A_260 = arith.constant 0 : index
    tpu.barrier barrier_id(%barrier3A_260)
    %scan3A_261 = arith.constant 0 : i32
    %scan3A_262 = arith.constant 4 : i32
    %scan3A_263 = arith.addi %scan3A_261, %scan3A_262 : i32
    %scan3A_264 = arith.constant 1 : i32
    scf.for %scan3A_522 = %scan3A_261 to %scan3A_263 step %scan3A_264  : i32 {
      %mul3A_523 = arith.constant 1 : i32
      %mul3A_524 = arith.muli %scan3A_522, %mul3A_523 : i32
      %add3A_525 = arith.constant 0 : i32
      %add3A_526 = arith.addi %add3A_525, %mul3A_524 : i32
      %mul3A_527 = arith.constant 640 : i32
      %mul3A_528 = arith.muli %arg1, %mul3A_527 : i32
      %mul3A_529 = arith.constant 160 : i32
      %mul3A_530 = arith.muli %add3A_526, %mul3A_529 : i32
      %add3A_531 = arith.addi %mul3A_528, %mul3A_530 : i32
      "tpu.region"() ({
        %run_scoped3A = tpu.sem_alloc : memref<!tpu.dma_semaphore, #tpu.memory_space<semaphore_mem>>
        %dma_start3A_532 = arith.constant 0 : i32
        %dma_start3A_533 = tpu.memref_slice %arg12[%add3A_531, %dma_start3A_532] : memref<10240x64xf32, #tpu.memory_space<vmem_shared>> -> memref<160x64xf32, #tpu.memory_space<vmem_shared>>
        %dma_start3A_534 = arith.constant 0 : i32
        %dma_start3A_535 = tpu.memref_slice %arg12[%add3A_531, %dma_start3A_534] : memref<10240x64xf32, #tpu.memory_space<vmem_shared>> -> memref<160x64xf32, #tpu.memory_space<vmem_shared>>
        tpu.enqueue_dma source(%arg11 : memref<160x64xf32, #tpu.memory_space<vmem>>) target(%dma_start3A_535 : memref<160x64xf32, #tpu.memory_space<vmem_shared>>) target_semaphore(%run_scoped3A : memref<!tpu.dma_semaphore, #tpu.memory_space<semaphore_mem>>)
        %dma_wait3A_536 = arith.constant 0 : i32
        %dma_wait3A_537 = tpu.memref_slice %arg12[%add3A_531, %dma_wait3A_536] : memref<10240x64xf32, #tpu.memory_space<vmem_shared>> -> memref<160x64xf32, #tpu.memory_space<vmem_shared>>
        %dma_wait3A_538 = arith.constant 0 : i32
        %dma_wait3A_539 = tpu.memref_slice %arg12[%add3A_531, %dma_wait3A_538] : memref<10240x64xf32, #tpu.memory_space<vmem_shared>> -> memref<160x64xf32, #tpu.memory_space<vmem_shared>>
        tpu.wait_dma2 semaphore(%run_scoped3A : memref<!tpu.dma_semaphore, #tpu.memory_space<semaphore_mem>>) src(%arg11 : memref<160x64xf32, #tpu.memory_space<vmem>>) dst(%dma_wait3A_539 : memref<160x64xf32, #tpu.memory_space<vmem_shared>>)
        tpu.yield
      }) : () -> ()
    }
    %scan3A_265 = arith.constant 4 : i32
    %barrier3A_266 = arith.constant 0 : index
    tpu.barrier barrier_id(%barrier3A_266)
    %dma_start3A_267 = arith.constant 0 : i32
    %dma_start3A_268 = arith.constant 0 : i32
    %dma_start3A_269 = arith.constant 0 : i32
    %dma_start3A_270 = arith.constant 0 : i32
    %dma_start3A_271 = tpu.memref_slice %arg10[%dma_start3A_268, %dma_start3A_269, %dma_start3A_270] : memref<4x80x64xf32, #tpu.memory_space<vmem>> -> memref<1x80x64xf32, #tpu.memory_space<vmem>>
    %dma_start3A_272 = tpu.memref_squeeze %dma_start3A_271 : memref<1x80x64xf32, #tpu.memory_space<vmem>> -> memref<80x64xf32, #tpu.memory_space<vmem>>
    %dma_start3A_273 = arith.constant 0 : i32
    %dma_start3A_274 = tpu.memref_slice %arg8[%dma_start3A_267, %dma_start3A_273] : memref<125x80xi32, #tpu.memory_space<vmem>> -> memref<1x80xi32, #tpu.memory_space<vmem>>
    %dma_start3A_275 = tpu.memref_squeeze %dma_start3A_274 : memref<1x80xi32, #tpu.memory_space<vmem>> -> memref<80xi32, #tpu.memory_space<vmem>>
    %dma_start3A_276 = arith.constant 0 : i32
    %dma_start3A_277 = arith.constant 0 : i32
    %dma_start3A_278 = tpu.memref_slice %arg3[%dma_start3A_276, %dma_start3A_277] : memref<10000x64xf32, #tpu.memory_space<hbm>> -> memref<10000x64xf32, #tpu.memory_space<hbm>>
    tpu.enqueue_indirect_dma source(%dma_start3A_278 : memref<10000x64xf32, #tpu.memory_space<hbm>>) target(%dma_start3A_272 : memref<80x64xf32, #tpu.memory_space<vmem>>) offsets(%dma_start3A_275 : memref<80xi32, #tpu.memory_space<vmem>>) semaphore(%arg13 : memref<!tpu.dma_semaphore, #tpu.memory_space<semaphore_mem>>)
    %dma_start3A_279 = arith.constant 1 : i32
    %dma_start3A_280 = arith.constant 1 : i32
    %dma_start3A_281 = arith.constant 0 : i32
    %dma_start3A_282 = arith.constant 0 : i32
    %dma_start3A_283 = tpu.memref_slice %arg10[%dma_start3A_280, %dma_start3A_281, %dma_start3A_282] : memref<4x80x64xf32, #tpu.memory_space<vmem>> -> memref<1x80x64xf32, #tpu.memory_space<vmem>>
    %dma_start3A_284 = tpu.memref_squeeze %dma_start3A_283 : memref<1x80x64xf32, #tpu.memory_space<vmem>> -> memref<80x64xf32, #tpu.memory_space<vmem>>
    %dma_start3A_285 = arith.constant 0 : i32
    %dma_start3A_286 = tpu.memref_slice %arg8[%dma_start3A_279, %dma_start3A_285] : memref<125x80xi32, #tpu.memory_space<vmem>> -> memref<1x80xi32, #tpu.memory_space<vmem>>
    %dma_start3A_287 = tpu.memref_squeeze %dma_start3A_286 : memref<1x80xi32, #tpu.memory_space<vmem>> -> memref<80xi32, #tpu.memory_space<vmem>>
    %dma_start3A_288 = arith.constant 0 : i32
    %dma_start3A_289 = arith.constant 0 : i32
    %dma_start3A_290 = tpu.memref_slice %arg3[%dma_start3A_288, %dma_start3A_289] : memref<10000x64xf32, #tpu.memory_space<hbm>> -> memref<10000x64xf32, #tpu.memory_space<hbm>>
    tpu.enqueue_indirect_dma source(%dma_start3A_290 : memref<10000x64xf32, #tpu.memory_space<hbm>>) target(%dma_start3A_284 : memref<80x64xf32, #tpu.memory_space<vmem>>) offsets(%dma_start3A_287 : memref<80xi32, #tpu.memory_space<vmem>>) semaphore(%arg14 : memref<!tpu.dma_semaphore, #tpu.memory_space<semaphore_mem>>)
    %dma_start3A_291 = arith.constant 2 : i32
    %dma_start3A_292 = arith.constant 2 : i32
    %dma_start3A_293 = arith.constant 0 : i32
    %dma_start3A_294 = arith.constant 0 : i32
    %dma_start3A_295 = tpu.memref_slice %arg10[%dma_start3A_292, %dma_start3A_293, %dma_start3A_294] : memref<4x80x64xf32, #tpu.memory_space<vmem>> -> memref<1x80x64xf32, #tpu.memory_space<vmem>>
    %dma_start3A_296 = tpu.memref_squeeze %dma_start3A_295 : memref<1x80x64xf32, #tpu.memory_space<vmem>> -> memref<80x64xf32, #tpu.memory_space<vmem>>
    %dma_start3A_297 = arith.constant 0 : i32
    %dma_start3A_298 = tpu.memref_slice %arg8[%dma_start3A_291, %dma_start3A_297] : memref<125x80xi32, #tpu.memory_space<vmem>> -> memref<1x80xi32, #tpu.memory_space<vmem>>
    %dma_start3A_299 = tpu.memref_squeeze %dma_start3A_298 : memref<1x80xi32, #tpu.memory_space<vmem>> -> memref<80xi32, #tpu.memory_space<vmem>>
    %dma_start3A_300 = arith.constant 0 : i32
    %dma_start3A_301 = arith.constant 0 : i32
    %dma_start3A_302 = tpu.memref_slice %arg3[%dma_start3A_300, %dma_start3A_301] : memref<10000x64xf32, #tpu.memory_space<hbm>> -> memref<10000x64xf32, #tpu.memory_space<hbm>>
    tpu.enqueue_indirect_dma source(%dma_start3A_302 : memref<10000x64xf32, #tpu.memory_space<hbm>>) target(%dma_start3A_296 : memref<80x64xf32, #tpu.memory_space<vmem>>) offsets(%dma_start3A_299 : memref<80xi32, #tpu.memory_space<vmem>>) semaphore(%arg15 : memref<!tpu.dma_semaphore, #tpu.memory_space<semaphore_mem>>)
    %dma_wait3A_303 = arith.constant 0 : i32
    %dma_wait3A_304 = arith.constant 0 : i32
    %dma_wait3A_305 = arith.constant 0 : i32
    %dma_wait3A_306 = arith.constant 0 : i32
    %dma_wait3A_307 = tpu.memref_slice %arg10[%dma_wait3A_304, %dma_wait3A_305, %dma_wait3A_306] : memref<4x80x64xf32, #tpu.memory_space<vmem>> -> memref<1x80x64xf32, #tpu.memory_space<vmem>>
    %dma_wait3A_308 = tpu.memref_squeeze %dma_wait3A_307 : memref<1x80x64xf32, #tpu.memory_space<vmem>> -> memref<80x64xf32, #tpu.memory_space<vmem>>
    %dma_wait3A_309 = arith.constant 0 : i32
    %dma_wait3A_310 = tpu.memref_slice %arg8[%dma_wait3A_303, %dma_wait3A_309] : memref<125x80xi32, #tpu.memory_space<vmem>> -> memref<1x80xi32, #tpu.memory_space<vmem>>
    %dma_wait3A_311 = tpu.memref_squeeze %dma_wait3A_310 : memref<1x80xi32, #tpu.memory_space<vmem>> -> memref<80xi32, #tpu.memory_space<vmem>>
    %dma_wait3A_312 = arith.constant 0 : i32
    %dma_wait3A_313 = arith.constant 0 : i32
    %dma_wait3A_314 = tpu.memref_slice %arg3[%dma_wait3A_312, %dma_wait3A_313] : memref<10000x64xf32, #tpu.memory_space<hbm>> -> memref<10000x64xf32, #tpu.memory_space<hbm>>
    tpu.wait_indirect_dma semaphore(%arg13 : memref<!tpu.dma_semaphore, #tpu.memory_space<semaphore_mem>>) src(%dma_wait3A_314 : memref<10000x64xf32, #tpu.memory_space<hbm>>) dst(%dma_wait3A_308 : memref<80x64xf32, #tpu.memory_space<vmem>>)
    %dma_start3A_315 = arith.constant 0 : i32
    %dma_start3A_316 = arith.constant 0 : i32
    %dma_start3A_317 = arith.constant 0 : i32
    %dma_start3A_318 = arith.constant 0 : i32
    %dma_start3A_319 = tpu.memref_slice %arg10[%dma_start3A_315, %dma_start3A_317, %dma_start3A_318] : memref<4x80x64xf32, #tpu.memory_space<vmem>> -> memref<1x80x64xf32, #tpu.memory_space<vmem>>
    %dma_start3A_320 = tpu.memref_squeeze %dma_start3A_319 : memref<1x80x64xf32, #tpu.memory_space<vmem>> -> memref<80x64xf32, #tpu.memory_space<vmem>>
    %dma_start3A_321 = arith.constant 0 : i32
    %dma_start3A_322 = tpu.memref_slice %arg9[%dma_start3A_316, %dma_start3A_321] : memref<125x80xi32, #tpu.memory_space<vmem>> -> memref<1x80xi32, #tpu.memory_space<vmem>>
    %dma_start3A_323 = tpu.memref_squeeze %dma_start3A_322 : memref<1x80xi32, #tpu.memory_space<vmem>> -> memref<80xi32, #tpu.memory_space<vmem>>
    %dma_start3A_324 = arith.constant 0 : i32
    %dma_start3A_325 = arith.constant 0 : i32
    %dma_start3A_326 = tpu.memref_slice %arg12[%dma_start3A_324, %dma_start3A_325] : memref<10240x64xf32, #tpu.memory_space<vmem_shared>> -> memref<10240x64xf32, #tpu.memory_space<vmem_shared>>
    tpu.enqueue_indirect_dma source(%dma_start3A_320 : memref<80x64xf32, #tpu.memory_space<vmem>>) target(%dma_start3A_326 : memref<10240x64xf32, #tpu.memory_space<vmem_shared>>) offsets(%dma_start3A_323 : memref<80xi32, #tpu.memory_space<vmem>>) semaphore(%arg17 : memref<!tpu.dma_semaphore, #tpu.memory_space<semaphore_mem>>) {add = true}
    %dma_start3A_327 = arith.constant 3 : i32
    %dma_start3A_328 = arith.constant 3 : i32
    %dma_start3A_329 = arith.constant 0 : i32
    %dma_start3A_330 = arith.constant 0 : i32
    %dma_start3A_331 = tpu.memref_slice %arg10[%dma_start3A_328, %dma_start3A_329, %dma_start3A_330] : memref<4x80x64xf32, #tpu.memory_space<vmem>> -> memref<1x80x64xf32, #tpu.memory_space<vmem>>
    %dma_start3A_332 = tpu.memref_squeeze %dma_start3A_331 : memref<1x80x64xf32, #tpu.memory_space<vmem>> -> memref<80x64xf32, #tpu.memory_space<vmem>>
    %dma_start3A_333 = arith.constant 0 : i32
    %dma_start3A_334 = tpu.memref_slice %arg8[%dma_start3A_327, %dma_start3A_333] : memref<125x80xi32, #tpu.memory_space<vmem>> -> memref<1x80xi32, #tpu.memory_space<vmem>>
    %dma_start3A_335 = tpu.memref_squeeze %dma_start3A_334 : memref<1x80xi32, #tpu.memory_space<vmem>> -> memref<80xi32, #tpu.memory_space<vmem>>
    %dma_start3A_336 = arith.constant 0 : i32
    %dma_start3A_337 = arith.constant 0 : i32
    %dma_start3A_338 = tpu.memref_slice %arg3[%dma_start3A_336, %dma_start3A_337] : memref<10000x64xf32, #tpu.memory_space<hbm>> -> memref<10000x64xf32, #tpu.memory_space<hbm>>
    tpu.enqueue_indirect_dma source(%dma_start3A_338 : memref<10000x64xf32, #tpu.memory_space<hbm>>) target(%dma_start3A_332 : memref<80x64xf32, #tpu.memory_space<vmem>>) offsets(%dma_start3A_335 : memref<80xi32, #tpu.memory_space<vmem>>) semaphore(%arg16 : memref<!tpu.dma_semaphore, #tpu.memory_space<semaphore_mem>>)
    %scan3A_339 = arith.constant 0 : i32
    %scan3A_340 = arith.constant 30 : i32
    %scan3A_341 = arith.addi %scan3A_339, %scan3A_340 : i32
    %scan3A_342 = arith.constant 1 : i32
    scf.for %scan3A_522 = %scan3A_339 to %scan3A_341 step %scan3A_342  : i32 {
      %mul3A_523 = arith.constant 4 : i32
      %mul3A_524 = arith.muli %scan3A_522, %mul3A_523 : i32
      %add3A_525 = arith.constant 1 : i32
      %add3A_526 = arith.addi %add3A_525, %mul3A_524 : i32
      %add3A_527 = arith.constant 0 : i32
      %add3A_528 = arith.addi %add3A_526, %add3A_527 : i32
      %dma_wait3A_529 = arith.constant 1 : i32
      %dma_wait3A_530 = arith.constant 0 : i32
      %dma_wait3A_531 = arith.constant 0 : i32
      %dma_wait3A_532 = tpu.memref_slice %arg10[%dma_wait3A_529, %dma_wait3A_530, %dma_wait3A_531] : memref<4x80x64xf32, #tpu.memory_space<vmem>> -> memref<1x80x64xf32, #tpu.memory_space<vmem>>
      %dma_wait3A_533 = tpu.memref_squeeze %dma_wait3A_532 : memref<1x80x64xf32, #tpu.memory_space<vmem>> -> memref<80x64xf32, #tpu.memory_space<vmem>>
      %dma_wait3A_534 = arith.constant 0 : i32
      %dma_wait3A_535 = tpu.memref_slice %arg8[%add3A_528, %dma_wait3A_534] : memref<125x80xi32, #tpu.memory_space<vmem>> -> memref<1x80xi32, #tpu.memory_space<vmem>>
      %dma_wait3A_536 = tpu.memref_squeeze %dma_wait3A_535 : memref<1x80xi32, #tpu.memory_space<vmem>> -> memref<80xi32, #tpu.memory_space<vmem>>
      %dma_wait3A_537 = arith.constant 0 : i32
      %dma_wait3A_538 = arith.constant 0 : i32
      %dma_wait3A_539 = tpu.memref_slice %arg3[%dma_wait3A_537, %dma_wait3A_538] : memref<10000x64xf32, #tpu.memory_space<hbm>> -> memref<10000x64xf32, #tpu.memory_space<hbm>>
      tpu.wait_indirect_dma semaphore(%arg14 : memref<!tpu.dma_semaphore, #tpu.memory_space<semaphore_mem>>) src(%dma_wait3A_539 : memref<10000x64xf32, #tpu.memory_space<hbm>>) dst(%dma_wait3A_533 : memref<80x64xf32, #tpu.memory_space<vmem>>)
      %dma_start3A_540 = arith.constant 1 : i32
      %dma_start3A_541 = arith.constant 0 : i32
      %dma_start3A_542 = arith.constant 0 : i32
      %dma_start3A_543 = tpu.memref_slice %arg10[%dma_start3A_540, %dma_start3A_541, %dma_start3A_542] : memref<4x80x64xf32, #tpu.memory_space<vmem>> -> memref<1x80x64xf32, #tpu.memory_space<vmem>>
      %dma_start3A_544 = tpu.memref_squeeze %dma_start3A_543 : memref<1x80x64xf32, #tpu.memory_space<vmem>> -> memref<80x64xf32, #tpu.memory_space<vmem>>
      %dma_start3A_545 = arith.constant 0 : i32
      %dma_start3A_546 = tpu.memref_slice %arg9[%add3A_528, %dma_start3A_545] : memref<125x80xi32, #tpu.memory_space<vmem>> -> memref<1x80xi32, #tpu.memory_space<vmem>>
      %dma_start3A_547 = tpu.memref_squeeze %dma_start3A_546 : memref<1x80xi32, #tpu.memory_space<vmem>> -> memref<80xi32, #tpu.memory_space<vmem>>
      %dma_start3A_548 = arith.constant 0 : i32
      %dma_start3A_549 = arith.constant 0 : i32
      %dma_start3A_550 = tpu.memref_slice %arg12[%dma_start3A_548, %dma_start3A_549] : memref<10240x64xf32, #tpu.memory_space<vmem_shared>> -> memref<10240x64xf32, #tpu.memory_space<vmem_shared>>
      tpu.enqueue_indirect_dma source(%dma_start3A_544 : memref<80x64xf32, #tpu.memory_space<vmem>>) target(%dma_start3A_550 : memref<10240x64xf32, #tpu.memory_space<vmem_shared>>) offsets(%dma_start3A_547 : memref<80xi32, #tpu.memory_space<vmem>>) semaphore(%arg18 : memref<!tpu.dma_semaphore, #tpu.memory_space<semaphore_mem>>) {add = true}
      %sub3A = arith.constant 1 : i32
      %sub3A_551 = arith.subi %add3A_528, %sub3A : i32
      %dma_wait3A_552 = arith.constant 0 : i32
      %dma_wait3A_553 = arith.constant 0 : i32
      %dma_wait3A_554 = arith.constant 0 : i32
      %dma_wait3A_555 = tpu.memref_slice %arg10[%dma_wait3A_552, %dma_wait3A_553, %dma_wait3A_554] : memref<4x80x64xf32, #tpu.memory_space<vmem>> -> memref<1x80x64xf32, #tpu.memory_space<vmem>>
      %dma_wait3A_556 = tpu.memref_squeeze %dma_wait3A_555 : memref<1x80x64xf32, #tpu.memory_space<vmem>> -> memref<80x64xf32, #tpu.memory_space<vmem>>
      %dma_wait3A_557 = arith.constant 0 : i32
      %dma_wait3A_558 = tpu.memref_slice %arg9[%sub3A_551, %dma_wait3A_557] : memref<125x80xi32, #tpu.memory_space<vmem>> -> memref<1x80xi32, #tpu.memory_space<vmem>>
      %dma_wait3A_559 = tpu.memref_squeeze %dma_wait3A_558 : memref<1x80xi32, #tpu.memory_space<vmem>> -> memref<80xi32, #tpu.memory_space<vmem>>
      %dma_wait3A_560 = arith.constant 0 : i32
      %dma_wait3A_561 = arith.constant 0 : i32
      %dma_wait3A_562 = tpu.memref_slice %arg12[%dma_wait3A_560, %dma_wait3A_561] : memref<10240x64xf32, #tpu.memory_space<vmem_shared>> -> memref<10240x64xf32, #tpu.memory_space<vmem_shared>>
      tpu.wait_indirect_dma semaphore(%arg17 : memref<!tpu.dma_semaphore, #tpu.memory_space<semaphore_mem>>) src(%dma_wait3A_556 : memref<80x64xf32, #tpu.memory_space<vmem>>) dst(%dma_wait3A_562 : memref<10240x64xf32, #tpu.memory_space<vmem_shared>>)
      %add3A_563 = arith.constant 3 : i32
      %add3A_564 = arith.addi %add3A_528, %add3A_563 : i32
      %dma_start3A_565 = arith.constant 0 : i32
      %dma_start3A_566 = arith.constant 0 : i32
      %dma_start3A_567 = arith.constant 0 : i32
      %dma_start3A_568 = tpu.memref_slice %arg10[%dma_start3A_565, %dma_start3A_566, %dma_start3A_567] : memref<4x80x64xf32, #tpu.memory_space<vmem>> -> memref<1x80x64xf32, #tpu.memory_space<vmem>>
      %dma_start3A_569 = tpu.memref_squeeze %dma_start3A_568 : memref<1x80x64xf32, #tpu.memory_space<vmem>> -> memref<80x64xf32, #tpu.memory_space<vmem>>
      %dma_start3A_570 = arith.constant 0 : i32
      %dma_start3A_571 = tpu.memref_slice %arg8[%add3A_564, %dma_start3A_570] : memref<125x80xi32, #tpu.memory_space<vmem>> -> memref<1x80xi32, #tpu.memory_space<vmem>>
      %dma_start3A_572 = tpu.memref_squeeze %dma_start3A_571 : memref<1x80xi32, #tpu.memory_space<vmem>> -> memref<80xi32, #tpu.memory_space<vmem>>
      %dma_start3A_573 = arith.constant 0 : i32
      %dma_start3A_574 = arith.constant 0 : i32
      %dma_start3A_575 = tpu.memref_slice %arg3[%dma_start3A_573, %dma_start3A_574] : memref<10000x64xf32, #tpu.memory_space<hbm>> -> memref<10000x64xf32, #tpu.memory_space<hbm>>
      tpu.enqueue_indirect_dma source(%dma_start3A_575 : memref<10000x64xf32, #tpu.memory_space<hbm>>) target(%dma_start3A_569 : memref<80x64xf32, #tpu.memory_space<vmem>>) offsets(%dma_start3A_572 : memref<80xi32, #tpu.memory_space<vmem>>) semaphore(%arg13 : memref<!tpu.dma_semaphore, #tpu.memory_space<semaphore_mem>>)
      %add3A_576 = arith.constant 1 : i32
      %add3A_577 = arith.addi %add3A_526, %add3A_576 : i32
      %dma_wait3A_578 = arith.constant 2 : i32
      %dma_wait3A_579 = arith.constant 0 : i32
      %dma_wait3A_580 = arith.constant 0 : i32
      %dma_wait3A_581 = tpu.memref_slice %arg10[%dma_wait3A_578, %dma_wait3A_579, %dma_wait3A_580] : memref<4x80x64xf32, #tpu.memory_space<vmem>> -> memref<1x80x64xf32, #tpu.memory_space<vmem>>
      %dma_wait3A_582 = tpu.memref_squeeze %dma_wait3A_581 : memref<1x80x64xf32, #tpu.memory_space<vmem>> -> memref<80x64xf32, #tpu.memory_space<vmem>>
      %dma_wait3A_583 = arith.constant 0 : i32
      %dma_wait3A_584 = tpu.memref_slice %arg8[%add3A_577, %dma_wait3A_583] : memref<125x80xi32, #tpu.memory_space<vmem>> -> memref<1x80xi32, #tpu.memory_space<vmem>>
      %dma_wait3A_585 = tpu.memref_squeeze %dma_wait3A_584 : memref<1x80xi32, #tpu.memory_space<vmem>> -> memref<80xi32, #tpu.memory_space<vmem>>
      %dma_wait3A_586 = arith.constant 0 : i32
      %dma_wait3A_587 = arith.constant 0 : i32
      %dma_wait3A_588 = tpu.memref_slice %arg3[%dma_wait3A_586, %dma_wait3A_587] : memref<10000x64xf32, #tpu.memory_space<hbm>> -> memref<10000x64xf32, #tpu.memory_space<hbm>>
      tpu.wait_indirect_dma semaphore(%arg15 : memref<!tpu.dma_semaphore, #tpu.memory_space<semaphore_mem>>) src(%dma_wait3A_588 : memref<10000x64xf32, #tpu.memory_space<hbm>>) dst(%dma_wait3A_582 : memref<80x64xf32, #tpu.memory_space<vmem>>)
      %dma_start3A_589 = arith.constant 2 : i32
      %dma_start3A_590 = arith.constant 0 : i32
      %dma_start3A_591 = arith.constant 0 : i32
      %dma_start3A_592 = tpu.memref_slice %arg10[%dma_start3A_589, %dma_start3A_590, %dma_start3A_591] : memref<4x80x64xf32, #tpu.memory_space<vmem>> -> memref<1x80x64xf32, #tpu.memory_space<vmem>>
      %dma_start3A_593 = tpu.memref_squeeze %dma_start3A_592 : memref<1x80x64xf32, #tpu.memory_space<vmem>> -> memref<80x64xf32, #tpu.memory_space<vmem>>
      %dma_start3A_594 = arith.constant 0 : i32
      %dma_start3A_595 = tpu.memref_slice %arg9[%add3A_577, %dma_start3A_594] : memref<125x80xi32, #tpu.memory_space<vmem>> -> memref<1x80xi32, #tpu.memory_space<vmem>>
      %dma_start3A_596 = tpu.memref_squeeze %dma_start3A_595 : memref<1x80xi32, #tpu.memory_space<vmem>> -> memref<80xi32, #tpu.memory_space<vmem>>
      %dma_start3A_597 = arith.constant 0 : i32
      %dma_start3A_598 = arith.constant 0 : i32
      %dma_start3A_599 = tpu.memref_slice %arg12[%dma_start3A_597, %dma_start3A_598] : memref<10240x64xf32, #tpu.memory_space<vmem_shared>> -> memref<10240x64xf32, #tpu.memory_space<vmem_shared>>
      tpu.enqueue_indirect_dma source(%dma_start3A_593 : memref<80x64xf32, #tpu.memory_space<vmem>>) target(%dma_start3A_599 : memref<10240x64xf32, #tpu.memory_space<vmem_shared>>) offsets(%dma_start3A_596 : memref<80xi32, #tpu.memory_space<vmem>>) semaphore(%arg19 : memref<!tpu.dma_semaphore, #tpu.memory_space<semaphore_mem>>) {add = true}
      %sub3A_600 = arith.constant 1 : i32
      %sub3A_601 = arith.subi %add3A_577, %sub3A_600 : i32
      %dma_wait3A_602 = arith.constant 1 : i32
      %dma_wait3A_603 = arith.constant 0 : i32
      %dma_wait3A_604 = arith.constant 0 : i32
      %dma_wait3A_605 = tpu.memref_slice %arg10[%dma_wait3A_602, %dma_wait3A_603, %dma_wait3A_604] : memref<4x80x64xf32, #tpu.memory_space<vmem>> -> memref<1x80x64xf32, #tpu.memory_space<vmem>>
      %dma_wait3A_606 = tpu.memref_squeeze %dma_wait3A_605 : memref<1x80x64xf32, #tpu.memory_space<vmem>> -> memref<80x64xf32, #tpu.memory_space<vmem>>
      %dma_wait3A_607 = arith.constant 0 : i32
      %dma_wait3A_608 = tpu.memref_slice %arg9[%sub3A_601, %dma_wait3A_607] : memref<125x80xi32, #tpu.memory_space<vmem>> -> memref<1x80xi32, #tpu.memory_space<vmem>>
      %dma_wait3A_609 = tpu.memref_squeeze %dma_wait3A_608 : memref<1x80xi32, #tpu.memory_space<vmem>> -> memref<80xi32, #tpu.memory_space<vmem>>
      %dma_wait3A_610 = arith.constant 0 : i32
      %dma_wait3A_611 = arith.constant 0 : i32
      %dma_wait3A_612 = tpu.memref_slice %arg12[%dma_wait3A_610, %dma_wait3A_611] : memref<10240x64xf32, #tpu.memory_space<vmem_shared>> -> memref<10240x64xf32, #tpu.memory_space<vmem_shared>>
      tpu.wait_indirect_dma semaphore(%arg18 : memref<!tpu.dma_semaphore, #tpu.memory_space<semaphore_mem>>) src(%dma_wait3A_606 : memref<80x64xf32, #tpu.memory_space<vmem>>) dst(%dma_wait3A_612 : memref<10240x64xf32, #tpu.memory_space<vmem_shared>>)
      %add3A_613 = arith.constant 3 : i32
      %add3A_614 = arith.addi %add3A_577, %add3A_613 : i32
      %dma_start3A_615 = arith.constant 1 : i32
      %dma_start3A_616 = arith.constant 0 : i32
      %dma_start3A_617 = arith.constant 0 : i32
      %dma_start3A_618 = tpu.memref_slice %arg10[%dma_start3A_615, %dma_start3A_616, %dma_start3A_617] : memref<4x80x64xf32, #tpu.memory_space<vmem>> -> memref<1x80x64xf32, #tpu.memory_space<vmem>>
      %dma_start3A_619 = tpu.memref_squeeze %dma_start3A_618 : memref<1x80x64xf32, #tpu.memory_space<vmem>> -> memref<80x64xf32, #tpu.memory_space<vmem>>
      %dma_start3A_620 = arith.constant 0 : i32
      %dma_start3A_621 = tpu.memref_slice %arg8[%add3A_614, %dma_start3A_620] : memref<125x80xi32, #tpu.memory_space<vmem>> -> memref<1x80xi32, #tpu.memory_space<vmem>>
      %dma_start3A_622 = tpu.memref_squeeze %dma_start3A_621 : memref<1x80xi32, #tpu.memory_space<vmem>> -> memref<80xi32, #tpu.memory_space<vmem>>
      %dma_start3A_623 = arith.constant 0 : i32
      %dma_start3A_624 = arith.constant 0 : i32
      %dma_start3A_625 = tpu.memref_slice %arg3[%dma_start3A_623, %dma_start3A_624] : memref<10000x64xf32, #tpu.memory_space<hbm>> -> memref<10000x64xf32, #tpu.memory_space<hbm>>
      tpu.enqueue_indirect_dma source(%dma_start3A_625 : memref<10000x64xf32, #tpu.memory_space<hbm>>) target(%dma_start3A_619 : memref<80x64xf32, #tpu.memory_space<vmem>>) offsets(%dma_start3A_622 : memref<80xi32, #tpu.memory_space<vmem>>) semaphore(%arg14 : memref<!tpu.dma_semaphore, #tpu.memory_space<semaphore_mem>>)
      %add3A_626 = arith.constant 2 : i32
      %add3A_627 = arith.addi %add3A_526, %add3A_626 : i32
      %dma_wait3A_628 = arith.constant 3 : i32
      %dma_wait3A_629 = arith.constant 0 : i32
      %dma_wait3A_630 = arith.constant 0 : i32
      %dma_wait3A_631 = tpu.memref_slice %arg10[%dma_wait3A_628, %dma_wait3A_629, %dma_wait3A_630] : memref<4x80x64xf32, #tpu.memory_space<vmem>> -> memref<1x80x64xf32, #tpu.memory_space<vmem>>
      %dma_wait3A_632 = tpu.memref_squeeze %dma_wait3A_631 : memref<1x80x64xf32, #tpu.memory_space<vmem>> -> memref<80x64xf32, #tpu.memory_space<vmem>>
      %dma_wait3A_633 = arith.constant 0 : i32
      %dma_wait3A_634 = tpu.memref_slice %arg8[%add3A_627, %dma_wait3A_633] : memref<125x80xi32, #tpu.memory_space<vmem>> -> memref<1x80xi32, #tpu.memory_space<vmem>>
      %dma_wait3A_635 = tpu.memref_squeeze %dma_wait3A_634 : memref<1x80xi32, #tpu.memory_space<vmem>> -> memref<80xi32, #tpu.memory_space<vmem>>
      %dma_wait3A_636 = arith.constant 0 : i32
      %dma_wait3A_637 = arith.constant 0 : i32
      %dma_wait3A_638 = tpu.memref_slice %arg3[%dma_wait3A_636, %dma_wait3A_637] : memref<10000x64xf32, #tpu.memory_space<hbm>> -> memref<10000x64xf32, #tpu.memory_space<hbm>>
      tpu.wait_indirect_dma semaphore(%arg16 : memref<!tpu.dma_semaphore, #tpu.memory_space<semaphore_mem>>) src(%dma_wait3A_638 : memref<10000x64xf32, #tpu.memory_space<hbm>>) dst(%dma_wait3A_632 : memref<80x64xf32, #tpu.memory_space<vmem>>)
      %dma_start3A_639 = arith.constant 3 : i32
      %dma_start3A_640 = arith.constant 0 : i32
      %dma_start3A_641 = arith.constant 0 : i32
      %dma_start3A_642 = tpu.memref_slice %arg10[%dma_start3A_639, %dma_start3A_640, %dma_start3A_641] : memref<4x80x64xf32, #tpu.memory_space<vmem>> -> memref<1x80x64xf32, #tpu.memory_space<vmem>>
      %dma_start3A_643 = tpu.memref_squeeze %dma_start3A_642 : memref<1x80x64xf32, #tpu.memory_space<vmem>> -> memref<80x64xf32, #tpu.memory_space<vmem>>
      %dma_start3A_644 = arith.constant 0 : i32
      %dma_start3A_645 = tpu.memref_slice %arg9[%add3A_627, %dma_start3A_644] : memref<125x80xi32, #tpu.memory_space<vmem>> -> memref<1x80xi32, #tpu.memory_space<vmem>>
      %dma_start3A_646 = tpu.memref_squeeze %dma_start3A_645 : memref<1x80xi32, #tpu.memory_space<vmem>> -> memref<80xi32, #tpu.memory_space<vmem>>
      %dma_start3A_647 = arith.constant 0 : i32
      %dma_start3A_648 = arith.constant 0 : i32
      %dma_start3A_649 = tpu.memref_slice %arg12[%dma_start3A_647, %dma_start3A_648] : memref<10240x64xf32, #tpu.memory_space<vmem_shared>> -> memref<10240x64xf32, #tpu.memory_space<vmem_shared>>
      tpu.enqueue_indirect_dma source(%dma_start3A_643 : memref<80x64xf32, #tpu.memory_space<vmem>>) target(%dma_start3A_649 : memref<10240x64xf32, #tpu.memory_space<vmem_shared>>) offsets(%dma_start3A_646 : memref<80xi32, #tpu.memory_space<vmem>>) semaphore(%arg20 : memref<!tpu.dma_semaphore, #tpu.memory_space<semaphore_mem>>) {add = true}
      %sub3A_650 = arith.constant 1 : i32
      %sub3A_651 = arith.subi %add3A_627, %sub3A_650 : i32
      %dma_wait3A_652 = arith.constant 2 : i32
      %dma_wait3A_653 = arith.constant 0 : i32
      %dma_wait3A_654 = arith.constant 0 : i32
      %dma_wait3A_655 = tpu.memref_slice %arg10[%dma_wait3A_652, %dma_wait3A_653, %dma_wait3A_654] : memref<4x80x64xf32, #tpu.memory_space<vmem>> -> memref<1x80x64xf32, #tpu.memory_space<vmem>>
      %dma_wait3A_656 = tpu.memref_squeeze %dma_wait3A_655 : memref<1x80x64xf32, #tpu.memory_space<vmem>> -> memref<80x64xf32, #tpu.memory_space<vmem>>
      %dma_wait3A_657 = arith.constant 0 : i32
      %dma_wait3A_658 = tpu.memref_slice %arg9[%sub3A_651, %dma_wait3A_657] : memref<125x80xi32, #tpu.memory_space<vmem>> -> memref<1x80xi32, #tpu.memory_space<vmem>>
      %dma_wait3A_659 = tpu.memref_squeeze %dma_wait3A_658 : memref<1x80xi32, #tpu.memory_space<vmem>> -> memref<80xi32, #tpu.memory_space<vmem>>
      %dma_wait3A_660 = arith.constant 0 : i32
      %dma_wait3A_661 = arith.constant 0 : i32
      %dma_wait3A_662 = tpu.memref_slice %arg12[%dma_wait3A_660, %dma_wait3A_661] : memref<10240x64xf32, #tpu.memory_space<vmem_shared>> -> memref<10240x64xf32, #tpu.memory_space<vmem_shared>>
      tpu.wait_indirect_dma semaphore(%arg19 : memref<!tpu.dma_semaphore, #tpu.memory_space<semaphore_mem>>) src(%dma_wait3A_656 : memref<80x64xf32, #tpu.memory_space<vmem>>) dst(%dma_wait3A_662 : memref<10240x64xf32, #tpu.memory_space<vmem_shared>>)
      %add3A_663 = arith.constant 3 : i32
      %add3A_664 = arith.addi %add3A_627, %add3A_663 : i32
      %dma_start3A_665 = arith.constant 2 : i32
      %dma_start3A_666 = arith.constant 0 : i32
      %dma_start3A_667 = arith.constant 0 : i32
      %dma_start3A_668 = tpu.memref_slice %arg10[%dma_start3A_665, %dma_start3A_666, %dma_start3A_667] : memref<4x80x64xf32, #tpu.memory_space<vmem>> -> memref<1x80x64xf32, #tpu.memory_space<vmem>>
      %dma_start3A_669 = tpu.memref_squeeze %dma_start3A_668 : memref<1x80x64xf32, #tpu.memory_space<vmem>> -> memref<80x64xf32, #tpu.memory_space<vmem>>
      %dma_start3A_670 = arith.constant 0 : i32
      %dma_start3A_671 = tpu.memref_slice %arg8[%add3A_664, %dma_start3A_670] : memref<125x80xi32, #tpu.memory_space<vmem>> -> memref<1x80xi32, #tpu.memory_space<vmem>>
      %dma_start3A_672 = tpu.memref_squeeze %dma_start3A_671 : memref<1x80xi32, #tpu.memory_space<vmem>> -> memref<80xi32, #tpu.memory_space<vmem>>
      %dma_start3A_673 = arith.constant 0 : i32
      %dma_start3A_674 = arith.constant 0 : i32
      %dma_start3A_675 = tpu.memref_slice %arg3[%dma_start3A_673, %dma_start3A_674] : memref<10000x64xf32, #tpu.memory_space<hbm>> -> memref<10000x64xf32, #tpu.memory_space<hbm>>
      tpu.enqueue_indirect_dma source(%dma_start3A_675 : memref<10000x64xf32, #tpu.memory_space<hbm>>) target(%dma_start3A_669 : memref<80x64xf32, #tpu.memory_space<vmem>>) offsets(%dma_start3A_672 : memref<80xi32, #tpu.memory_space<vmem>>) semaphore(%arg15 : memref<!tpu.dma_semaphore, #tpu.memory_space<semaphore_mem>>)
      %add3A_676 = arith.constant 3 : i32
      %add3A_677 = arith.addi %add3A_526, %add3A_676 : i32
      %dma_wait3A_678 = arith.constant 0 : i32
      %dma_wait3A_679 = arith.constant 0 : i32
      %dma_wait3A_680 = arith.constant 0 : i32
      %dma_wait3A_681 = tpu.memref_slice %arg10[%dma_wait3A_678, %dma_wait3A_679, %dma_wait3A_680] : memref<4x80x64xf32, #tpu.memory_space<vmem>> -> memref<1x80x64xf32, #tpu.memory_space<vmem>>
      %dma_wait3A_682 = tpu.memref_squeeze %dma_wait3A_681 : memref<1x80x64xf32, #tpu.memory_space<vmem>> -> memref<80x64xf32, #tpu.memory_space<vmem>>
      %dma_wait3A_683 = arith.constant 0 : i32
      %dma_wait3A_684 = tpu.memref_slice %arg8[%add3A_677, %dma_wait3A_683] : memref<125x80xi32, #tpu.memory_space<vmem>> -> memref<1x80xi32, #tpu.memory_space<vmem>>
      %dma_wait3A_685 = tpu.memref_squeeze %dma_wait3A_684 : memref<1x80xi32, #tpu.memory_space<vmem>> -> memref<80xi32, #tpu.memory_space<vmem>>
      %dma_wait3A_686 = arith.constant 0 : i32
      %dma_wait3A_687 = arith.constant 0 : i32
      %dma_wait3A_688 = tpu.memref_slice %arg3[%dma_wait3A_686, %dma_wait3A_687] : memref<10000x64xf32, #tpu.memory_space<hbm>> -> memref<10000x64xf32, #tpu.memory_space<hbm>>
      tpu.wait_indirect_dma semaphore(%arg13 : memref<!tpu.dma_semaphore, #tpu.memory_space<semaphore_mem>>) src(%dma_wait3A_688 : memref<10000x64xf32, #tpu.memory_space<hbm>>) dst(%dma_wait3A_682 : memref<80x64xf32, #tpu.memory_space<vmem>>)
      %dma_start3A_689 = arith.constant 0 : i32
      %dma_start3A_690 = arith.constant 0 : i32
      %dma_start3A_691 = arith.constant 0 : i32
      %dma_start3A_692 = tpu.memref_slice %arg10[%dma_start3A_689, %dma_start3A_690, %dma_start3A_691] : memref<4x80x64xf32, #tpu.memory_space<vmem>> -> memref<1x80x64xf32, #tpu.memory_space<vmem>>
      %dma_start3A_693 = tpu.memref_squeeze %dma_start3A_692 : memref<1x80x64xf32, #tpu.memory_space<vmem>> -> memref<80x64xf32, #tpu.memory_space<vmem>>
      %dma_start3A_694 = arith.constant 0 : i32
      %dma_start3A_695 = tpu.memref_slice %arg9[%add3A_677, %dma_start3A_694] : memref<125x80xi32, #tpu.memory_space<vmem>> -> memref<1x80xi32, #tpu.memory_space<vmem>>
      %dma_start3A_696 = tpu.memref_squeeze %dma_start3A_695 : memref<1x80xi32, #tpu.memory_space<vmem>> -> memref<80xi32, #tpu.memory_space<vmem>>
      %dma_start3A_697 = arith.constant 0 : i32
      %dma_start3A_698 = arith.constant 0 : i32
      %dma_start3A_699 = tpu.memref_slice %arg12[%dma_start3A_697, %dma_start3A_698] : memref<10240x64xf32, #tpu.memory_space<vmem_shared>> -> memref<10240x64xf32, #tpu.memory_space<vmem_shared>>
      tpu.enqueue_indirect_dma source(%dma_start3A_693 : memref<80x64xf32, #tpu.memory_space<vmem>>) target(%dma_start3A_699 : memref<10240x64xf32, #tpu.memory_space<vmem_shared>>) offsets(%dma_start3A_696 : memref<80xi32, #tpu.memory_space<vmem>>) semaphore(%arg17 : memref<!tpu.dma_semaphore, #tpu.memory_space<semaphore_mem>>) {add = true}
      %sub3A_700 = arith.constant 1 : i32
      %sub3A_701 = arith.subi %add3A_677, %sub3A_700 : i32
      %dma_wait3A_702 = arith.constant 3 : i32
      %dma_wait3A_703 = arith.constant 0 : i32
      %dma_wait3A_704 = arith.constant 0 : i32
      %dma_wait3A_705 = tpu.memref_slice %arg10[%dma_wait3A_702, %dma_wait3A_703, %dma_wait3A_704] : memref<4x80x64xf32, #tpu.memory_space<vmem>> -> memref<1x80x64xf32, #tpu.memory_space<vmem>>
      %dma_wait3A_706 = tpu.memref_squeeze %dma_wait3A_705 : memref<1x80x64xf32, #tpu.memory_space<vmem>> -> memref<80x64xf32, #tpu.memory_space<vmem>>
      %dma_wait3A_707 = arith.constant 0 : i32
      %dma_wait3A_708 = tpu.memref_slice %arg9[%sub3A_701, %dma_wait3A_707] : memref<125x80xi32, #tpu.memory_space<vmem>> -> memref<1x80xi32, #tpu.memory_space<vmem>>
      %dma_wait3A_709 = tpu.memref_squeeze %dma_wait3A_708 : memref<1x80xi32, #tpu.memory_space<vmem>> -> memref<80xi32, #tpu.memory_space<vmem>>
      %dma_wait3A_710 = arith.constant 0 : i32
      %dma_wait3A_711 = arith.constant 0 : i32
      %dma_wait3A_712 = tpu.memref_slice %arg12[%dma_wait3A_710, %dma_wait3A_711] : memref<10240x64xf32, #tpu.memory_space<vmem_shared>> -> memref<10240x64xf32, #tpu.memory_space<vmem_shared>>
      tpu.wait_indirect_dma semaphore(%arg20 : memref<!tpu.dma_semaphore, #tpu.memory_space<semaphore_mem>>) src(%dma_wait3A_706 : memref<80x64xf32, #tpu.memory_space<vmem>>) dst(%dma_wait3A_712 : memref<10240x64xf32, #tpu.memory_space<vmem_shared>>)
      %add3A_713 = arith.constant 3 : i32
      %add3A_714 = arith.addi %add3A_677, %add3A_713 : i32
      %dma_start3A_715 = arith.constant 3 : i32
      %dma_start3A_716 = arith.constant 0 : i32
      %dma_start3A_717 = arith.constant 0 : i32
      %dma_start3A_718 = tpu.memref_slice %arg10[%dma_start3A_715, %dma_start3A_716, %dma_start3A_717] : memref<4x80x64xf32, #tpu.memory_space<vmem>> -> memref<1x80x64xf32, #tpu.memory_space<vmem>>
      %dma_start3A_719 = tpu.memref_squeeze %dma_start3A_718 : memref<1x80x64xf32, #tpu.memory_space<vmem>> -> memref<80x64xf32, #tpu.memory_space<vmem>>
      %dma_start3A_720 = arith.constant 0 : i32
      %dma_start3A_721 = tpu.memref_slice %arg8[%add3A_714, %dma_start3A_720] : memref<125x80xi32, #tpu.memory_space<vmem>> -> memref<1x80xi32, #tpu.memory_space<vmem>>
      %dma_start3A_722 = tpu.memref_squeeze %dma_start3A_721 : memref<1x80xi32, #tpu.memory_space<vmem>> -> memref<80xi32, #tpu.memory_space<vmem>>
      %dma_start3A_723 = arith.constant 0 : i32
      %dma_start3A_724 = arith.constant 0 : i32
      %dma_start3A_725 = tpu.memref_slice %arg3[%dma_start3A_723, %dma_start3A_724] : memref<10000x64xf32, #tpu.memory_space<hbm>> -> memref<10000x64xf32, #tpu.memory_space<hbm>>
      tpu.enqueue_indirect_dma source(%dma_start3A_725 : memref<10000x64xf32, #tpu.memory_space<hbm>>) target(%dma_start3A_719 : memref<80x64xf32, #tpu.memory_space<vmem>>) offsets(%dma_start3A_722 : memref<80xi32, #tpu.memory_space<vmem>>) semaphore(%arg16 : memref<!tpu.dma_semaphore, #tpu.memory_space<semaphore_mem>>)
    }
    %scan3A_343 = arith.constant 30 : i32
    %dma_wait3A_344 = arith.constant 121 : i32
    %dma_wait3A_345 = arith.constant 1 : i32
    %dma_wait3A_346 = arith.constant 0 : i32
    %dma_wait3A_347 = arith.constant 0 : i32
    %dma_wait3A_348 = tpu.memref_slice %arg10[%dma_wait3A_345, %dma_wait3A_346, %dma_wait3A_347] : memref<4x80x64xf32, #tpu.memory_space<vmem>> -> memref<1x80x64xf32, #tpu.memory_space<vmem>>
    %dma_wait3A_349 = tpu.memref_squeeze %dma_wait3A_348 : memref<1x80x64xf32, #tpu.memory_space<vmem>> -> memref<80x64xf32, #tpu.memory_space<vmem>>
    %dma_wait3A_350 = arith.constant 0 : i32
    %dma_wait3A_351 = tpu.memref_slice %arg8[%dma_wait3A_344, %dma_wait3A_350] : memref<125x80xi32, #tpu.memory_space<vmem>> -> memref<1x80xi32, #tpu.memory_space<vmem>>
    %dma_wait3A_352 = tpu.memref_squeeze %dma_wait3A_351 : memref<1x80xi32, #tpu.memory_space<vmem>> -> memref<80xi32, #tpu.memory_space<vmem>>
    %dma_wait3A_353 = arith.constant 0 : i32
    %dma_wait3A_354 = arith.constant 0 : i32
    %dma_wait3A_355 = tpu.memref_slice %arg3[%dma_wait3A_353, %dma_wait3A_354] : memref<10000x64xf32, #tpu.memory_space<hbm>> -> memref<10000x64xf32, #tpu.memory_space<hbm>>
    tpu.wait_indirect_dma semaphore(%arg14 : memref<!tpu.dma_semaphore, #tpu.memory_space<semaphore_mem>>) src(%dma_wait3A_355 : memref<10000x64xf32, #tpu.memory_space<hbm>>) dst(%dma_wait3A_349 : memref<80x64xf32, #tpu.memory_space<vmem>>)
    %dma_start3A_356 = arith.constant 1 : i32
    %dma_start3A_357 = arith.constant 121 : i32
    %dma_start3A_358 = arith.constant 0 : i32
    %dma_start3A_359 = arith.constant 0 : i32
    %dma_start3A_360 = tpu.memref_slice %arg10[%dma_start3A_356, %dma_start3A_358, %dma_start3A_359] : memref<4x80x64xf32, #tpu.memory_space<vmem>> -> memref<1x80x64xf32, #tpu.memory_space<vmem>>
    %dma_start3A_361 = tpu.memref_squeeze %dma_start3A_360 : memref<1x80x64xf32, #tpu.memory_space<vmem>> -> memref<80x64xf32, #tpu.memory_space<vmem>>
    %dma_start3A_362 = arith.constant 0 : i32
    %dma_start3A_363 = tpu.memref_slice %arg9[%dma_start3A_357, %dma_start3A_362] : memref<125x80xi32, #tpu.memory_space<vmem>> -> memref<1x80xi32, #tpu.memory_space<vmem>>
    %dma_start3A_364 = tpu.memref_squeeze %dma_start3A_363 : memref<1x80xi32, #tpu.memory_space<vmem>> -> memref<80xi32, #tpu.memory_space<vmem>>
    %dma_start3A_365 = arith.constant 0 : i32
    %dma_start3A_366 = arith.constant 0 : i32
    %dma_start3A_367 = tpu.memref_slice %arg12[%dma_start3A_365, %dma_start3A_366] : memref<10240x64xf32, #tpu.memory_space<vmem_shared>> -> memref<10240x64xf32, #tpu.memory_space<vmem_shared>>
    tpu.enqueue_indirect_dma source(%dma_start3A_361 : memref<80x64xf32, #tpu.memory_space<vmem>>) target(%dma_start3A_367 : memref<10240x64xf32, #tpu.memory_space<vmem_shared>>) offsets(%dma_start3A_364 : memref<80xi32, #tpu.memory_space<vmem>>) semaphore(%arg18 : memref<!tpu.dma_semaphore, #tpu.memory_space<semaphore_mem>>) {add = true}
    %dma_wait3A_368 = arith.constant 0 : i32
    %dma_wait3A_369 = arith.constant 120 : i32
    %dma_wait3A_370 = arith.constant 0 : i32
    %dma_wait3A_371 = arith.constant 0 : i32
    %dma_wait3A_372 = tpu.memref_slice %arg10[%dma_wait3A_368, %dma_wait3A_370, %dma_wait3A_371] : memref<4x80x64xf32, #tpu.memory_space<vmem>> -> memref<1x80x64xf32, #tpu.memory_space<vmem>>
    %dma_wait3A_373 = tpu.memref_squeeze %dma_wait3A_372 : memref<1x80x64xf32, #tpu.memory_space<vmem>> -> memref<80x64xf32, #tpu.memory_space<vmem>>
    %dma_wait3A_374 = arith.constant 0 : i32
    %dma_wait3A_375 = tpu.memref_slice %arg9[%dma_wait3A_369, %dma_wait3A_374] : memref<125x80xi32, #tpu.memory_space<vmem>> -> memref<1x80xi32, #tpu.memory_space<vmem>>
    %dma_wait3A_376 = tpu.memref_squeeze %dma_wait3A_375 : memref<1x80xi32, #tpu.memory_space<vmem>> -> memref<80xi32, #tpu.memory_space<vmem>>
    %dma_wait3A_377 = arith.constant 0 : i32
    %dma_wait3A_378 = arith.constant 0 : i32
    %dma_wait3A_379 = tpu.memref_slice %arg12[%dma_wait3A_377, %dma_wait3A_378] : memref<10240x64xf32, #tpu.memory_space<vmem_shared>> -> memref<10240x64xf32, #tpu.memory_space<vmem_shared>>
    tpu.wait_indirect_dma semaphore(%arg17 : memref<!tpu.dma_semaphore, #tpu.memory_space<semaphore_mem>>) src(%dma_wait3A_373 : memref<80x64xf32, #tpu.memory_space<vmem>>) dst(%dma_wait3A_379 : memref<10240x64xf32, #tpu.memory_space<vmem_shared>>)
    %dma_start3A_380 = arith.constant 124 : i32
    %dma_start3A_381 = arith.constant 0 : i32
    %dma_start3A_382 = arith.constant 0 : i32
    %dma_start3A_383 = arith.constant 0 : i32
    %dma_start3A_384 = tpu.memref_slice %arg10[%dma_start3A_381, %dma_start3A_382, %dma_start3A_383] : memref<4x80x64xf32, #tpu.memory_space<vmem>> -> memref<1x80x64xf32, #tpu.memory_space<vmem>>
    %dma_start3A_385 = tpu.memref_squeeze %dma_start3A_384 : memref<1x80x64xf32, #tpu.memory_space<vmem>> -> memref<80x64xf32, #tpu.memory_space<vmem>>
    %dma_start3A_386 = arith.constant 0 : i32
    %dma_start3A_387 = tpu.memref_slice %arg8[%dma_start3A_380, %dma_start3A_386] : memref<125x80xi32, #tpu.memory_space<vmem>> -> memref<1x80xi32, #tpu.memory_space<vmem>>
    %dma_start3A_388 = tpu.memref_squeeze %dma_start3A_387 : memref<1x80xi32, #tpu.memory_space<vmem>> -> memref<80xi32, #tpu.memory_space<vmem>>
    %dma_start3A_389 = arith.constant 0 : i32
    %dma_start3A_390 = arith.constant 0 : i32
    %dma_start3A_391 = tpu.memref_slice %arg3[%dma_start3A_389, %dma_start3A_390] : memref<10000x64xf32, #tpu.memory_space<hbm>> -> memref<10000x64xf32, #tpu.memory_space<hbm>>
    tpu.enqueue_indirect_dma source(%dma_start3A_391 : memref<10000x64xf32, #tpu.memory_space<hbm>>) target(%dma_start3A_385 : memref<80x64xf32, #tpu.memory_space<vmem>>) offsets(%dma_start3A_388 : memref<80xi32, #tpu.memory_space<vmem>>) semaphore(%arg13 : memref<!tpu.dma_semaphore, #tpu.memory_space<semaphore_mem>>)
    %dma_wait3A_392 = arith.constant 122 : i32
    %dma_wait3A_393 = arith.constant 2 : i32
    %dma_wait3A_394 = arith.constant 0 : i32
    %dma_wait3A_395 = arith.constant 0 : i32
    %dma_wait3A_396 = tpu.memref_slice %arg10[%dma_wait3A_393, %dma_wait3A_394, %dma_wait3A_395] : memref<4x80x64xf32, #tpu.memory_space<vmem>> -> memref<1x80x64xf32, #tpu.memory_space<vmem>>
    %dma_wait3A_397 = tpu.memref_squeeze %dma_wait3A_396 : memref<1x80x64xf32, #tpu.memory_space<vmem>> -> memref<80x64xf32, #tpu.memory_space<vmem>>
    %dma_wait3A_398 = arith.constant 0 : i32
    %dma_wait3A_399 = tpu.memref_slice %arg8[%dma_wait3A_392, %dma_wait3A_398] : memref<125x80xi32, #tpu.memory_space<vmem>> -> memref<1x80xi32, #tpu.memory_space<vmem>>
    %dma_wait3A_400 = tpu.memref_squeeze %dma_wait3A_399 : memref<1x80xi32, #tpu.memory_space<vmem>> -> memref<80xi32, #tpu.memory_space<vmem>>
    %dma_wait3A_401 = arith.constant 0 : i32
    %dma_wait3A_402 = arith.constant 0 : i32
    %dma_wait3A_403 = tpu.memref_slice %arg3[%dma_wait3A_401, %dma_wait3A_402] : memref<10000x64xf32, #tpu.memory_space<hbm>> -> memref<10000x64xf32, #tpu.memory_space<hbm>>
    tpu.wait_indirect_dma semaphore(%arg15 : memref<!tpu.dma_semaphore, #tpu.memory_space<semaphore_mem>>) src(%dma_wait3A_403 : memref<10000x64xf32, #tpu.memory_space<hbm>>) dst(%dma_wait3A_397 : memref<80x64xf32, #tpu.memory_space<vmem>>)
    %dma_start3A_404 = arith.constant 2 : i32
    %dma_start3A_405 = arith.constant 122 : i32
    %dma_start3A_406 = arith.constant 0 : i32
    %dma_start3A_407 = arith.constant 0 : i32
    %dma_start3A_408 = tpu.memref_slice %arg10[%dma_start3A_404, %dma_start3A_406, %dma_start3A_407] : memref<4x80x64xf32, #tpu.memory_space<vmem>> -> memref<1x80x64xf32, #tpu.memory_space<vmem>>
    %dma_start3A_409 = tpu.memref_squeeze %dma_start3A_408 : memref<1x80x64xf32, #tpu.memory_space<vmem>> -> memref<80x64xf32, #tpu.memory_space<vmem>>
    %dma_start3A_410 = arith.constant 0 : i32
    %dma_start3A_411 = tpu.memref_slice %arg9[%dma_start3A_405, %dma_start3A_410] : memref<125x80xi32, #tpu.memory_space<vmem>> -> memref<1x80xi32, #tpu.memory_space<vmem>>
    %dma_start3A_412 = tpu.memref_squeeze %dma_start3A_411 : memref<1x80xi32, #tpu.memory_space<vmem>> -> memref<80xi32, #tpu.memory_space<vmem>>
    %dma_start3A_413 = arith.constant 0 : i32
    %dma_start3A_414 = arith.constant 0 : i32
    %dma_start3A_415 = tpu.memref_slice %arg12[%dma_start3A_413, %dma_start3A_414] : memref<10240x64xf32, #tpu.memory_space<vmem_shared>> -> memref<10240x64xf32, #tpu.memory_space<vmem_shared>>
    tpu.enqueue_indirect_dma source(%dma_start3A_409 : memref<80x64xf32, #tpu.memory_space<vmem>>) target(%dma_start3A_415 : memref<10240x64xf32, #tpu.memory_space<vmem_shared>>) offsets(%dma_start3A_412 : memref<80xi32, #tpu.memory_space<vmem>>) semaphore(%arg19 : memref<!tpu.dma_semaphore, #tpu.memory_space<semaphore_mem>>) {add = true}
    %dma_wait3A_416 = arith.constant 1 : i32
    %dma_wait3A_417 = arith.constant 121 : i32
    %dma_wait3A_418 = arith.constant 0 : i32
    %dma_wait3A_419 = arith.constant 0 : i32
    %dma_wait3A_420 = tpu.memref_slice %arg10[%dma_wait3A_416, %dma_wait3A_418, %dma_wait3A_419] : memref<4x80x64xf32, #tpu.memory_space<vmem>> -> memref<1x80x64xf32, #tpu.memory_space<vmem>>
    %dma_wait3A_421 = tpu.memref_squeeze %dma_wait3A_420 : memref<1x80x64xf32, #tpu.memory_space<vmem>> -> memref<80x64xf32, #tpu.memory_space<vmem>>
    %dma_wait3A_422 = arith.constant 0 : i32
    %dma_wait3A_423 = tpu.memref_slice %arg9[%dma_wait3A_417, %dma_wait3A_422] : memref<125x80xi32, #tpu.memory_space<vmem>> -> memref<1x80xi32, #tpu.memory_space<vmem>>
    %dma_wait3A_424 = tpu.memref_squeeze %dma_wait3A_423 : memref<1x80xi32, #tpu.memory_space<vmem>> -> memref<80xi32, #tpu.memory_space<vmem>>
    %dma_wait3A_425 = arith.constant 0 : i32
    %dma_wait3A_426 = arith.constant 0 : i32
    %dma_wait3A_427 = tpu.memref_slice %arg12[%dma_wait3A_425, %dma_wait3A_426] : memref<10240x64xf32, #tpu.memory_space<vmem_shared>> -> memref<10240x64xf32, #tpu.memory_space<vmem_shared>>
    tpu.wait_indirect_dma semaphore(%arg18 : memref<!tpu.dma_semaphore, #tpu.memory_space<semaphore_mem>>) src(%dma_wait3A_421 : memref<80x64xf32, #tpu.memory_space<vmem>>) dst(%dma_wait3A_427 : memref<10240x64xf32, #tpu.memory_space<vmem_shared>>)
    %dma_wait3A_428 = arith.constant 123 : i32
    %dma_wait3A_429 = arith.constant 3 : i32
    %dma_wait3A_430 = arith.constant 0 : i32
    %dma_wait3A_431 = arith.constant 0 : i32
    %dma_wait3A_432 = tpu.memref_slice %arg10[%dma_wait3A_429, %dma_wait3A_430, %dma_wait3A_431] : memref<4x80x64xf32, #tpu.memory_space<vmem>> -> memref<1x80x64xf32, #tpu.memory_space<vmem>>
    %dma_wait3A_433 = tpu.memref_squeeze %dma_wait3A_432 : memref<1x80x64xf32, #tpu.memory_space<vmem>> -> memref<80x64xf32, #tpu.memory_space<vmem>>
    %dma_wait3A_434 = arith.constant 0 : i32
    %dma_wait3A_435 = tpu.memref_slice %arg8[%dma_wait3A_428, %dma_wait3A_434] : memref<125x80xi32, #tpu.memory_space<vmem>> -> memref<1x80xi32, #tpu.memory_space<vmem>>
    %dma_wait3A_436 = tpu.memref_squeeze %dma_wait3A_435 : memref<1x80xi32, #tpu.memory_space<vmem>> -> memref<80xi32, #tpu.memory_space<vmem>>
    %dma_wait3A_437 = arith.constant 0 : i32
    %dma_wait3A_438 = arith.constant 0 : i32
    %dma_wait3A_439 = tpu.memref_slice %arg3[%dma_wait3A_437, %dma_wait3A_438] : memref<10000x64xf32, #tpu.memory_space<hbm>> -> memref<10000x64xf32, #tpu.memory_space<hbm>>
    tpu.wait_indirect_dma semaphore(%arg16 : memref<!tpu.dma_semaphore, #tpu.memory_space<semaphore_mem>>) src(%dma_wait3A_439 : memref<10000x64xf32, #tpu.memory_space<hbm>>) dst(%dma_wait3A_433 : memref<80x64xf32, #tpu.memory_space<vmem>>)
    %dma_start3A_440 = arith.constant 3 : i32
    %dma_start3A_441 = arith.constant 123 : i32
    %dma_start3A_442 = arith.constant 0 : i32
    %dma_start3A_443 = arith.constant 0 : i32
    %dma_start3A_444 = tpu.memref_slice %arg10[%dma_start3A_440, %dma_start3A_442, %dma_start3A_443] : memref<4x80x64xf32, #tpu.memory_space<vmem>> -> memref<1x80x64xf32, #tpu.memory_space<vmem>>
    %dma_start3A_445 = tpu.memref_squeeze %dma_start3A_444 : memref<1x80x64xf32, #tpu.memory_space<vmem>> -> memref<80x64xf32, #tpu.memory_space<vmem>>
    %dma_start3A_446 = arith.constant 0 : i32
    %dma_start3A_447 = tpu.memref_slice %arg9[%dma_start3A_441, %dma_start3A_446] : memref<125x80xi32, #tpu.memory_space<vmem>> -> memref<1x80xi32, #tpu.memory_space<vmem>>
    %dma_start3A_448 = tpu.memref_squeeze %dma_start3A_447 : memref<1x80xi32, #tpu.memory_space<vmem>> -> memref<80xi32, #tpu.memory_space<vmem>>
    %dma_start3A_449 = arith.constant 0 : i32
    %dma_start3A_450 = arith.constant 0 : i32
    %dma_start3A_451 = tpu.memref_slice %arg12[%dma_start3A_449, %dma_start3A_450] : memref<10240x64xf32, #tpu.memory_space<vmem_shared>> -> memref<10240x64xf32, #tpu.memory_space<vmem_shared>>
    tpu.enqueue_indirect_dma source(%dma_start3A_445 : memref<80x64xf32, #tpu.memory_space<vmem>>) target(%dma_start3A_451 : memref<10240x64xf32, #tpu.memory_space<vmem_shared>>) offsets(%dma_start3A_448 : memref<80xi32, #tpu.memory_space<vmem>>) semaphore(%arg20 : memref<!tpu.dma_semaphore, #tpu.memory_space<semaphore_mem>>) {add = true}
    %dma_wait3A_452 = arith.constant 2 : i32
    %dma_wait3A_453 = arith.constant 122 : i32
    %dma_wait3A_454 = arith.constant 0 : i32
    %dma_wait3A_455 = arith.constant 0 : i32
    %dma_wait3A_456 = tpu.memref_slice %arg10[%dma_wait3A_452, %dma_wait3A_454, %dma_wait3A_455] : memref<4x80x64xf32, #tpu.memory_space<vmem>> -> memref<1x80x64xf32, #tpu.memory_space<vmem>>
    %dma_wait3A_457 = tpu.memref_squeeze %dma_wait3A_456 : memref<1x80x64xf32, #tpu.memory_space<vmem>> -> memref<80x64xf32, #tpu.memory_space<vmem>>
    %dma_wait3A_458 = arith.constant 0 : i32
    %dma_wait3A_459 = tpu.memref_slice %arg9[%dma_wait3A_453, %dma_wait3A_458] : memref<125x80xi32, #tpu.memory_space<vmem>> -> memref<1x80xi32, #tpu.memory_space<vmem>>
    %dma_wait3A_460 = tpu.memref_squeeze %dma_wait3A_459 : memref<1x80xi32, #tpu.memory_space<vmem>> -> memref<80xi32, #tpu.memory_space<vmem>>
    %dma_wait3A_461 = arith.constant 0 : i32
    %dma_wait3A_462 = arith.constant 0 : i32
    %dma_wait3A_463 = tpu.memref_slice %arg12[%dma_wait3A_461, %dma_wait3A_462] : memref<10240x64xf32, #tpu.memory_space<vmem_shared>> -> memref<10240x64xf32, #tpu.memory_space<vmem_shared>>
    tpu.wait_indirect_dma semaphore(%arg19 : memref<!tpu.dma_semaphore, #tpu.memory_space<semaphore_mem>>) src(%dma_wait3A_457 : memref<80x64xf32, #tpu.memory_space<vmem>>) dst(%dma_wait3A_463 : memref<10240x64xf32, #tpu.memory_space<vmem_shared>>)
    %dma_wait3A_464 = arith.constant 124 : i32
    %dma_wait3A_465 = arith.constant 0 : i32
    %dma_wait3A_466 = arith.constant 0 : i32
    %dma_wait3A_467 = arith.constant 0 : i32
    %dma_wait3A_468 = tpu.memref_slice %arg10[%dma_wait3A_465, %dma_wait3A_466, %dma_wait3A_467] : memref<4x80x64xf32, #tpu.memory_space<vmem>> -> memref<1x80x64xf32, #tpu.memory_space<vmem>>
    %dma_wait3A_469 = tpu.memref_squeeze %dma_wait3A_468 : memref<1x80x64xf32, #tpu.memory_space<vmem>> -> memref<80x64xf32, #tpu.memory_space<vmem>>
    %dma_wait3A_470 = arith.constant 0 : i32
    %dma_wait3A_471 = tpu.memref_slice %arg8[%dma_wait3A_464, %dma_wait3A_470] : memref<125x80xi32, #tpu.memory_space<vmem>> -> memref<1x80xi32, #tpu.memory_space<vmem>>
    %dma_wait3A_472 = tpu.memref_squeeze %dma_wait3A_471 : memref<1x80xi32, #tpu.memory_space<vmem>> -> memref<80xi32, #tpu.memory_space<vmem>>
    %dma_wait3A_473 = arith.constant 0 : i32
    %dma_wait3A_474 = arith.constant 0 : i32
    %dma_wait3A_475 = tpu.memref_slice %arg3[%dma_wait3A_473, %dma_wait3A_474] : memref<10000x64xf32, #tpu.memory_space<hbm>> -> memref<10000x64xf32, #tpu.memory_space<hbm>>
    tpu.wait_indirect_dma semaphore(%arg13 : memref<!tpu.dma_semaphore, #tpu.memory_space<semaphore_mem>>) src(%dma_wait3A_475 : memref<10000x64xf32, #tpu.memory_space<hbm>>) dst(%dma_wait3A_469 : memref<80x64xf32, #tpu.memory_space<vmem>>)
    %dma_start3A_476 = arith.constant 0 : i32
    %dma_start3A_477 = arith.constant 124 : i32
    %dma_start3A_478 = arith.constant 0 : i32
    %dma_start3A_479 = arith.constant 0 : i32
    %dma_start3A_480 = tpu.memref_slice %arg10[%dma_start3A_476, %dma_start3A_478, %dma_start3A_479] : memref<4x80x64xf32, #tpu.memory_space<vmem>> -> memref<1x80x64xf32, #tpu.memory_space<vmem>>
    %dma_start3A_481 = tpu.memref_squeeze %dma_start3A_480 : memref<1x80x64xf32, #tpu.memory_space<vmem>> -> memref<80x64xf32, #tpu.memory_space<vmem>>
    %dma_start3A_482 = arith.constant 0 : i32
    %dma_start3A_483 = tpu.memref_slice %arg9[%dma_start3A_477, %dma_start3A_482] : memref<125x80xi32, #tpu.memory_space<vmem>> -> memref<1x80xi32, #tpu.memory_space<vmem>>
    %dma_start3A_484 = tpu.memref_squeeze %dma_start3A_483 : memref<1x80xi32, #tpu.memory_space<vmem>> -> memref<80xi32, #tpu.memory_space<vmem>>
    %dma_start3A_485 = arith.constant 0 : i32
    %dma_start3A_486 = arith.constant 0 : i32
    %dma_start3A_487 = tpu.memref_slice %arg12[%dma_start3A_485, %dma_start3A_486] : memref<10240x64xf32, #tpu.memory_space<vmem_shared>> -> memref<10240x64xf32, #tpu.memory_space<vmem_shared>>
    tpu.enqueue_indirect_dma source(%dma_start3A_481 : memref<80x64xf32, #tpu.memory_space<vmem>>) target(%dma_start3A_487 : memref<10240x64xf32, #tpu.memory_space<vmem_shared>>) offsets(%dma_start3A_484 : memref<80xi32, #tpu.memory_space<vmem>>) semaphore(%arg17 : memref<!tpu.dma_semaphore, #tpu.memory_space<semaphore_mem>>) {add = true}
    %dma_wait3A_488 = arith.constant 3 : i32
    %dma_wait3A_489 = arith.constant 123 : i32
    %dma_wait3A_490 = arith.constant 0 : i32
    %dma_wait3A_491 = arith.constant 0 : i32
    %dma_wait3A_492 = tpu.memref_slice %arg10[%dma_wait3A_488, %dma_wait3A_490, %dma_wait3A_491] : memref<4x80x64xf32, #tpu.memory_space<vmem>> -> memref<1x80x64xf32, #tpu.memory_space<vmem>>
    %dma_wait3A_493 = tpu.memref_squeeze %dma_wait3A_492 : memref<1x80x64xf32, #tpu.memory_space<vmem>> -> memref<80x64xf32, #tpu.memory_space<vmem>>
    %dma_wait3A_494 = arith.constant 0 : i32
    %dma_wait3A_495 = tpu.memref_slice %arg9[%dma_wait3A_489, %dma_wait3A_494] : memref<125x80xi32, #tpu.memory_space<vmem>> -> memref<1x80xi32, #tpu.memory_space<vmem>>
    %dma_wait3A_496 = tpu.memref_squeeze %dma_wait3A_495 : memref<1x80xi32, #tpu.memory_space<vmem>> -> memref<80xi32, #tpu.memory_space<vmem>>
    %dma_wait3A_497 = arith.constant 0 : i32
    %dma_wait3A_498 = arith.constant 0 : i32
    %dma_wait3A_499 = tpu.memref_slice %arg12[%dma_wait3A_497, %dma_wait3A_498] : memref<10240x64xf32, #tpu.memory_space<vmem_shared>> -> memref<10240x64xf32, #tpu.memory_space<vmem_shared>>
    tpu.wait_indirect_dma semaphore(%arg20 : memref<!tpu.dma_semaphore, #tpu.memory_space<semaphore_mem>>) src(%dma_wait3A_493 : memref<80x64xf32, #tpu.memory_space<vmem>>) dst(%dma_wait3A_499 : memref<10240x64xf32, #tpu.memory_space<vmem_shared>>)
    %dma_wait3A_500 = arith.constant 0 : i32
    %dma_wait3A_501 = arith.constant 124 : i32
    %dma_wait3A_502 = arith.constant 0 : i32
    %dma_wait3A_503 = arith.constant 0 : i32
    %dma_wait3A_504 = tpu.memref_slice %arg10[%dma_wait3A_500, %dma_wait3A_502, %dma_wait3A_503] : memref<4x80x64xf32, #tpu.memory_space<vmem>> -> memref<1x80x64xf32, #tpu.memory_space<vmem>>
    %dma_wait3A_505 = tpu.memref_squeeze %dma_wait3A_504 : memref<1x80x64xf32, #tpu.memory_space<vmem>> -> memref<80x64xf32, #tpu.memory_space<vmem>>
    %dma_wait3A_506 = arith.constant 0 : i32
    %dma_wait3A_507 = tpu.memref_slice %arg9[%dma_wait3A_501, %dma_wait3A_506] : memref<125x80xi32, #tpu.memory_space<vmem>> -> memref<1x80xi32, #tpu.memory_space<vmem>>
    %dma_wait3A_508 = tpu.memref_squeeze %dma_wait3A_507 : memref<1x80xi32, #tpu.memory_space<vmem>> -> memref<80xi32, #tpu.memory_space<vmem>>
    %dma_wait3A_509 = arith.constant 0 : i32
    %dma_wait3A_510 = arith.constant 0 : i32
    %dma_wait3A_511 = tpu.memref_slice %arg12[%dma_wait3A_509, %dma_wait3A_510] : memref<10240x64xf32, #tpu.memory_space<vmem_shared>> -> memref<10240x64xf32, #tpu.memory_space<vmem_shared>>
    tpu.wait_indirect_dma semaphore(%arg17 : memref<!tpu.dma_semaphore, #tpu.memory_space<semaphore_mem>>) src(%dma_wait3A_505 : memref<80x64xf32, #tpu.memory_space<vmem>>) dst(%dma_wait3A_511 : memref<10240x64xf32, #tpu.memory_space<vmem_shared>>)
    %barrier3A_512 = arith.constant 0 : index
    tpu.barrier barrier_id(%barrier3A_512)
    %mul3A_513 = arith.constant 624 : i32
    %mul3A_514 = arith.muli %arg1, %mul3A_513 : i32
    %mul3A_515 = arith.constant 624 : i32
    %mul3A_516 = arith.muli %arg1, %mul3A_515 : i32
    "tpu.region"() ({
      %run_scoped3A = tpu.sem_alloc : memref<!tpu.dma_semaphore, #tpu.memory_space<semaphore_mem>>
      %dma_start3A_522 = arith.constant 0 : i32
      %dma_start3A_523 = tpu.memref_slice %arg7[%arg0, %mul3A_516, %dma_start3A_522] : memref<2x10000x64xf32, #tpu.memory_space<hbm>> -> memref<1x624x64xf32, #tpu.memory_space<hbm>>
      %dma_start3A_524 = tpu.memref_squeeze %dma_start3A_523 : memref<1x624x64xf32, #tpu.memory_space<hbm>> -> memref<624x64xf32, #tpu.memory_space<hbm>>
      %dma_start3A_525 = arith.constant 0 : i32
      %dma_start3A_526 = tpu.memref_slice %arg12[%mul3A_514, %dma_start3A_525] : memref<10240x64xf32, #tpu.memory_space<vmem_shared>> -> memref<624x64xf32, #tpu.memory_space<vmem_shared>>
      tpu.enqueue_dma source(%dma_start3A_526 : memref<624x64xf32, #tpu.memory_space<vmem_shared>>) target(%dma_start3A_524 : memref<624x64xf32, #tpu.memory_space<hbm>>) target_semaphore(%run_scoped3A : memref<!tpu.dma_semaphore, #tpu.memory_space<semaphore_mem>>)
      %dma_wait3A_527 = arith.constant 0 : i32
      %dma_wait3A_528 = tpu.memref_slice %arg7[%arg0, %mul3A_516, %dma_wait3A_527] : memref<2x10000x64xf32, #tpu.memory_space<hbm>> -> memref<1x624x64xf32, #tpu.memory_space<hbm>>
      %dma_wait3A_529 = tpu.memref_squeeze %dma_wait3A_528 : memref<1x624x64xf32, #tpu.memory_space<hbm>> -> memref<624x64xf32, #tpu.memory_space<hbm>>
      %dma_wait3A_530 = arith.constant 0 : i32
      %dma_wait3A_531 = tpu.memref_slice %arg12[%mul3A_514, %dma_wait3A_530] : memref<10240x64xf32, #tpu.memory_space<vmem_shared>> -> memref<624x64xf32, #tpu.memory_space<vmem_shared>>
      tpu.wait_dma2 semaphore(%run_scoped3A : memref<!tpu.dma_semaphore, #tpu.memory_space<semaphore_mem>>) src(%dma_wait3A_531 : memref<624x64xf32, #tpu.memory_space<vmem_shared>>) dst(%dma_wait3A_529 : memref<624x64xf32, #tpu.memory_space<hbm>>)
      tpu.yield
    }) : () -> ()
    %eq3A_517 = arith.constant 15 : i32
    %eq3A_518 = arith.cmpi eq, %arg1, %eq3A_517 : i32
    %convert_element_type3A_519 = arith.extui %eq3A_518 : i1 to i32
    %cond3A_520 = arith.constant 0 : i32
    %cond3A_521 = arith.cmpi ne, %convert_element_type3A_519, %cond3A_520 : i32
    scf.if %cond3A_521 {
      "tpu.region"() ({
        %run_scoped3A = tpu.sem_alloc : memref<!tpu.dma_semaphore, #tpu.memory_space<semaphore_mem>>
        %dma_start3A_522 = arith.constant 9984 : i32
        %dma_start3A_523 = arith.constant 0 : i32
        %dma_start3A_524 = tpu.memref_slice %arg7[%arg0, %dma_start3A_522, %dma_start3A_523] : memref<2x10000x64xf32, #tpu.memory_space<hbm>> -> memref<1x16x64xf32, #tpu.memory_space<hbm>>
        %dma_start3A_525 = tpu.memref_squeeze %dma_start3A_524 : memref<1x16x64xf32, #tpu.memory_space<hbm>> -> memref<16x64xf32, #tpu.memory_space<hbm>>
        %dma_start3A_526 = arith.constant 9984 : i32
        %dma_start3A_527 = arith.constant 0 : i32
        %dma_start3A_528 = tpu.memref_slice %arg12[%dma_start3A_526, %dma_start3A_527] : memref<10240x64xf32, #tpu.memory_space<vmem_shared>> -> memref<16x64xf32, #tpu.memory_space<vmem_shared>>
        tpu.enqueue_dma source(%dma_start3A_528 : memref<16x64xf32, #tpu.memory_space<vmem_shared>>) target(%dma_start3A_525 : memref<16x64xf32, #tpu.memory_space<hbm>>) target_semaphore(%run_scoped3A : memref<!tpu.dma_semaphore, #tpu.memory_space<semaphore_mem>>)
        %dma_wait3A_529 = arith.constant 9984 : i32
        %dma_wait3A_530 = arith.constant 0 : i32
        %dma_wait3A_531 = tpu.memref_slice %arg7[%arg0, %dma_wait3A_529, %dma_wait3A_530] : memref<2x10000x64xf32, #tpu.memory_space<hbm>> -> memref<1x16x64xf32, #tpu.memory_space<hbm>>
        %dma_wait3A_532 = tpu.memref_squeeze %dma_wait3A_531 : memref<1x16x64xf32, #tpu.memory_space<hbm>> -> memref<16x64xf32, #tpu.memory_space<hbm>>
        %dma_wait3A_533 = arith.constant 9984 : i32
        %dma_wait3A_534 = arith.constant 0 : i32
        %dma_wait3A_535 = tpu.memref_slice %arg12[%dma_wait3A_533, %dma_wait3A_534] : memref<10240x64xf32, #tpu.memory_space<vmem_shared>> -> memref<16x64xf32, #tpu.memory_space<vmem_shared>>
        tpu.wait_dma2 semaphore(%run_scoped3A : memref<!tpu.dma_semaphore, #tpu.memory_space<semaphore_mem>>) src(%dma_wait3A_535 : memref<16x64xf32, #tpu.memory_space<vmem_shared>>) dst(%dma_wait3A_532 : memref<16x64xf32, #tpu.memory_space<hbm>>)
        tpu.yield
      }) : () -> ()
    } else {
    }
    return
  }
}

module attributes {stable_mosaic.version = 14 : i64} {
  func.func @_layer_body(%arg0: memref<10000x128xf32, #tpu.memory_space<vmem>>, %arg1: memref<2x10000x64xf32, #tpu.memory_space<vmem>>, %arg2: memref<2x10000x64xf32, #tpu.memory_space<vmem>>, %arg3: memref<128x64xf32, #tpu.memory_space<vmem>>, %arg4: memref<1x64xf32, #tpu.memory_space<vmem>>, %arg5: memref<1x64xf32, #tpu.memory_space<vmem>>, %arg6: memref<1x64xf32, #tpu.memory_space<vmem>>, %arg7: memref<64x64xf32, #tpu.memory_space<vmem>>, %arg8: memref<1x64xf32, #tpu.memory_space<vmem>>, %arg9: memref<1x64xf32, #tpu.memory_space<vmem>>, %arg10: memref<1x64xf32, #tpu.memory_space<vmem>>, %arg11: memref<10000x1xi32, #tpu.memory_space<vmem>>, %arg12: memref<10000x64xf32, #tpu.memory_space<vmem>>, %arg13: memref<64x128xf32, #tpu.memory_space<vmem>>) attributes {dimension_semantics = [], scalar_prefetch = 0 : i64, scratch_operands = 0 : i64, tpu.core_type = #tpu.core_type<tc>} {
    %get3A = arith.constant 0 : index
    %get3A_0 = arith.constant 0 : index
    %get3A_1 = arith.constant 0 : index
    %get3A_2 = vector.load %arg1[%get3A, %get3A_0, %get3A_1] : memref<2x10000x64xf32, #tpu.memory_space<vmem>>, vector<1x10000x64xf32>
    %get3A_3 = vector.shape_cast %get3A_2 : vector<1x10000x64xf32> to vector<10000x64xf32>
    %get3A_4 = arith.constant 1 : index
    %get3A_5 = arith.constant 0 : index
    %get3A_6 = arith.constant 0 : index
    %get3A_7 = vector.load %arg1[%get3A_4, %get3A_5, %get3A_6] : memref<2x10000x64xf32, #tpu.memory_space<vmem>>, vector<1x10000x64xf32>
    %get3A_8 = vector.shape_cast %get3A_7 : vector<1x10000x64xf32> to vector<10000x64xf32>
    %add3A = arith.addf %get3A_3, %get3A_8 : vector<10000x64xf32>
    %get3A_9 = arith.constant 0 : index
    %get3A_10 = arith.constant 0 : index
    %get3A_11 = arith.constant 0 : index
    %get3A_12 = vector.load %arg2[%get3A_9, %get3A_10, %get3A_11] : memref<2x10000x64xf32, #tpu.memory_space<vmem>>, vector<1x10000x64xf32>
    %get3A_13 = vector.shape_cast %get3A_12 : vector<1x10000x64xf32> to vector<10000x64xf32>
    %get3A_14 = arith.constant 1 : index
    %get3A_15 = arith.constant 0 : index
    %get3A_16 = arith.constant 0 : index
    %get3A_17 = vector.load %arg2[%get3A_14, %get3A_15, %get3A_16] : memref<2x10000x64xf32, #tpu.memory_space<vmem>>, vector<1x10000x64xf32>
    %get3A_18 = vector.shape_cast %get3A_17 : vector<1x10000x64xf32> to vector<10000x64xf32>
    %add3A_19 = arith.addf %get3A_13, %get3A_18 : vector<10000x64xf32>
    %concatenate3A = tpu.concatenate %add3A, %add3A_19 in 1 : vector<10000x64xf32>, vector<10000x64xf32> -> vector<10000x128xf32>
    %get3A_20 = arith.constant 0 : index
    %get3A_21 = arith.constant 0 : index
    %get3A_22 = vector.load %arg0[%get3A_20, %get3A_21] : memref<10000x128xf32, #tpu.memory_space<vmem>>, vector<10000x128xf32>
    %add3A_23 = arith.addf %get3A_22, %concatenate3A : vector<10000x128xf32>
    %get3A_24 = arith.constant 0 : index
    %get3A_25 = arith.constant 0 : index
    %get3A_26 = vector.load %arg3[%get3A_24, %get3A_25] : memref<128x64xf32, #tpu.memory_space<vmem>>, vector<128x64xf32>
    %dot_general3A = arith.constant dense<0.000000e+00> : vector<10000x64xf32>
    %dot_general3A_27 = tpu.matmul %add3A_23, %get3A_26, %dot_general3A {dimension_numbers = #tpu.dot_dimension_numbers<[1], [0], [0], [1], [0, 0, 1, 1], [], []>, transpose_lhs_hint = false} : vector<10000x128xf32>, vector<128x64xf32>, vector<10000x64xf32> -> vector<10000x64xf32>
    %get3A_28 = arith.constant 0 : index
    %get3A_29 = arith.constant 0 : index
    %get3A_30 = vector.load %arg4[%get3A_28, %get3A_29] : memref<1x64xf32, #tpu.memory_space<vmem>>, vector<1x64xf32>
    %add3A_31 = vector.broadcast %get3A_30 : vector<1x64xf32> to vector<10000x64xf32>
    %add3A_32 = arith.addf %dot_general3A_27, %add3A_31 : vector<10000x64xf32>
    %get3A_33 = arith.constant 0 : index
    %get3A_34 = arith.constant 0 : index
    %get3A_35 = vector.load %arg5[%get3A_33, %get3A_34] : memref<1x64xf32, #tpu.memory_space<vmem>>, vector<1x64xf32>
    %get3A_36 = arith.constant 0 : index
    %get3A_37 = arith.constant 0 : index
    %get3A_38 = vector.load %arg6[%get3A_36, %get3A_37] : memref<1x64xf32, #tpu.memory_space<vmem>>, vector<1x64xf32>
    %reduce_sum3A = arith.constant dense<0.000000e+00> : vector<64xf32>
    %reduce_sum3A_39 = vector.multi_reduction <add>, %add3A_32, %reduce_sum3A [0] : vector<10000x64xf32> to vector<64xf32>
    %div3A = arith.constant 1.000000e+04 : f32
    %div3A_40 = vector.broadcast %div3A : f32 to vector<64xf32>
    %div3A_41 = arith.divf %reduce_sum3A_39, %div3A_40 : vector<64xf32>
    %jit3A = arith.constant 0 : i32
    %reduce_sum3A_42 = arith.constant dense<0.000000e+00> : vector<64xf32>
    %reduce_sum3A_43 = vector.multi_reduction <add>, %add3A_32, %reduce_sum3A_42 [0] : vector<10000x64xf32> to vector<64xf32>
    %broadcast_in_dim3A = vector.shape_cast %reduce_sum3A_43 : vector<64xf32> to vector<1x64xf32>
    %div3A_44 = arith.constant 1.000000e+04 : f32
    %div3A_45 = vector.broadcast %div3A_44 : f32 to vector<1x64xf32>
    %div3A_46 = arith.divf %broadcast_in_dim3A, %div3A_45 : vector<1x64xf32>
    %sub3A = vector.broadcast %div3A_46 : vector<1x64xf32> to vector<10000x64xf32>
    %sub3A_47 = arith.subf %add3A_32, %sub3A : vector<10000x64xf32>
    %square3A = arith.mulf %sub3A_47, %sub3A_47 : vector<10000x64xf32>
    %convert_element_type3A = arith.sitofp %jit3A : i32 to f32
    %sub3A_48 = arith.constant 1.000000e+04 : f32
    %sub3A_49 = arith.subf %sub3A_48, %convert_element_type3A : f32
    %reduce_sum3A_50 = arith.constant dense<0.000000e+00> : vector<64xf32>
    %reduce_sum3A_51 = vector.multi_reduction <add>, %square3A, %reduce_sum3A_50 [0] : vector<10000x64xf32> to vector<64xf32>
    %div3A_52 = vector.broadcast %sub3A_49 : f32 to vector<64xf32>
    %div3A_53 = arith.divf %reduce_sum3A_51, %div3A_52 : vector<64xf32>
    %gt3A = arith.constant 0.000000e+00 : f32
    %gt3A_54 = arith.cmpf ogt, %sub3A_49, %gt3A : f32
    %jit3A_55 = arith.constant 0x7FC00000 : f32
    %broadcast_in_dim3A_56 = vector.broadcast %jit3A_55 : f32 to vector<64xf32>
    %select_n3A = arith.select %gt3A_54, %div3A_53, %broadcast_in_dim3A_56 : vector<64xf32>
    %broadcast_in_dim3A_57 = vector.shape_cast %div3A_41 : vector<64xf32> to vector<1x64xf32>
    %sub3A_58 = vector.broadcast %broadcast_in_dim3A_57 : vector<1x64xf32> to vector<10000x64xf32>
    %sub3A_59 = arith.subf %add3A_32, %sub3A_58 : vector<10000x64xf32>
    %add3A_60 = arith.constant 9.99999974E-6 : f32
    %add3A_61 = vector.broadcast %add3A_60 : f32 to vector<64xf32>
    %add3A_62 = arith.addf %select_n3A, %add3A_61 : vector<64xf32>
    %sqrt3A = math.sqrt %add3A_62 : vector<64xf32>
    %broadcast_in_dim3A_63 = vector.shape_cast %sqrt3A : vector<64xf32> to vector<1x64xf32>
    %div3A_64 = vector.broadcast %broadcast_in_dim3A_63 : vector<1x64xf32> to vector<10000x64xf32>
    %div3A_65 = arith.divf %sub3A_59, %div3A_64 : vector<10000x64xf32>
    %mul3A = vector.broadcast %get3A_35 : vector<1x64xf32> to vector<10000x64xf32>
    %mul3A_66 = arith.mulf %div3A_65, %mul3A : vector<10000x64xf32>
    %add3A_67 = vector.broadcast %get3A_38 : vector<1x64xf32> to vector<10000x64xf32>
    %add3A_68 = arith.addf %mul3A_66, %add3A_67 : vector<10000x64xf32>
    %max3A = arith.constant 0.000000e+00 : f32
    %max3A_69 = vector.broadcast %max3A : f32 to vector<10000x64xf32>
    %max3A_70 = arith.maximumf %add3A_68, %max3A_69 : vector<10000x64xf32>
    %get3A_71 = arith.constant 0 : index
    %get3A_72 = arith.constant 0 : index
    %get3A_73 = vector.load %arg7[%get3A_71, %get3A_72] : memref<64x64xf32, #tpu.memory_space<vmem>>, vector<64x64xf32>
    %dot_general3A_74 = arith.constant dense<0.000000e+00> : vector<10000x64xf32>
    %dot_general3A_75 = tpu.matmul %max3A_70, %get3A_73, %dot_general3A_74 {dimension_numbers = #tpu.dot_dimension_numbers<[1], [0], [0], [1], [0, 0, 1, 1], [], []>, transpose_lhs_hint = false} : vector<10000x64xf32>, vector<64x64xf32>, vector<10000x64xf32> -> vector<10000x64xf32>
    %get3A_76 = arith.constant 0 : index
    %get3A_77 = arith.constant 0 : index
    %get3A_78 = vector.load %arg8[%get3A_76, %get3A_77] : memref<1x64xf32, #tpu.memory_space<vmem>>, vector<1x64xf32>
    %add3A_79 = vector.broadcast %get3A_78 : vector<1x64xf32> to vector<10000x64xf32>
    %add3A_80 = arith.addf %dot_general3A_75, %add3A_79 : vector<10000x64xf32>
    %get3A_81 = arith.constant 0 : index
    %get3A_82 = arith.constant 0 : index
    %get3A_83 = vector.load %arg9[%get3A_81, %get3A_82] : memref<1x64xf32, #tpu.memory_space<vmem>>, vector<1x64xf32>
    %get3A_84 = arith.constant 0 : index
    %get3A_85 = arith.constant 0 : index
    %get3A_86 = vector.load %arg10[%get3A_84, %get3A_85] : memref<1x64xf32, #tpu.memory_space<vmem>>, vector<1x64xf32>
    %reduce_sum3A_87 = arith.constant dense<0.000000e+00> : vector<64xf32>
    %reduce_sum3A_88 = vector.multi_reduction <add>, %add3A_80, %reduce_sum3A_87 [0] : vector<10000x64xf32> to vector<64xf32>
    %div3A_89 = arith.constant 1.000000e+04 : f32
    %div3A_90 = vector.broadcast %div3A_89 : f32 to vector<64xf32>
    %div3A_91 = arith.divf %reduce_sum3A_88, %div3A_90 : vector<64xf32>
    %jit3A_92 = arith.constant 0 : i32
    %reduce_sum3A_93 = arith.constant dense<0.000000e+00> : vector<64xf32>
    %reduce_sum3A_94 = vector.multi_reduction <add>, %add3A_80, %reduce_sum3A_93 [0] : vector<10000x64xf32> to vector<64xf32>
    %broadcast_in_dim3A_95 = vector.shape_cast %reduce_sum3A_94 : vector<64xf32> to vector<1x64xf32>
    %div3A_96 = arith.constant 1.000000e+04 : f32
    %div3A_97 = vector.broadcast %div3A_96 : f32 to vector<1x64xf32>
    %div3A_98 = arith.divf %broadcast_in_dim3A_95, %div3A_97 : vector<1x64xf32>
    %sub3A_99 = vector.broadcast %div3A_98 : vector<1x64xf32> to vector<10000x64xf32>
    %sub3A_100 = arith.subf %add3A_80, %sub3A_99 : vector<10000x64xf32>
    %square3A_101 = arith.mulf %sub3A_100, %sub3A_100 : vector<10000x64xf32>
    %convert_element_type3A_102 = arith.sitofp %jit3A_92 : i32 to f32
    %sub3A_103 = arith.constant 1.000000e+04 : f32
    %sub3A_104 = arith.subf %sub3A_103, %convert_element_type3A_102 : f32
    %reduce_sum3A_105 = arith.constant dense<0.000000e+00> : vector<64xf32>
    %reduce_sum3A_106 = vector.multi_reduction <add>, %square3A_101, %reduce_sum3A_105 [0] : vector<10000x64xf32> to vector<64xf32>
    %div3A_107 = vector.broadcast %sub3A_104 : f32 to vector<64xf32>
    %div3A_108 = arith.divf %reduce_sum3A_106, %div3A_107 : vector<64xf32>
    %gt3A_109 = arith.constant 0.000000e+00 : f32
    %gt3A_110 = arith.cmpf ogt, %sub3A_104, %gt3A_109 : f32
    %jit3A_111 = arith.constant 0x7FC00000 : f32
    %broadcast_in_dim3A_112 = vector.broadcast %jit3A_111 : f32 to vector<64xf32>
    %select_n3A_113 = arith.select %gt3A_110, %div3A_108, %broadcast_in_dim3A_112 : vector<64xf32>
    %broadcast_in_dim3A_114 = vector.shape_cast %div3A_91 : vector<64xf32> to vector<1x64xf32>
    %sub3A_115 = vector.broadcast %broadcast_in_dim3A_114 : vector<1x64xf32> to vector<10000x64xf32>
    %sub3A_116 = arith.subf %add3A_80, %sub3A_115 : vector<10000x64xf32>
    %add3A_117 = arith.constant 9.99999974E-6 : f32
    %add3A_118 = vector.broadcast %add3A_117 : f32 to vector<64xf32>
    %add3A_119 = arith.addf %select_n3A_113, %add3A_118 : vector<64xf32>
    %sqrt3A_120 = math.sqrt %add3A_119 : vector<64xf32>
    %broadcast_in_dim3A_121 = vector.shape_cast %sqrt3A_120 : vector<64xf32> to vector<1x64xf32>
    %div3A_122 = vector.broadcast %broadcast_in_dim3A_121 : vector<1x64xf32> to vector<10000x64xf32>
    %div3A_123 = arith.divf %sub3A_116, %div3A_122 : vector<10000x64xf32>
    %mul3A_124 = vector.broadcast %get3A_83 : vector<1x64xf32> to vector<10000x64xf32>
    %mul3A_125 = arith.mulf %div3A_123, %mul3A_124 : vector<10000x64xf32>
    %add3A_126 = vector.broadcast %get3A_86 : vector<1x64xf32> to vector<10000x64xf32>
    %add3A_127 = arith.addf %mul3A_125, %add3A_126 : vector<10000x64xf32>
    %max3A_128 = arith.constant 0.000000e+00 : f32
    %max3A_129 = vector.broadcast %max3A_128 : f32 to vector<10000x64xf32>
    %max3A_130 = arith.maximumf %add3A_127, %max3A_129 : vector<10000x64xf32>
    %swap3A = arith.constant 0 : index
    %swap3A_131 = arith.constant 0 : index
    %swap3A_132 = vector.load %arg12[%swap3A, %swap3A_131] : memref<10000x64xf32, #tpu.memory_space<vmem>>, vector<10000x64xf32>
    tpu.vector_store %arg12[%swap3A, %swap3A_131], %max3A_130 {strides = array<i32>} : memref<10000x64xf32, #tpu.memory_space<vmem>>, vector<10000x64xf32>,
    %get3A_133 = arith.constant 0 : index
    %get3A_134 = arith.constant 0 : index
    %get3A_135 = vector.load %arg11[%get3A_133, %get3A_134] : memref<10000x1xi32, #tpu.memory_space<vmem>>, vector<10000x1xi32>
    %get3A_136 = arith.constant 0 : index
    %get3A_137 = arith.constant 0 : index
    %get3A_138 = vector.load %arg0[%get3A_136, %get3A_137] : memref<10000x128xf32, #tpu.memory_space<vmem>>, vector<10000x128xf32>
    %iota3A = tpu.iota {dimensions = array<i32: 1>} : vector<10000x64xi32>
    %eq3A = vector.broadcast %get3A_135 : vector<10000x1xi32> to vector<10000x64xi32>
    %eq3A_139 = arith.cmpi eq, %eq3A, %iota3A : vector<10000x64xi32>
    %convert_element_type3A_140 = arith.extui %eq3A_139 : vector<10000x64xi1> to vector<10000x64xi32>
    %convert_element_type3A_141 = arith.sitofp %convert_element_type3A_140 : vector<10000x64xi32> to vector<10000x64xf32>
    %dot_general3A_142 = arith.constant dense<0.000000e+00> : vector<64x128xf32>
    %dot_general3A_143 = tpu.matmul %convert_element_type3A_141, %get3A_138, %dot_general3A_142 {dimension_numbers = #tpu.dot_dimension_numbers<[0], [0], [1], [1], [0, 1, 1, 1], [], []>, precision = #tpu.contract_precision<fp32>, transpose_lhs_hint = false} : vector<10000x64xf32>, vector<10000x128xf32>, vector<64x128xf32> -> vector<64x128xf32>
    %swap3A_144 = arith.constant 0 : index
    %swap3A_145 = arith.constant 0 : index
    %swap3A_146 = vector.load %arg13[%swap3A_144, %swap3A_145] : memref<64x128xf32, #tpu.memory_space<vmem>>, vector<64x128xf32>
    tpu.vector_store %arg13[%swap3A_144, %swap3A_145], %dot_general3A_143 {strides = array<i32>} : memref<64x128xf32, #tpu.memory_space<vmem>>, vector<64x128xf32>,
    return
  }
}

module attributes {stable_mosaic.version = 14 : i64} {
  func.func @_layer_body(%arg0: memref<10000x64xf32, #tpu.memory_space<vmem>>, %arg1: memref<2x10000x64xf32, #tpu.memory_space<vmem>>, %arg2: memref<64x64xf32, #tpu.memory_space<vmem>>, %arg3: memref<1x64xf32, #tpu.memory_space<vmem>>, %arg4: memref<1x64xf32, #tpu.memory_space<vmem>>, %arg5: memref<1x64xf32, #tpu.memory_space<vmem>>, %arg6: memref<64x64xf32, #tpu.memory_space<vmem>>, %arg7: memref<1x64xf32, #tpu.memory_space<vmem>>, %arg8: memref<1x64xf32, #tpu.memory_space<vmem>>, %arg9: memref<1x64xf32, #tpu.memory_space<vmem>>, %arg10: memref<10000x1xi32, #tpu.memory_space<vmem>>, %arg11: memref<10000x64xf32, #tpu.memory_space<vmem>>, %arg12: memref<64x64xf32, #tpu.memory_space<vmem>>) attributes {dimension_semantics = [], scalar_prefetch = 0 : i64, scratch_operands = 0 : i64, tpu.core_type = #tpu.core_type<tc>} {
    %get3A = arith.constant 0 : index
    %get3A_0 = arith.constant 0 : index
    %get3A_1 = arith.constant 0 : index
    %get3A_2 = vector.load %arg1[%get3A, %get3A_0, %get3A_1] : memref<2x10000x64xf32, #tpu.memory_space<vmem>>, vector<1x10000x64xf32>
    %get3A_3 = vector.shape_cast %get3A_2 : vector<1x10000x64xf32> to vector<10000x64xf32>
    %get3A_4 = arith.constant 1 : index
    %get3A_5 = arith.constant 0 : index
    %get3A_6 = arith.constant 0 : index
    %get3A_7 = vector.load %arg1[%get3A_4, %get3A_5, %get3A_6] : memref<2x10000x64xf32, #tpu.memory_space<vmem>>, vector<1x10000x64xf32>
    %get3A_8 = vector.shape_cast %get3A_7 : vector<1x10000x64xf32> to vector<10000x64xf32>
    %add3A = arith.addf %get3A_3, %get3A_8 : vector<10000x64xf32>
    %get3A_9 = arith.constant 0 : index
    %get3A_10 = arith.constant 0 : index
    %get3A_11 = vector.load %arg0[%get3A_9, %get3A_10] : memref<10000x64xf32, #tpu.memory_space<vmem>>, vector<10000x64xf32>
    %add3A_12 = arith.addf %get3A_11, %add3A : vector<10000x64xf32>
    %get3A_13 = arith.constant 0 : index
    %get3A_14 = arith.constant 0 : index
    %get3A_15 = vector.load %arg2[%get3A_13, %get3A_14] : memref<64x64xf32, #tpu.memory_space<vmem>>, vector<64x64xf32>
    %dot_general3A = arith.constant dense<0.000000e+00> : vector<10000x64xf32>
    %dot_general3A_16 = tpu.matmul %add3A_12, %get3A_15, %dot_general3A {dimension_numbers = #tpu.dot_dimension_numbers<[1], [0], [0], [1], [0, 0, 1, 1], [], []>, transpose_lhs_hint = false} : vector<10000x64xf32>, vector<64x64xf32>, vector<10000x64xf32> -> vector<10000x64xf32>
    %get3A_17 = arith.constant 0 : index
    %get3A_18 = arith.constant 0 : index
    %get3A_19 = vector.load %arg3[%get3A_17, %get3A_18] : memref<1x64xf32, #tpu.memory_space<vmem>>, vector<1x64xf32>
    %add3A_20 = vector.broadcast %get3A_19 : vector<1x64xf32> to vector<10000x64xf32>
    %add3A_21 = arith.addf %dot_general3A_16, %add3A_20 : vector<10000x64xf32>
    %get3A_22 = arith.constant 0 : index
    %get3A_23 = arith.constant 0 : index
    %get3A_24 = vector.load %arg4[%get3A_22, %get3A_23] : memref<1x64xf32, #tpu.memory_space<vmem>>, vector<1x64xf32>
    %get3A_25 = arith.constant 0 : index
    %get3A_26 = arith.constant 0 : index
    %get3A_27 = vector.load %arg5[%get3A_25, %get3A_26] : memref<1x64xf32, #tpu.memory_space<vmem>>, vector<1x64xf32>
    %reduce_sum3A = arith.constant dense<0.000000e+00> : vector<64xf32>
    %reduce_sum3A_28 = vector.multi_reduction <add>, %add3A_21, %reduce_sum3A [0] : vector<10000x64xf32> to vector<64xf32>
    %div3A = arith.constant 1.000000e+04 : f32
    %div3A_29 = vector.broadcast %div3A : f32 to vector<64xf32>
    %div3A_30 = arith.divf %reduce_sum3A_28, %div3A_29 : vector<64xf32>
    %jit3A = arith.constant 0 : i32
    %reduce_sum3A_31 = arith.constant dense<0.000000e+00> : vector<64xf32>
    %reduce_sum3A_32 = vector.multi_reduction <add>, %add3A_21, %reduce_sum3A_31 [0] : vector<10000x64xf32> to vector<64xf32>
    %broadcast_in_dim3A = vector.shape_cast %reduce_sum3A_32 : vector<64xf32> to vector<1x64xf32>
    %div3A_33 = arith.constant 1.000000e+04 : f32
    %div3A_34 = vector.broadcast %div3A_33 : f32 to vector<1x64xf32>
    %div3A_35 = arith.divf %broadcast_in_dim3A, %div3A_34 : vector<1x64xf32>
    %sub3A = vector.broadcast %div3A_35 : vector<1x64xf32> to vector<10000x64xf32>
    %sub3A_36 = arith.subf %add3A_21, %sub3A : vector<10000x64xf32>
    %square3A = arith.mulf %sub3A_36, %sub3A_36 : vector<10000x64xf32>
    %convert_element_type3A = arith.sitofp %jit3A : i32 to f32
    %sub3A_37 = arith.constant 1.000000e+04 : f32
    %sub3A_38 = arith.subf %sub3A_37, %convert_element_type3A : f32
    %reduce_sum3A_39 = arith.constant dense<0.000000e+00> : vector<64xf32>
    %reduce_sum3A_40 = vector.multi_reduction <add>, %square3A, %reduce_sum3A_39 [0] : vector<10000x64xf32> to vector<64xf32>
    %div3A_41 = vector.broadcast %sub3A_38 : f32 to vector<64xf32>
    %div3A_42 = arith.divf %reduce_sum3A_40, %div3A_41 : vector<64xf32>
    %gt3A = arith.constant 0.000000e+00 : f32
    %gt3A_43 = arith.cmpf ogt, %sub3A_38, %gt3A : f32
    %jit3A_44 = arith.constant 0x7FC00000 : f32
    %broadcast_in_dim3A_45 = vector.broadcast %jit3A_44 : f32 to vector<64xf32>
    %select_n3A = arith.select %gt3A_43, %div3A_42, %broadcast_in_dim3A_45 : vector<64xf32>
    %broadcast_in_dim3A_46 = vector.shape_cast %div3A_30 : vector<64xf32> to vector<1x64xf32>
    %sub3A_47 = vector.broadcast %broadcast_in_dim3A_46 : vector<1x64xf32> to vector<10000x64xf32>
    %sub3A_48 = arith.subf %add3A_21, %sub3A_47 : vector<10000x64xf32>
    %add3A_49 = arith.constant 9.99999974E-6 : f32
    %add3A_50 = vector.broadcast %add3A_49 : f32 to vector<64xf32>
    %add3A_51 = arith.addf %select_n3A, %add3A_50 : vector<64xf32>
    %sqrt3A = math.sqrt %add3A_51 : vector<64xf32>
    %broadcast_in_dim3A_52 = vector.shape_cast %sqrt3A : vector<64xf32> to vector<1x64xf32>
    %div3A_53 = vector.broadcast %broadcast_in_dim3A_52 : vector<1x64xf32> to vector<10000x64xf32>
    %div3A_54 = arith.divf %sub3A_48, %div3A_53 : vector<10000x64xf32>
    %mul3A = vector.broadcast %get3A_24 : vector<1x64xf32> to vector<10000x64xf32>
    %mul3A_55 = arith.mulf %div3A_54, %mul3A : vector<10000x64xf32>
    %add3A_56 = vector.broadcast %get3A_27 : vector<1x64xf32> to vector<10000x64xf32>
    %add3A_57 = arith.addf %mul3A_55, %add3A_56 : vector<10000x64xf32>
    %max3A = arith.constant 0.000000e+00 : f32
    %max3A_58 = vector.broadcast %max3A : f32 to vector<10000x64xf32>
    %max3A_59 = arith.maximumf %add3A_57, %max3A_58 : vector<10000x64xf32>
    %get3A_60 = arith.constant 0 : index
    %get3A_61 = arith.constant 0 : index
    %get3A_62 = vector.load %arg6[%get3A_60, %get3A_61] : memref<64x64xf32, #tpu.memory_space<vmem>>, vector<64x64xf32>
    %dot_general3A_63 = arith.constant dense<0.000000e+00> : vector<10000x64xf32>
    %dot_general3A_64 = tpu.matmul %max3A_59, %get3A_62, %dot_general3A_63 {dimension_numbers = #tpu.dot_dimension_numbers<[1], [0], [0], [1], [0, 0, 1, 1], [], []>, transpose_lhs_hint = false} : vector<10000x64xf32>, vector<64x64xf32>, vector<10000x64xf32> -> vector<10000x64xf32>
    %get3A_65 = arith.constant 0 : index
    %get3A_66 = arith.constant 0 : index
    %get3A_67 = vector.load %arg7[%get3A_65, %get3A_66] : memref<1x64xf32, #tpu.memory_space<vmem>>, vector<1x64xf32>
    %add3A_68 = vector.broadcast %get3A_67 : vector<1x64xf32> to vector<10000x64xf32>
    %add3A_69 = arith.addf %dot_general3A_64, %add3A_68 : vector<10000x64xf32>
    %get3A_70 = arith.constant 0 : index
    %get3A_71 = arith.constant 0 : index
    %get3A_72 = vector.load %arg8[%get3A_70, %get3A_71] : memref<1x64xf32, #tpu.memory_space<vmem>>, vector<1x64xf32>
    %get3A_73 = arith.constant 0 : index
    %get3A_74 = arith.constant 0 : index
    %get3A_75 = vector.load %arg9[%get3A_73, %get3A_74] : memref<1x64xf32, #tpu.memory_space<vmem>>, vector<1x64xf32>
    %reduce_sum3A_76 = arith.constant dense<0.000000e+00> : vector<64xf32>
    %reduce_sum3A_77 = vector.multi_reduction <add>, %add3A_69, %reduce_sum3A_76 [0] : vector<10000x64xf32> to vector<64xf32>
    %div3A_78 = arith.constant 1.000000e+04 : f32
    %div3A_79 = vector.broadcast %div3A_78 : f32 to vector<64xf32>
    %div3A_80 = arith.divf %reduce_sum3A_77, %div3A_79 : vector<64xf32>
    %jit3A_81 = arith.constant 0 : i32
    %reduce_sum3A_82 = arith.constant dense<0.000000e+00> : vector<64xf32>
    %reduce_sum3A_83 = vector.multi_reduction <add>, %add3A_69, %reduce_sum3A_82 [0] : vector<10000x64xf32> to vector<64xf32>
    %broadcast_in_dim3A_84 = vector.shape_cast %reduce_sum3A_83 : vector<64xf32> to vector<1x64xf32>
    %div3A_85 = arith.constant 1.000000e+04 : f32
    %div3A_86 = vector.broadcast %div3A_85 : f32 to vector<1x64xf32>
    %div3A_87 = arith.divf %broadcast_in_dim3A_84, %div3A_86 : vector<1x64xf32>
    %sub3A_88 = vector.broadcast %div3A_87 : vector<1x64xf32> to vector<10000x64xf32>
    %sub3A_89 = arith.subf %add3A_69, %sub3A_88 : vector<10000x64xf32>
    %square3A_90 = arith.mulf %sub3A_89, %sub3A_89 : vector<10000x64xf32>
    %convert_element_type3A_91 = arith.sitofp %jit3A_81 : i32 to f32
    %sub3A_92 = arith.constant 1.000000e+04 : f32
    %sub3A_93 = arith.subf %sub3A_92, %convert_element_type3A_91 : f32
    %reduce_sum3A_94 = arith.constant dense<0.000000e+00> : vector<64xf32>
    %reduce_sum3A_95 = vector.multi_reduction <add>, %square3A_90, %reduce_sum3A_94 [0] : vector<10000x64xf32> to vector<64xf32>
    %div3A_96 = vector.broadcast %sub3A_93 : f32 to vector<64xf32>
    %div3A_97 = arith.divf %reduce_sum3A_95, %div3A_96 : vector<64xf32>
    %gt3A_98 = arith.constant 0.000000e+00 : f32
    %gt3A_99 = arith.cmpf ogt, %sub3A_93, %gt3A_98 : f32
    %jit3A_100 = arith.constant 0x7FC00000 : f32
    %broadcast_in_dim3A_101 = vector.broadcast %jit3A_100 : f32 to vector<64xf32>
    %select_n3A_102 = arith.select %gt3A_99, %div3A_97, %broadcast_in_dim3A_101 : vector<64xf32>
    %broadcast_in_dim3A_103 = vector.shape_cast %div3A_80 : vector<64xf32> to vector<1x64xf32>
    %sub3A_104 = vector.broadcast %broadcast_in_dim3A_103 : vector<1x64xf32> to vector<10000x64xf32>
    %sub3A_105 = arith.subf %add3A_69, %sub3A_104 : vector<10000x64xf32>
    %add3A_106 = arith.constant 9.99999974E-6 : f32
    %add3A_107 = vector.broadcast %add3A_106 : f32 to vector<64xf32>
    %add3A_108 = arith.addf %select_n3A_102, %add3A_107 : vector<64xf32>
    %sqrt3A_109 = math.sqrt %add3A_108 : vector<64xf32>
    %broadcast_in_dim3A_110 = vector.shape_cast %sqrt3A_109 : vector<64xf32> to vector<1x64xf32>
    %div3A_111 = vector.broadcast %broadcast_in_dim3A_110 : vector<1x64xf32> to vector<10000x64xf32>
    %div3A_112 = arith.divf %sub3A_105, %div3A_111 : vector<10000x64xf32>
    %mul3A_113 = vector.broadcast %get3A_72 : vector<1x64xf32> to vector<10000x64xf32>
    %mul3A_114 = arith.mulf %div3A_112, %mul3A_113 : vector<10000x64xf32>
    %add3A_115 = vector.broadcast %get3A_75 : vector<1x64xf32> to vector<10000x64xf32>
    %add3A_116 = arith.addf %mul3A_114, %add3A_115 : vector<10000x64xf32>
    %max3A_117 = arith.constant 0.000000e+00 : f32
    %max3A_118 = vector.broadcast %max3A_117 : f32 to vector<10000x64xf32>
    %max3A_119 = arith.maximumf %add3A_116, %max3A_118 : vector<10000x64xf32>
    %swap3A = arith.constant 0 : index
    %swap3A_120 = arith.constant 0 : index
    %swap3A_121 = vector.load %arg11[%swap3A, %swap3A_120] : memref<10000x64xf32, #tpu.memory_space<vmem>>, vector<10000x64xf32>
    tpu.vector_store %arg11[%swap3A, %swap3A_120], %max3A_119 {strides = array<i32>} : memref<10000x64xf32, #tpu.memory_space<vmem>>, vector<10000x64xf32>,
    %get3A_122 = arith.constant 0 : index
    %get3A_123 = arith.constant 0 : index
    %get3A_124 = vector.load %arg10[%get3A_122, %get3A_123] : memref<10000x1xi32, #tpu.memory_space<vmem>>, vector<10000x1xi32>
    %get3A_125 = arith.constant 0 : index
    %get3A_126 = arith.constant 0 : index
    %get3A_127 = vector.load %arg0[%get3A_125, %get3A_126] : memref<10000x64xf32, #tpu.memory_space<vmem>>, vector<10000x64xf32>
    %iota3A = tpu.iota {dimensions = array<i32: 1>} : vector<10000x64xi32>
    %eq3A = vector.broadcast %get3A_124 : vector<10000x1xi32> to vector<10000x64xi32>
    %eq3A_128 = arith.cmpi eq, %eq3A, %iota3A : vector<10000x64xi32>
    %convert_element_type3A_129 = arith.extui %eq3A_128 : vector<10000x64xi1> to vector<10000x64xi32>
    %convert_element_type3A_130 = arith.sitofp %convert_element_type3A_129 : vector<10000x64xi32> to vector<10000x64xf32>
    %dot_general3A_131 = arith.constant dense<0.000000e+00> : vector<64x64xf32>
    %dot_general3A_132 = tpu.matmul %convert_element_type3A_130, %get3A_127, %dot_general3A_131 {dimension_numbers = #tpu.dot_dimension_numbers<[0], [0], [1], [1], [0, 1, 1, 1], [], []>, precision = #tpu.contract_precision<fp32>, transpose_lhs_hint = false} : vector<10000x64xf32>, vector<10000x64xf32>, vector<64x64xf32> -> vector<64x64xf32>
    %swap3A_133 = arith.constant 0 : index
    %swap3A_134 = arith.constant 0 : index
    %swap3A_135 = vector.load %arg12[%swap3A_133, %swap3A_134] : memref<64x64xf32, #tpu.memory_space<vmem>>, vector<64x64xf32>
    tpu.vector_store %arg12[%swap3A_133, %swap3A_134], %dot_general3A_132 {strides = array<i32>} : memref<64x64xf32, #tpu.memory_space<vmem>>, vector<64x64xf32>,
    return
  }
}

module attributes {stable_mosaic.version = 14 : i64} {
  func.func @_final_body(%arg0: memref<10000x64xf32, #tpu.memory_space<vmem>>, %arg1: memref<10000x1xi32, #tpu.memory_space<vmem>>, %arg2: memref<64x128xf32, #tpu.memory_space<vmem>>, %arg3: memref<64x64xf32, #tpu.memory_space<vmem>>, %arg4: memref<128x16xf32, #tpu.memory_space<vmem>>, %arg5: memref<64x16xf32, #tpu.memory_space<vmem>>, %arg6: memref<64x16xf32, #tpu.memory_space<vmem>>, %arg7: memref<1x16xf32, #tpu.memory_space<vmem>>, %arg8: memref<64x16xf32, #tpu.memory_space<vmem>>) attributes {dimension_semantics = [], scalar_prefetch = 0 : i64, scratch_operands = 0 : i64, tpu.core_type = #tpu.core_type<tc>} {
    %get3A = arith.constant 0 : index
    %get3A_0 = arith.constant 0 : index
    %get3A_1 = vector.load %arg1[%get3A, %get3A_0] : memref<10000x1xi32, #tpu.memory_space<vmem>>, vector<10000x1xi32>
    %get3A_2 = arith.constant 0 : index
    %get3A_3 = arith.constant 0 : index
    %get3A_4 = vector.load %arg0[%get3A_2, %get3A_3] : memref<10000x64xf32, #tpu.memory_space<vmem>>, vector<10000x64xf32>
    %iota3A = tpu.iota {dimensions = array<i32: 1>} : vector<10000x64xi32>
    %eq3A = vector.broadcast %get3A_1 : vector<10000x1xi32> to vector<10000x64xi32>
    %eq3A_5 = arith.cmpi eq, %eq3A, %iota3A : vector<10000x64xi32>
    %convert_element_type3A = arith.extui %eq3A_5 : vector<10000x64xi1> to vector<10000x64xi32>
    %convert_element_type3A_6 = arith.sitofp %convert_element_type3A : vector<10000x64xi32> to vector<10000x64xf32>
    %dot_general3A = arith.constant dense<0.000000e+00> : vector<64x64xf32>
    %dot_general3A_7 = tpu.matmul %convert_element_type3A_6, %get3A_4, %dot_general3A {dimension_numbers = #tpu.dot_dimension_numbers<[0], [0], [1], [1], [0, 1, 1, 1], [], []>, precision = #tpu.contract_precision<fp32>, transpose_lhs_hint = false} : vector<10000x64xf32>, vector<10000x64xf32>, vector<64x64xf32> -> vector<64x64xf32>
    %get3A_8 = arith.constant 0 : index
    %get3A_9 = arith.constant 0 : index
    %get3A_10 = vector.load %arg2[%get3A_8, %get3A_9] : memref<64x128xf32, #tpu.memory_space<vmem>>, vector<64x128xf32>
    %get3A_11 = arith.constant 0 : index
    %get3A_12 = arith.constant 0 : index
    %get3A_13 = vector.load %arg4[%get3A_11, %get3A_12] : memref<128x16xf32, #tpu.memory_space<vmem>>, vector<128x16xf32>
    %dot_general3A_14 = arith.constant dense<0.000000e+00> : vector<64x16xf32>
    %dot_general3A_15 = tpu.matmul %get3A_10, %get3A_13, %dot_general3A_14 {dimension_numbers = #tpu.dot_dimension_numbers<[1], [0], [0], [1], [0, 0, 1, 1], [], []>, transpose_lhs_hint = false} : vector<64x128xf32>, vector<128x16xf32>, vector<64x16xf32> -> vector<64x16xf32>
    %get3A_16 = arith.constant 0 : index
    %get3A_17 = arith.constant 0 : index
    %get3A_18 = vector.load %arg3[%get3A_16, %get3A_17] : memref<64x64xf32, #tpu.memory_space<vmem>>, vector<64x64xf32>
    %get3A_19 = arith.constant 0 : index
    %get3A_20 = arith.constant 0 : index
    %get3A_21 = vector.load %arg5[%get3A_19, %get3A_20] : memref<64x16xf32, #tpu.memory_space<vmem>>, vector<64x16xf32>
    %dot_general3A_22 = arith.constant dense<0.000000e+00> : vector<64x16xf32>
    %dot_general3A_23 = tpu.matmul %get3A_18, %get3A_21, %dot_general3A_22 {dimension_numbers = #tpu.dot_dimension_numbers<[1], [0], [0], [1], [0, 0, 1, 1], [], []>, transpose_lhs_hint = false} : vector<64x64xf32>, vector<64x16xf32>, vector<64x16xf32> -> vector<64x16xf32>
    %add3A = arith.addf %dot_general3A_15, %dot_general3A_23 : vector<64x16xf32>
    %get3A_24 = arith.constant 0 : index
    %get3A_25 = arith.constant 0 : index
    %get3A_26 = vector.load %arg6[%get3A_24, %get3A_25] : memref<64x16xf32, #tpu.memory_space<vmem>>, vector<64x16xf32>
    %dot_general3A_27 = arith.constant dense<0.000000e+00> : vector<64x16xf32>
    %dot_general3A_28 = tpu.matmul %dot_general3A_7, %get3A_26, %dot_general3A_27 {dimension_numbers = #tpu.dot_dimension_numbers<[1], [0], [0], [1], [0, 0, 1, 1], [], []>, transpose_lhs_hint = false} : vector<64x64xf32>, vector<64x16xf32>, vector<64x16xf32> -> vector<64x16xf32>
    %add3A_29 = arith.addf %add3A, %dot_general3A_28 : vector<64x16xf32>
    %get3A_30 = arith.constant 0 : index
    %get3A_31 = arith.constant 0 : index
    %get3A_32 = vector.load %arg7[%get3A_30, %get3A_31] : memref<1x16xf32, #tpu.memory_space<vmem>>, vector<1x16xf32>
    %add3A_33 = vector.broadcast %get3A_32 : vector<1x16xf32> to vector<64x16xf32>
    %add3A_34 = arith.addf %add3A_29, %add3A_33 : vector<64x16xf32>
    %swap3A = arith.constant 0 : index
    %swap3A_35 = arith.constant 0 : index
    %swap3A_36 = vector.load %arg8[%swap3A, %swap3A_35] : memref<64x16xf32, #tpu.memory_space<vmem>>, vector<64x16xf32>
    tpu.vector_store %arg8[%swap3A, %swap3A_35], %add3A_34 {strides = array<i32>} : memref<64x16xf32, #tpu.memory_space<vmem>>, vector<64x16xf32>,
    return
  }
}

</mosaic_0001>

<sc_bundles>
// kernel: kernel.10.cloned.1.call-start
scs
__scs_entry_jumppad:
0x0: {  	(pc) =	sbr.rel $0x88, $3  }
0x1: {  	(tag) =	ssettag $0x0;
	lr =	simm.s32 $0x1  }
0x2: {  	[smem:$0x3F88] =	sst lr;
	_ =	strace $0xD0000000  }
0x3: {  	_ = 	snop  }
0x4: {  	_ = 	snop  }
0x5: {  	_ = 	snop  }
0x6: {  	_ = 	snop  }
0x7: {  	_ = 	snop  }
__scs_overlays_trampoline_lowered:
0x8: {  	[smem:$0x3F97] =	sst s0  }
0x9: {  	[smem:$0x3F98] =	sst s1  }
0xa: {  	[smem:$0x3F99] =	sst s2  }
0xb: {  	[smem:$0x3F9A] =	sst s3  }
0xc: {  	[smem:$0x3F9B] =	sst s4  }
0xd: {  	[smem:$0x3F9C] =	sst s5  }
0xe: {  	[smem:$0x3F9D] =	sst s6  }
0xf: {  	[smem:$0x3F9E] =	sst s7  }
0x10: {  	[smem:$0x3F9F] =	sst s8  }
0x11: {  	[smem:$0x3FA0] =	sst s9;
	s0 =	simm.s32 @!p0 $0x0  }
0x12: {  	s1 =	sld [smem:$0x3F86];
	s0 =	simm.s32 @p0 $0x1  }
0x13: {  	[smem:$0x3FA1] =	sst s0;
	s0 =	simm.s32 @!p1 $0x0  }
0x14: {  	s2 =	sld [smem:$0x3F85];
	s0 =	simm.s32 @p1 $0x1  }
0x15: {  	[smem:$0x3FA2] =	sst s0;
	s0 =	simm.s32 @!p2 $0x0  }
0x16: {  	s3 =	sld [smem:$0x3FDB];
	s0 =	simm.s32 @p2 $0x1  }
0x17: {  	s4 =	simm.s32 $0x1BF5;
	[smem:$0x3FA4] =	sst s0  }
0x18: {  	s0 =	sld [smem:$0x3F87];
	_ =	swait.ge [sflag:s4], $0x0  }
0x19: {  	s7 =	sld [smem:$0x3F88]  }
0x1a: {  	s8 =	sadd.s32 $0xFFFFE003, lr  }
0x1b: {  	s9 =	sadd.s32 $0xFFFFFEF7, lr;
	s5 =	simm.s32 $0xFFFFFFFF;
	p2 =	slt.u32 s8, $0xFFFFF086  }
0x1c: {  	p1 =	slt.u32 s9, $0xF7A;
	s5 =	simm.s32 @!p2 $0x0  }
0x1d: {  	s5 =	simm.s32 @p1 $0x1;
	p0 =	seq.s32 s7, s2  }
0x1e: {  	s7 =	smul.u32 @!p0 $0xF7A, s2;
	p2 =	seq.s32 @!p0 s5, $0x0  }
0x1f: {  	s9 =	smul.u32 $0xF7A, s1;
	s8 =	simm.s32 @!p0 $0x1BF5;
	p2 =	por !p2, p0  }
0x20: {  	[sflag:s8] =	ssyncset.s32 @!p0 $0xFFFFF086;
	s6 =	sadd.s32 @!p0 s3, s7;
	s7 =	simm.s32 @!p0 $0x108  }
0x21: {  	s3 =	sadd.s32 s3, s9;
	s6 =	sadd.s32 @!p0 $0x88, s6;
	s7 =	simm.s32 @p2 $0x1082  }
0x22: {  	[simem:s7], [sflag:s8] =	dma.local @!p0 [hbm:s6], $0xF7A  }
0x23: {  	s9 =	sor.u32 $0xD0000000, s2;
	s6 =	simm.s32 $0x108;
	_ =	swait.ge @!p0 [sflag:s8], $0x0  }
0x24: {  	s3 =	sadd.s32 $0x88, s3;
	s6 =	simm.s32 @!p1 $0x1082;
	[sflag:s4] =	ssyncset.s32 $0xFFFFF086  }
0x25: {  	[simem:s6], [sflag:s4] =	dma.local [hbm:s3], $0xF7A  }
0x26: {  	[smem:$0x3F88] =	sst s1;
	(tag) =	ssettag s2;
	_ =	strace s9  }
0x27: {  	s1 =	sld [smem:$0x3F98]  }
0x28: {  	s2 =	sld [smem:$0x3F99]  }
0x29: {  	s4 =	sld [smem:$0x3F9B]  }
0x2a: {  	p0 =	seq.s32 s5, $0x0;
	s5 =	sld [smem:$0x3F9C]  }
0x2b: {  	s6 =	sld [smem:$0x3F9D]  }
0x2c: {  	s7 =	sld [smem:$0x3F9E]  }
0x2d: {  	s3 =	simm.s32 $0x108;
	s8 =	sld [smem:$0x3F9F]  }
0x2e: {  	s3 =	simm.s32 @!p0 $0x1082;
	s9 =	sld [smem:$0x3FA0]  }
0x2f: {  	lr =	sadd.s32 s0, s3;
	s0 =	sld [smem:$0x3F97]  }
0x30: {  	s3 =	sld [smem:$0x3F9A]  }
0x31: {  	[smem:$0x3FA3] =	sst s10  }
0x32: {  	s10 =	sld [smem:$0x3FA1];
	_ =	sdelay $0x3  }
0x33: {  	p0 =	seq.s32 s10, $0x1;
	s10 =	sld [smem:$0x3FA3];
	_ =	sdelay $0x3  }
0x34: {  	[smem:$0x3FA3] =	sst s10  }
0x35: {  	s10 =	sld [smem:$0x3FA2];
	_ =	sdelay $0x3  }
0x36: {  	p1 =	seq.s32 s10, $0x1;
	s10 =	sld [smem:$0x3FA3];
	_ =	sdelay $0x3  }
0x37: {  	[smem:$0x3FA3] =	sst s10  }
0x38: {  	s10 =	sld [smem:$0x3FA4]  }
0x39: {  	_ = 	snop;
	(pc) =	sbr.ind lr, $3  }
0x3a: {  	_ = 	snop  }
0x3b: {  	_ = 	snop  }
0x3c: {  	p2 =	seq.s32 s10, $0x1;
	s10 =	sld [smem:$0x3FA3]  }
0x3d: {  	_ =	shalt  }
0x3e: {  	_ =	shalt  }
0x3f: {  	_ =	shalt  }
0x40: {  	_ =	shalt  }
0x41: {  	_ =	shalt  }
0x42: {  	_ =	shalt  }
0x43: {  	_ =	shalt  }
0x44: {  	_ =	shalt  }
0x45: {  	_ =	shalt  }
0x46: {  	_ =	shalt  }
0x47: {  	_ =	shalt  }
0x48: {  	_ =	shalt  }
0x49: {  	_ =	shalt  }
0x4a: {  	_ =	shalt  }
0x4b: {  	_ =	shalt  }
0x4c: {  	_ =	shalt  }
0x4d: {  	_ =	shalt  }
0x4e: {  	_ =	shalt  }
0x4f: {  	_ =	shalt  }
0x50: {  	_ =	shalt  }
0x51: {  	_ =	shalt  }
0x52: {  	_ =	shalt  }
0x53: {  	_ =	shalt  }
0x54: {  	_ =	shalt  }
0x55: {  	_ =	shalt  }
0x56: {  	_ =	shalt  }
0x57: {  	_ =	shalt  }
0x58: {  	_ =	shalt  }
0x59: {  	_ =	shalt  }
0x5a: {  	_ =	shalt  }
0x5b: {  	_ =	shalt  }
0x5c: {  	_ =	shalt  }
0x5d: {  	_ =	shalt  }
0x5e: {  	_ =	shalt  }
0x5f: {  	_ =	shalt  }
0x60: {  	_ =	shalt  }
0x61: {  	_ =	shalt  }
0x62: {  	_ =	shalt  }
0x63: {  	_ =	shalt  }
0x64: {  	_ =	shalt  }
0x65: {  	_ =	shalt  }
0x66: {  	_ =	shalt  }
0x67: {  	_ =	shalt  }
0x68: {  	_ =	shalt  }
0x69: {  	_ =	shalt  }
0x6a: {  	_ =	shalt  }
0x6b: {  	_ =	shalt  }
0x6c: {  	_ =	shalt  }
0x6d: {  	_ =	shalt  }
0x6e: {  	_ =	shalt  }
0x6f: {  	_ =	shalt  }
0x70: {  	_ =	shalt  }
0x71: {  	_ =	shalt  }
0x72: {  	_ =	shalt  }
0x73: {  	_ =	shalt  }
0x74: {  	_ =	shalt  }
0x75: {  	_ =	shalt  }
0x76: {  	_ =	shalt  }
0x77: {  	_ =	shalt  }
0x78: {  	_ =	shalt  }
0x79: {  	_ =	shalt  }
0x7a: {  	_ =	shalt  }
0x7b: {  	_ =	shalt  }
0x7c: {  	_ =	shalt  }
0x7d: {  	_ =	shalt  }
0x7e: {  	_ =	shalt  }
0x7f: {  	_ =	shalt  }
0x80: {  	_ =	shalt  }
0x81: {  	_ =	shalt  }
0x82: {  	_ =	shalt  }
0x83: {  	_ =	shalt  }
0x84: {  	_ =	shalt  }
0x85: {  	_ =	shalt  }
0x86: {  	_ =	shalt  }
0x87: {  	_ =	shalt  }
.Lfunc_end0:
.L_simem_size_0:
called_computation.1_lowered:
.L_overlay_start_0:
0x88: {  	s2 =	sld [smem:$0x3FD9]  }
0x89: {  	s3 =	sld [smem:$0x3FFE];
	_ =	sdelay $0x1  }
0x8a: {  	s1 =	srdreg.scid  }
0x8b: {  	s0 =	sand.u32 $0x1, s1  }
0x8c: {  	s14 =	sshll.u32 s0, $0xA;
	s2 =	sadd.s32 s3, s2  }
0x8d: {  	s2 =	sadd.s32 s2, s14  }
0x8e: {  	[smem:$0x3FAF] =	sst s2  }
0x8f: {  	_ = 	snop  }
0x90: {  	s2 =	sld [smem:$0x3FD0];
	_ =	sdelay $0x2  }
0x91: {  	s15 =	simm.s32 $0xA;
	s4 =	simm.s32 $0x10  }
0x92: {  	[smem:s4], [sflag:s15] =	dma.local [hbm:s2], $0x1  }
0x93: {  	_ =	swait.eq [sflag:s15], $0x1  }
0x94: {  	[sflag:s15] =	ssyncset.done $0x0  }
0x95: {  	[sflag:s15] =	ssyncadd.s32 $0xFFFFFFFF  }
0x96: {  	s16 =	sld [smem:$0x12];
	(tm) =	ssettm $0x1  }
0x97: {  	s17 =	sld [smem:$0x3FFB];
	_ =	sdelay $0x3  }
0x98: {  	_ =	strace s17  }
0x99: {  	s3 =	sld [smem:$0x3FFC];
	_ =	sdelay $0x3  }
0x9a: {  	_ =	strace s3  }
0x9b: {  	s3 =	sld [smem:$0x3FFD];
	_ =	sdelay $0x3  }
0x9c: {  	_ =	strace s3  }
0x9d: {  	_ =	strace $0x8FFFFFFF  }
0x9e: {  	s18 =	sld [smem:$0x3FDB];
	_ =	sdelay $0x1  }
0x9f: {  	s19 =	simm.s32 $_scs_section_size  }
0xa0: {  	s5 =	simm.s32 $_size__tile_overlayer_lowered;
	s6 =	simm.s32 $_tile_overlayer_lowered  }
0xa1: {  	s22 =	simm.s32 $0x1BFF;
	s21 =	sshll.u32 s6, $0x1;
	s3 =	sadd.s32 s19, s18  }
0xa2: {  	s7 =	simm.s32 $0x0;
	s20 =	sshll.u32 s5, $0x1;
	s5 =	sadd.s32 s21, s3  }
0xa3: {  	[timem:s7], [sflag:s22] =	dma.local [hbm:s5], s20  }
0xa4: {  	_ =	swait.ge [sflag:s22], s20  }
0xa5: {  	s4 =	ssub.s32 $0x0, s20;
	[sflag:s22] =	ssyncset.done $0x0  }
0xa6: {  	[sflag:s22] =	ssyncadd.s32 s4;
	_ =	sdelay $0x1  }
0xa7: {  	s23 =	simm.s32 $0x1B8B  }
0xa8: {  	_ =	swait.ge [sflag:s23], $0x1  }
0xa9: {  	[sflag:s23] =	ssyncset.done $0x0  }
0xaa: {  	s25 =	simm.s32 $0x1B8E;
	s24 =	sld [smem:$0x3FFE];
	[sflag:s23] =	ssyncadd.s32 $0xFFFFFFFF  }
0xab: {  	s26 =	simm.s32 $execute0_lowered;
	[smem:$0x3FD2] =	sst s25  }
0xac: {  	s5 =	sshll.u32 s26, $0x1;
	_ =	strace $0x80000049;
	[dreg:$0x1] =	wrdreg $0xFFFFFFFF  }
0xad: {  	s28 =	simm.s32 $_size_execute0_lowered;
	s3 =	sadd.s32 s3, s5;
	[dreg:$0x0] =	wrdreg $0x0  }
0xae: {  	s5 =	sshll.u32 s28, $0x1;
	[dreg:$0x2] =	wrdreg s3  }
0xaf: {  	[dreg:$0x3] =	wrdreg s5  }
0xb0: {  	[dreg:$0x4] =	wrdreg $0xC0  }
0xb1: {  	_ =	task [dreg:s7], $0x5FFFF  }
0xb2: {  	[dreg:$0x1] =	wrdreg $0xFFFFFFFF  }
0xb3: {  	[dreg:$0x0] =	wrdreg $0x60  }
0xb4: {  	[dreg:$0x2] =	wrdreg s16  }
0xb5: {  	[dreg:$0x3] =	wrdreg s24  }
0xb6: {  	[dreg:$0x4] =	wrdreg $0xC6200  }
0xb7: {  	[dreg:$0x5] =	wrdreg $0x9  }
0xb8: {  	_ =	task.clear_ibuf [dreg:s7], $0x6FFFF;
	_ =	strace $0x90000049  }
0xb9: {  	s29 =	simm.s32 $0x9;
	_ =	strace $0x8000004B  }
0xba: {  	_ =	swait.ge [sflag:s29], $0x1  }
0xbb: {  	[sflag:s29] =	ssyncadd.s32 $0xFFFFFFFF  }
0xbc: {  	_ =	strace $0x9000004B  }
0xbd: {  	_ =	sfence  }
0xbe: {  	s30 =	sld [smem:$0x0];
	_ =	sdelay $0x2  }
0xbf: {  	s31 =	sshll.u32 s1, $0xD;
	s1 =	sshrl.u32 s1, $0x2  }
0xc0: {  	s3 =	sand.u32 $0x4000, s31;
	s1 =	sadd.s32 s1, s30  }
0xc1: {  	s0 =	sor.u32 s3, s0;
	s1 =	sshll.u32 s1, $0x11  }
0xc2: {  	s0 =	sor.u32 s1, s0  }
0xc3: {  	s0 =	sadd.s32 $0x8F2B, s0  }
0xc4: {  	[sflag:s0] =	ssyncadd.remote.s32 $0x1  }
0xc5: {  	_ =	sfence.sel $0xFFFF  }
0xc6: {  	[dreg:$0x0] =	wrdreg $0xFFFFFFFF;
	(pc) =	sbr.abs _section_cstart, $3  }
0xc7: {  	[dreg:$0x1] =	wrdreg $0xFFFFFFFF  }
0xc8: {  	_ =	task.clear_ibuf [dreg:s7], $0x2FFFF;
	_ =	strace $0x9FFFFFFF  }
0xc9: {  	(tm) =	ssettm $0x7FFFFFFF  }
tec
execute0_lowered:
.L_overlay_start_1:
0x0: {  	(tag) =	ssettag $0x1  }
0x1: {  	s1 =	rddreg [dreg:$0x0]  }
0x2: {  	s0 =	srdreg.scid;
	s5 =	rddreg [dreg:$0x1]  }
0x3: {  	s23 =	stileid.u32;
	s3 =	rddreg [dreg:$0x2];
	s4 =	simm.s32 $0x0  }
0x4: {  	s14 =	simm.s32 $0x9;
	s15 =	simm.s32 $0x2710;
	s16 =	simm.s32 $0x9E20  }
0x5: {  	s17 =	simm.s32 $0x50;
	s18 =	simm.s32 $0x4E20;
	s19 =	simm.s32 $0x6220  }
0x6: {  	s21 =	simm.s32 $0x7620;
	s28 =	simm.s32 $0x2;
	s29 =	simm.s32 $0x5  }
0x7: {  	s30 =	simm.s32 $0x3;
	s31 =	simm.s32 $0x6;
	s9 =	smul.u32 $0x9C00, s23  }
0x8: {  	s0 =	sand.u32 $0x1, s0;
	[smem:$0x7FF] =	sst s4;
	s10 =	smul.u32 $0x28000, s23  }
0x9: {  	p0 =	sne.s32 s23, $0xF;
	s2 =	sshll.u32 s0, $0x4;
	s8 =	smul.u32 $0x9C400, s0  }
0xa: {  	s0 =	ssub.s32 $0x2, s0;
	_ =	strace $0x8000004A;
	s2 =	sor.u32 s23, s2  }
0xb: {  	s6 =	sshrl.u32 s0, $0x1;
	s20 =	sadd.s32 s9, s3;
	s26 =	sshrl.u32 s10, $0x2  }
0xc: {  	s2 =	smul.u32 $0x4E2, s2;
	s0 =	ssub.s32 s0, s6;
	s22 =	sadd.s32 s9, s8  }
0xd: {  	s25 =	sshrl.u32 s8, $0x3;
	s9 =	sadd.s32 s26, s3;
	s26 =	simm.s32 $0x8A20  }
0xe: {  	s24 =	sshrl.u32 s22, $0x3;
	s10 =	smax.u32 s0, $0x1;
	s11 =	sadd.s32 $0x2800, s9  }
0xf: {  	s12 =	sadd.s32 $0x5000, s9;
	s13 =	sadd.s32 $0x7800, s9;
	s2 =	sadd.s32 s2, s5  }
0x10: {  	s22 =	simm.s32 $0x1;
	s0 =	simm.s32 $0x7;
	s7 =	sadd.s32 $0xCC00, s2  }
0x11: {  	s5 =	sadd.s32 $0x16A00, s5;
	s2 =	sadd.s32 $0x2E00, s2;
	[dreg:$0x4] =	wrdreg s7  }
0x12: {  	[dreg:$0x5] =	wrdreg s2;
	s7 =	sadd.s32 s5, s24;
	s2 =	sadd.s32 s5, s25  }
0x13: {  	s24 =	sshrl.u32 s20, $0x3;
	s8 =	sadd.s32 $0x13800, s2;
	s2 =	sadd.s32 $0x9C000, s3  }
0x14: {  	v0 =	vimm.f32 $0.0e+00;
	s20 =	simm.s32 $0x8;
	s25 =	sshrl.u32 @!p0 s2, $0x3;
	s2 =	simm.s32 $0x4  }
.LBB2_1:
0x15: {  	s23 =	simm.s32 $0x100;
	s5 =	simm.s32 $0x0  }
.LBB2_2:
0x16: {  	p1 =	sne.s32 s23, $0x9F00;
	[tilespmem:s5+$0x9E50] =	vst v0;
	s6 =	smov.u32 s23;
	s23 =	sadd.s32 $0x100, s23  }
.Ltmp0:
0x17: {  	[tilespmem:s5+$0x9E40] =	vst v0;
	(pc) =	sbr.rel @p1 .LBB2_2-.Ltmp0, $3  }
0x18: {  	[tilespmem:s5+$0x9E20] =	vst v0  }
0x19: {  	[tilespmem:s5+$0x9E30] =	vst v0;
	_ =	sdelay $0x1  }
0x1a: {  	s5 =	sshra.s32 s6, $0x2  }
0x1b: {  	[tilespmem:s5+$0x9E50] =	vst v0  }
0x1c: {  	[tilespmem:s5+$0x9E40] =	vst v0  }
0x1d: {  	[tilespmem:s5+$0x9E20] =	vst v0  }
0x1e: {  	[tilespmem:s5+$0x9E30] =	vst v0;
	s5 =	simm.s32 $0x0;
	s6 =	rddreg [dreg:$0x4]  }
0x1f: {  	[tilespmem:s5], [sflag:$0x9] =	stream.linear.gather [hbm4b:s6+s5], $0x2710, $0x38;
	[tilespmem:$0x16620] =	vst v63  }
0x20: {  	_ =	swait.ge [sflag:s14], $0x2710  }
0x21: {  	[sflag:s14] =	ssyncset.done $0x0  }
0x22: {  	s23 =	rddreg [dreg:$0x5];
	[sflag:s14] =	ssyncadd.s32 $0xFFFFD8F0  }
0x23: {  	[tilespmem:s15], [sflag:$0x9] =	stream.linear.gather [hbm4b:s23+s5], $0x2710, $0x38;
	[tilespmem:$0x16620] =	vst v63  }
0x24: {  	_ =	swait.ge [sflag:s14], $0x2710  }
0x25: {  	[sflag:s14] =	ssyncset.done $0x0  }
0x26: {  	[sflag:s14] =	ssyncadd.s32 $0xFFFFD8F0  }
0x27: {  	[spmem:s9] =	stream.linear.scatter [tilespmem:s16], [sflag:$0x9], $0x2800, $0x38;
	[tilespmem:$0x16620] =	vst v63  }
0x28: {  	_ =	swait.ge [sflag:s14], $0x2800  }
0x29: {  	[sflag:s14] =	ssyncset.done $0x0  }
0x2a: {  	[sflag:s14] =	ssyncadd.s32 $0xFFFFD800  }
0x2b: {  	[spmem:s11] =	stream.linear.scatter [tilespmem:s16], [sflag:$0x9], $0x2800, $0x38;
	[tilespmem:$0x16620] =	vst v63  }
0x2c: {  	_ =	swait.ge [sflag:s14], $0x2800  }
0x2d: {  	[sflag:s14] =	ssyncset.done $0x0  }
0x2e: {  	[sflag:s14] =	ssyncadd.s32 $0xFFFFD800  }
0x2f: {  	[spmem:s12] =	stream.linear.scatter [tilespmem:s16], [sflag:$0x9], $0x2800, $0x38;
	[tilespmem:$0x16620] =	vst v63  }
0x30: {  	_ =	swait.ge [sflag:s14], $0x2800  }
0x31: {  	[sflag:s14] =	ssyncset.done $0x0  }
0x32: {  	[sflag:s14] =	ssyncadd.s32 $0xFFFFD800  }
0x33: {  	[spmem:s13] =	stream.linear.scatter [tilespmem:s16], [sflag:$0x9], $0x2800, $0x38;
	[tilespmem:$0x16620] =	vst v63  }
0x34: {  	_ =	swait.ge [sflag:s14], $0x2800  }
0x35: {  	[sflag:s14] =	ssyncset.done $0x0  }
0x36: {  	[sflag:s14] =	ssyncadd.s32 $0xFFFFD800  }
0x37: {  	[bflag:$0x0] =	sbarrier.arrive $0xFFFF  }
0x38: {  	[tilespmem:s18], [sflag:$0x1] =	stream.indirect.gather [hbm4b:s1+s17], $0x40, s5, s17, $0xb8;
	[tilespmem:$0x16620] =	vst v63  }
0x39: {  	_ = 	snop  }
0x3a: {  	[tilespmem:s19], [sflag:$0x2] =	stream.indirect.gather [hbm4b:s1+s17], $0x40, s17, s17, $0xb8;
	[tilespmem:$0x16620] =	vst v63  }
0x3b: {  	s23 =	simm.s32 $0xA0  }
0x3c: {  	[tilespmem:s21], [sflag:$0x3] =	stream.indirect.gather [hbm4b:s1+s17], $0x40, s23, s17, $0xb8;
	[tilespmem:$0x16620] =	vst v63  }
0x3d: {  	_ =	swait.ge [sflag:s22], $0x1400  }
0x3e: {  	[sflag:s22] =	ssyncset.done $0x0  }
0x3f: {  	[sflag:s22] =	ssyncadd.s32 $0xFFFFEC00  }
0x40: {  	[spmem:s3] =	stream.indirect.scatter.add.f32 [tilespmem:s18], [sflag:$0x5], $0x40, s15, s17, $0xb8;
	[tilespmem:$0x16620] =	vst v63  }
0x41: {  	s6 =	simm.s32 $0xF0  }
0x42: {  	[tilespmem:s26], [sflag:$0x4] =	stream.indirect.gather [hbm4b:s1+s17], $0x40, s6, s17, $0xb8;
	[tilespmem:$0x16620] =	vst v63  }
0x43: {  	_ =	swait.ge [sflag:s28], $0x1400  }
0x44: {  	[sflag:s28] =	ssyncset.done $0x0  }
0x45: {  	s23 =	simm.s32 $0x2760;
	[sflag:s28] =	ssyncadd.s32 $0xFFFFEC00  }
0x46: {  	[spmem:s3] =	stream.indirect.scatter.add.f32 [tilespmem:s19], [sflag:$0x6], $0x40, s23, s17, $0xb8;
	[tilespmem:$0x16620] =	vst v63  }
0x47: {  	_ =	swait.ge [sflag:s29], $0x1400  }
0x48: {  	[sflag:s29] =	ssyncset.done $0x0  }
0x49: {  	s6 =	simm.s32 $0x140;
	[sflag:s29] =	ssyncadd.s32 $0xFFFFEC00  }
0x4a: {  	[tilespmem:s18], [sflag:$0x1] =	stream.indirect.gather [hbm4b:s1+s17], $0x40, s6, s17, $0xb8;
	[tilespmem:$0x16620] =	vst v63  }
0x4b: {  	_ =	swait.ge [sflag:s30], $0x1400  }
0x4c: {  	[sflag:s30] =	ssyncset.done $0x0  }
0x4d: {  	s23 =	simm.s32 $0x27B0;
	[sflag:s30] =	ssyncadd.s32 $0xFFFFEC00  }
0x4e: {  	[spmem:s3] =	stream.indirect.scatter.add.f32 [tilespmem:s21], [sflag:$0x7], $0x40, s23, s17, $0xb8;
	[tilespmem:$0x16620] =	vst v63  }
0x4f: {  	_ =	swait.ge [sflag:s31], $0x1400  }
0x50: {  	[sflag:s31] =	ssyncset.done $0x0  }
0x51: {  	s6 =	simm.s32 $0x190;
	[sflag:s31] =	ssyncadd.s32 $0xFFFFEC00  }
0x52: {  	[tilespmem:s19], [sflag:$0x2] =	stream.indirect.gather [hbm4b:s1+s17], $0x40, s6, s17, $0xb8;
	[tilespmem:$0x16620] =	vst v63  }
0x53: {  	_ =	swait.ge [sflag:s2], $0x1400  }
0x54: {  	[sflag:s2] =	ssyncset.done $0x0  }
0x55: {  	s23 =	simm.s32 $0x2800;
	[sflag:s2] =	ssyncadd.s32 $0xFFFFEC00  }
0x56: {  	[spmem:s3] =	stream.indirect.scatter.add.f32 [tilespmem:s26], [sflag:$0x8], $0x40, s23, s17, $0xb8;
	[tilespmem:$0x16620] =	vst v63  }
0x57: {  	_ =	swait.ge [sflag:s0], $0x1400  }
0x58: {  	[sflag:s0] =	ssyncset.done $0x0  }
0x59: {  	s6 =	simm.s32 $0x1E0;
	[sflag:s0] =	ssyncadd.s32 $0xFFFFEC00  }
0x5a: {  	[tilespmem:s21], [sflag:$0x3] =	stream.indirect.gather [hbm4b:s1+s17], $0x40, s6, s17, $0xb8;
	[tilespmem:$0x16620] =	vst v63  }
0x5b: {  	_ =	swait.ge [sflag:s22], $0x1400  }
0x5c: {  	[sflag:s22] =	ssyncset.done $0x0  }
0x5d: {  	s23 =	simm.s32 $0x2850;
	[sflag:s22] =	ssyncadd.s32 $0xFFFFEC00  }
0x5e: {  	[spmem:s3] =	stream.indirect.scatter.add.f32 [tilespmem:s18], [sflag:$0x5], $0x40, s23, s17, $0xb8;
	[tilespmem:$0x16620] =	vst v63  }
0x5f: {  	_ =	swait.ge [sflag:s20], $0x1400  }
0x60: {  	[sflag:s20] =	ssyncset.done $0x0  }
0x61: {  	s5 =	simm.s32 $0x230;
	s23 =	simm.s32 $0x500;
	[sflag:s20] =	ssyncadd.s32 $0xFFFFEC00  }
.LBB2_4:
0x62: {  	[tilespmem:s26], [sflag:$0x4] =	stream.indirect.gather [hbm4b:s1+s17], $0x40, s5, s17, $0xb8;
	[tilespmem:$0x16620] =	vst v63  }
0x63: {  	s5 =	smov.u32 s23  }
0x64: {  	p1 =	sne.s32 s23, $0x9100;
	s23 =	sadd.s32 $0x500, s23;
	_ =	swait.ge [sflag:s28], $0x1400  }
0x65: {  	s5 =	sshra.s32 s5, $0x2;
	[sflag:s28] =	ssyncset.done $0x0  }
0x66: {  	s6 =	sadd.s32 $0x2760, s5;
	[sflag:s28] =	ssyncadd.s32 $0xFFFFEC00  }
0x67: {  	[spmem:s3] =	stream.indirect.scatter.add.f32 [tilespmem:s19], [sflag:$0x6], $0x40, s6, s17, $0xb8;
	[tilespmem:$0x16620] =	vst v63  }
0x68: {  	_ =	swait.ge [sflag:s29], $0x1400  }
0x69: {  	[sflag:s29] =	ssyncset.done $0x0  }
0x6a: {  	s6 =	sadd.s32 $0x140, s5;
	[sflag:s29] =	ssyncadd.s32 $0xFFFFEC00  }
0x6b: {  	[tilespmem:s18], [sflag:$0x1] =	stream.indirect.gather [hbm4b:s1+s17], $0x40, s6, s17, $0xb8;
	[tilespmem:$0x16620] =	vst v63  }
0x6c: {  	_ =	swait.ge [sflag:s30], $0x1400  }
0x6d: {  	[sflag:s30] =	ssyncset.done $0x0  }
0x6e: {  	s6 =	sadd.s32 $0x27B0, s5;
	[sflag:s30] =	ssyncadd.s32 $0xFFFFEC00  }
0x6f: {  	[spmem:s3] =	stream.indirect.scatter.add.f32 [tilespmem:s21], [sflag:$0x7], $0x40, s6, s17, $0xb8;
	[tilespmem:$0x16620] =	vst v63  }
0x70: {  	_ =	swait.ge [sflag:s31], $0x1400  }
0x71: {  	[sflag:s31] =	ssyncset.done $0x0  }
0x72: {  	s6 =	sadd.s32 $0x190, s5;
	[sflag:s31] =	ssyncadd.s32 $0xFFFFEC00  }
0x73: {  	[tilespmem:s19], [sflag:$0x2] =	stream.indirect.gather [hbm4b:s1+s17], $0x40, s6, s17, $0xb8;
	[tilespmem:$0x16620] =	vst v63  }
0x74: {  	_ =	swait.ge [sflag:s2], $0x1400  }
0x75: {  	[sflag:s2] =	ssyncset.done $0x0  }
0x76: {  	s6 =	sadd.s32 $0x2800, s5;
	[sflag:s2] =	ssyncadd.s32 $0xFFFFEC00  }
0x77: {  	[spmem:s3] =	stream.indirect.scatter.add.f32 [tilespmem:s26], [sflag:$0x8], $0x40, s6, s17, $0xb8;
	[tilespmem:$0x16620] =	vst v63  }
0x78: {  	_ =	swait.ge [sflag:s0], $0x1400  }
0x79: {  	[sflag:s0] =	ssyncset.done $0x0  }
0x7a: {  	s6 =	sadd.s32 $0x1E0, s5;
	[sflag:s0] =	ssyncadd.s32 $0xFFFFEC00  }
0x7b: {  	[tilespmem:s21], [sflag:$0x3] =	stream.indirect.gather [hbm4b:s1+s17], $0x40, s6, s17, $0xb8;
	[tilespmem:$0x16620] =	vst v63  }
0x7c: {  	_ =	swait.ge [sflag:s22], $0x1400  }
0x7d: {  	[sflag:s22] =	ssyncset.done $0x0  }
.Ltmp1:
0x7e: {  	s6 =	sadd.s32 $0x2850, s5;
	[sflag:s22] =	ssyncadd.s32 $0xFFFFEC00;
	(pc) =	sbr.rel @p1 .LBB2_4-.Ltmp1, $4  }
0x7f: {  	[spmem:s3] =	stream.indirect.scatter.add.f32 [tilespmem:s18], [sflag:$0x5], $0x40, s6, s17, $0xb8;
	[tilespmem:$0x16620] =	vst v63  }
0x80: {  	_ =	swait.ge [sflag:s20], $0x1400  }
0x81: {  	[sflag:s20] =	ssyncset.done $0x0  }
0x82: {  	s5 =	sadd.s32 $0x230, s5;
	[sflag:s20] =	ssyncadd.s32 $0xFFFFEC00  }
0x83: {  	[tilespmem:s26], [sflag:$0x4] =	stream.indirect.gather [hbm4b:s1+s17], $0x40, s5, s17, $0xb8;
	[tilespmem:$0x16620] =	vst v63  }
0x84: {  	_ =	swait.ge [sflag:s28], $0x1400  }
0x85: {  	[sflag:s28] =	ssyncset.done $0x0  }
0x86: {  	s6 =	simm.s32 $0x4CE0;
	[sflag:s28] =	ssyncadd.s32 $0xFFFFEC00  }
0x87: {  	[spmem:s3] =	stream.indirect.scatter.add.f32 [tilespmem:s19], [sflag:$0x6], $0x40, s6, s17, $0xb8;
	[tilespmem:$0x16620] =	vst v63  }
0x88: {  	_ =	swait.ge [sflag:s29], $0x1400  }
0x89: {  	[sflag:s29] =	ssyncset.done $0x0  }
0x8a: {  	s23 =	simm.s32 $0x26C0;
	[sflag:s29] =	ssyncadd.s32 $0xFFFFEC00  }
0x8b: {  	[tilespmem:s18], [sflag:$0x1] =	stream.indirect.gather [hbm4b:s1+s17], $0x40, s23, s17, $0xb8;
	[tilespmem:$0x16620] =	vst v63  }
0x8c: {  	_ =	swait.ge [sflag:s30], $0x1400  }
0x8d: {  	[sflag:s30] =	ssyncset.done $0x0  }
0x8e: {  	s6 =	simm.s32 $0x4D30;
	[sflag:s30] =	ssyncadd.s32 $0xFFFFEC00  }
0x8f: {  	[spmem:s3] =	stream.indirect.scatter.add.f32 [tilespmem:s21], [sflag:$0x7], $0x40, s6, s17, $0xb8;
	[tilespmem:$0x16620] =	vst v63  }
0x90: {  	_ =	swait.ge [sflag:s31], $0x1400  }
0x91: {  	[sflag:s31] =	ssyncset.done $0x0  }
0x92: {  	[sflag:s31] =	ssyncadd.s32 $0xFFFFEC00  }
0x93: {  	_ =	swait.ge [sflag:s2], $0x1400  }
0x94: {  	[sflag:s2] =	ssyncset.done $0x0  }
0x95: {  	s23 =	simm.s32 $0x4D80;
	[sflag:s2] =	ssyncadd.s32 $0xFFFFEC00  }
0x96: {  	[spmem:s3] =	stream.indirect.scatter.add.f32 [tilespmem:s26], [sflag:$0x8], $0x40, s23, s17, $0xb8;
	[tilespmem:$0x16620] =	vst v63  }
0x97: {  	_ =	swait.ge [sflag:s0], $0x1400  }
0x98: {  	[sflag:s0] =	ssyncset.done $0x0  }
0x99: {  	[sflag:s0] =	ssyncadd.s32 $0xFFFFEC00  }
0x9a: {  	_ =	swait.ge [sflag:s22], $0x1400  }
0x9b: {  	[sflag:s22] =	ssyncset.done $0x0  }
0x9c: {  	s6 =	simm.s32 $0x4DD0;
	[sflag:s22] =	ssyncadd.s32 $0xFFFFEC00  }
0x9d: {  	[spmem:s3] =	stream.indirect.scatter.add.f32 [tilespmem:s18], [sflag:$0x5], $0x40, s6, s17, $0xb8;
	[tilespmem:$0x16620] =	vst v63  }
0x9e: {  	_ =	swait.ge [sflag:s20], $0x1400  }
0x9f: {  	[sflag:s20] =	ssyncset.done $0x0  }
0xa0: {  	[sflag:s20] =	ssyncadd.s32 $0xFFFFEC00  }
0xa1: {  	_ =	swait.ge [sflag:s29], $0x1400  }
0xa2: {  	s23 =	stileid.u32;
	[sflag:s29] =	ssyncset.done $0x0  }
0xa3: {  	s5 =	sshll.u32 s23, $0x6;
	[sflag:s29] =	ssyncadd.s32 $0xFFFFEC00  }
0xa4: {  	s5 =	sor.u32 $0x1C09, s5;
	[bflag:$0x0] =	sbarrier.arrive $0xFFFF  }
0xa5: {  	[hbm:s7], [sflag:s5] =	dma.local [spmem:s24], $0x1380  }
0xa6: {  	_ =	swait.ge [sflag:s14], $0x1380  }
0xa7: {  	s4 =	sadd.s32 $0x1, s4;
	[sflag:s14] =	ssyncset.done $0x0  }
0xa8: {  	p1 =	sne.s32 s4, s10;
	[sflag:s14] =	ssyncadd.s32 $0xFFFFEC80  }
0xa9: {  	[hbm:s8], [sflag:s5] =	dma.local @!p0 [spmem:s25], $0x80  }
.Ltmp2:
0xaa: {  	_ = 	snop;
	(pc) =	sbr.rel @p1 .LBB2_1-.Ltmp2, $4  }
0xab: {  	s5 =	simm.s32 @!p0 $0x9  }
0xac: {  	_ =	swait.ge @!p0 [sflag:s5], $0x80  }
0xad: {  	[sflag:s5] =	ssyncset.done @!p0 $0x0  }
0xae: {  	[sflag:s5] =	ssyncadd.s32 @!p0 $0xFFFFFF80  }
0xaf: {  	_ =	sfence.sel $0x180000  }
0xb0: {  	[bflag:$0x0] =	sbarrier.arrive $0xFFFF  }
0xb1: {  	_ =	strace $0x9000004A  }
0xb2: {  	s0 =	stileid.u32;
	[bflag:$0x2] =	sbarrier.arrive $0xFFFF  }
0xb3: {  	p0 =	sne.s32 s0, $0x0;
	s0 =	rddreg [dreg:$0x3]  }
0xb4: {  	s0 =	sadd.s32 @!p0 $0x100000, s0  }
0xb5: {  	[sflag:s0] =	ssyncadd.tile.s32 @!p0 $0x1;
	_ =	shalt  }
.Lfunc_end2:
_tile_overlayer_lowered:
.L_overlay_start_2:
0xb6: {  	(tag) =	ssettag $0x2  }
0xb7: {  	s0 =	rddreg [dreg:$0x0];
	s2 =	stileid.u32  }
0xb8: {  	s1 =	rddreg [dreg:$0x1];
	p0 =	sne.s32 s2, $0x0  }
0xb9: {  	s3 =	rddreg [dreg:$0x2];
	[bflag:$0x3] =	sbarrier.arrive $0xFFFF;
	s2 =	simm.s32 @!p0 $0x1C09  }
0xba: {  	[timem:s3], [sflag:s2] =	dma.local @!p0 [hbm:s0], s1  }
0xbb: {  	s0 =	simm.s32 @!p0 $0x9  }
0xbc: {  	_ =	swait.ge @!p0 [sflag:s0], s1  }
0xbd: {  	s1 =	ssub.s32 @!p0 $0x0, s1;
	[sflag:s0] =	ssyncset.done @!p0 $0x0  }
0xbe: {  	[sflag:s0] =	ssyncadd.s32 @!p0 s1  }
0xbf: {  	[bflag:$0x3] =	sbarrier.arrive $0xFFFF  }
0xc0: {  	_ =	shalt  }

// kernel: kernel.7.cloned.1.call-start
scs
__scs_entry_jumppad:
0x0: {  	(pc) =	sbr.rel $0x88, $3  }
0x1: {  	(tag) =	ssettag $0x0;
	lr =	simm.s32 $0x1  }
0x2: {  	[smem:$0x3F88] =	sst lr;
	_ =	strace $0xD0000000  }
0x3: {  	_ = 	snop  }
0x4: {  	_ = 	snop  }
0x5: {  	_ = 	snop  }
0x6: {  	_ = 	snop  }
0x7: {  	_ = 	snop  }
__scs_overlays_trampoline_lowered:
0x8: {  	[smem:$0x3F97] =	sst s0  }
0x9: {  	[smem:$0x3F98] =	sst s1  }
0xa: {  	[smem:$0x3F99] =	sst s2  }
0xb: {  	[smem:$0x3F9A] =	sst s3  }
0xc: {  	[smem:$0x3F9B] =	sst s4  }
0xd: {  	[smem:$0x3F9C] =	sst s5  }
0xe: {  	[smem:$0x3F9D] =	sst s6  }
0xf: {  	[smem:$0x3F9E] =	sst s7  }
0x10: {  	[smem:$0x3F9F] =	sst s8  }
0x11: {  	[smem:$0x3FA0] =	sst s9;
	s0 =	simm.s32 @!p0 $0x0  }
0x12: {  	s1 =	sld [smem:$0x3F86];
	s0 =	simm.s32 @p0 $0x1  }
0x13: {  	[smem:$0x3FA1] =	sst s0;
	s0 =	simm.s32 @!p1 $0x0  }
0x14: {  	s2 =	sld [smem:$0x3F85];
	s0 =	simm.s32 @p1 $0x1  }
0x15: {  	[smem:$0x3FA2] =	sst s0;
	s0 =	simm.s32 @!p2 $0x0  }
0x16: {  	s3 =	sld [smem:$0x3FDB];
	s0 =	simm.s32 @p2 $0x1  }
0x17: {  	s4 =	simm.s32 $0x1BF5;
	[smem:$0x3FA4] =	sst s0  }
0x18: {  	s0 =	sld [smem:$0x3F87];
	_ =	swait.ge [sflag:s4], $0x0  }
0x19: {  	s7 =	sld [smem:$0x3F88]  }
0x1a: {  	s8 =	sadd.s32 $0xFFFFE003, lr  }
0x1b: {  	s9 =	sadd.s32 $0xFFFFFEF7, lr;
	s5 =	simm.s32 $0xFFFFFFFF;
	p2 =	slt.u32 s8, $0xFFFFF086  }
0x1c: {  	p1 =	slt.u32 s9, $0xF7A;
	s5 =	simm.s32 @!p2 $0x0  }
0x1d: {  	s5 =	simm.s32 @p1 $0x1;
	p0 =	seq.s32 s7, s2  }
0x1e: {  	s7 =	smul.u32 @!p0 $0xF7A, s2;
	p2 =	seq.s32 @!p0 s5, $0x0  }
0x1f: {  	s9 =	smul.u32 $0xF7A, s1;
	s8 =	simm.s32 @!p0 $0x1BF5;
	p2 =	por !p2, p0  }
0x20: {  	[sflag:s8] =	ssyncset.s32 @!p0 $0xFFFFF086;
	s6 =	sadd.s32 @!p0 s3, s7;
	s7 =	simm.s32 @!p0 $0x108  }
0x21: {  	s3 =	sadd.s32 s3, s9;
	s6 =	sadd.s32 @!p0 $0x88, s6;
	s7 =	simm.s32 @p2 $0x1082  }
0x22: {  	[simem:s7], [sflag:s8] =	dma.local @!p0 [hbm:s6], $0xF7A  }
0x23: {  	s9 =	sor.u32 $0xD0000000, s2;
	s6 =	simm.s32 $0x108;
	_ =	swait.ge @!p0 [sflag:s8], $0x0  }
0x24: {  	s3 =	sadd.s32 $0x88, s3;
	s6 =	simm.s32 @!p1 $0x1082;
	[sflag:s4] =	ssyncset.s32 $0xFFFFF086  }
0x25: {  	[simem:s6], [sflag:s4] =	dma.local [hbm:s3], $0xF7A  }
0x26: {  	[smem:$0x3F88] =	sst s1;
	(tag) =	ssettag s2;
	_ =	strace s9  }
0x27: {  	s1 =	sld [smem:$0x3F98]  }
0x28: {  	s2 =	sld [smem:$0x3F99]  }
0x29: {  	s4 =	sld [smem:$0x3F9B]  }
0x2a: {  	p0 =	seq.s32 s5, $0x0;
	s5 =	sld [smem:$0x3F9C]  }
0x2b: {  	s6 =	sld [smem:$0x3F9D]  }
0x2c: {  	s7 =	sld [smem:$0x3F9E]  }
0x2d: {  	s3 =	simm.s32 $0x108;
	s8 =	sld [smem:$0x3F9F]  }
0x2e: {  	s3 =	simm.s32 @!p0 $0x1082;
	s9 =	sld [smem:$0x3FA0]  }
0x2f: {  	lr =	sadd.s32 s0, s3;
	s0 =	sld [smem:$0x3F97]  }
0x30: {  	s3 =	sld [smem:$0x3F9A]  }
0x31: {  	[smem:$0x3FA3] =	sst s10  }
0x32: {  	s10 =	sld [smem:$0x3FA1];
	_ =	sdelay $0x3  }
0x33: {  	p0 =	seq.s32 s10, $0x1;
	s10 =	sld [smem:$0x3FA3];
	_ =	sdelay $0x3  }
0x34: {  	[smem:$0x3FA3] =	sst s10  }
0x35: {  	s10 =	sld [smem:$0x3FA2];
	_ =	sdelay $0x3  }
0x36: {  	p1 =	seq.s32 s10, $0x1;
	s10 =	sld [smem:$0x3FA3];
	_ =	sdelay $0x3  }
0x37: {  	[smem:$0x3FA3] =	sst s10  }
0x38: {  	s10 =	sld [smem:$0x3FA4]  }
0x39: {  	_ = 	snop;
	(pc) =	sbr.ind lr, $3  }
0x3a: {  	_ = 	snop  }
0x3b: {  	_ = 	snop  }
0x3c: {  	p2 =	seq.s32 s10, $0x1;
	s10 =	sld [smem:$0x3FA3]  }
0x3d: {  	_ =	shalt  }
0x3e: {  	_ =	shalt  }
0x3f: {  	_ =	shalt  }
0x40: {  	_ =	shalt  }
0x41: {  	_ =	shalt  }
0x42: {  	_ =	shalt  }
0x43: {  	_ =	shalt  }
0x44: {  	_ =	shalt  }
0x45: {  	_ =	shalt  }
0x46: {  	_ =	shalt  }
0x47: {  	_ =	shalt  }
0x48: {  	_ =	shalt  }
0x49: {  	_ =	shalt  }
0x4a: {  	_ =	shalt  }
0x4b: {  	_ =	shalt  }
0x4c: {  	_ =	shalt  }
0x4d: {  	_ =	shalt  }
0x4e: {  	_ =	shalt  }
0x4f: {  	_ =	shalt  }
0x50: {  	_ =	shalt  }
0x51: {  	_ =	shalt  }
0x52: {  	_ =	shalt  }
0x53: {  	_ =	shalt  }
0x54: {  	_ =	shalt  }
0x55: {  	_ =	shalt  }
0x56: {  	_ =	shalt  }
0x57: {  	_ =	shalt  }
0x58: {  	_ =	shalt  }
0x59: {  	_ =	shalt  }
0x5a: {  	_ =	shalt  }
0x5b: {  	_ =	shalt  }
0x5c: {  	_ =	shalt  }
0x5d: {  	_ =	shalt  }
0x5e: {  	_ =	shalt  }
0x5f: {  	_ =	shalt  }
0x60: {  	_ =	shalt  }
0x61: {  	_ =	shalt  }
0x62: {  	_ =	shalt  }
0x63: {  	_ =	shalt  }
0x64: {  	_ =	shalt  }
0x65: {  	_ =	shalt  }
0x66: {  	_ =	shalt  }
0x67: {  	_ =	shalt  }
0x68: {  	_ =	shalt  }
0x69: {  	_ =	shalt  }
0x6a: {  	_ =	shalt  }
0x6b: {  	_ =	shalt  }
0x6c: {  	_ =	shalt  }
0x6d: {  	_ =	shalt  }
0x6e: {  	_ =	shalt  }
0x6f: {  	_ =	shalt  }
0x70: {  	_ =	shalt  }
0x71: {  	_ =	shalt  }
0x72: {  	_ =	shalt  }
0x73: {  	_ =	shalt  }
0x74: {  	_ =	shalt  }
0x75: {  	_ =	shalt  }
0x76: {  	_ =	shalt  }
0x77: {  	_ =	shalt  }
0x78: {  	_ =	shalt  }
0x79: {  	_ =	shalt  }
0x7a: {  	_ =	shalt  }
0x7b: {  	_ =	shalt  }
0x7c: {  	_ =	shalt  }
0x7d: {  	_ =	shalt  }
0x7e: {  	_ =	shalt  }
0x7f: {  	_ =	shalt  }
0x80: {  	_ =	shalt  }
0x81: {  	_ =	shalt  }
0x82: {  	_ =	shalt  }
0x83: {  	_ =	shalt  }
0x84: {  	_ =	shalt  }
0x85: {  	_ =	shalt  }
0x86: {  	_ =	shalt  }
0x87: {  	_ =	shalt  }
.Lfunc_end0:
.L_simem_size_0:
called_computation_lowered:
.L_overlay_start_0:
0x88: {  	s2 =	sld [smem:$0x3FD9]  }
0x89: {  	s3 =	sld [smem:$0x3FFE];
	_ =	sdelay $0x1  }
0x8a: {  	s1 =	srdreg.scid  }
0x8b: {  	s0 =	sand.u32 $0x1, s1  }
0x8c: {  	s14 =	sshll.u32 s0, $0xA;
	s2 =	sadd.s32 s3, s2  }
0x8d: {  	s2 =	sadd.s32 s2, s14  }
0x8e: {  	[smem:$0x3FAF] =	sst s2  }
0x8f: {  	_ = 	snop  }
0x90: {  	s2 =	sld [smem:$0x3FD0];
	_ =	sdelay $0x2  }
0x91: {  	s15 =	simm.s32 $0xA;
	s4 =	simm.s32 $0x10  }
0x92: {  	[smem:s4], [sflag:s15] =	dma.local [hbm:s2], $0x1  }
0x93: {  	_ =	swait.eq [sflag:s15], $0x1  }
0x94: {  	[sflag:s15] =	ssyncset.done $0x0  }
0x95: {  	s16 =	sld [smem:$0x11];
	[sflag:s15] =	ssyncadd.s32 $0xFFFFFFFF  }
0x96: {  	s17 =	sld [smem:$0x12];
	(tm) =	ssettm $0x1  }
0x97: {  	s18 =	sld [smem:$0x3FFB];
	_ =	sdelay $0x3  }
0x98: {  	_ =	strace s18  }
0x99: {  	s4 =	sld [smem:$0x3FFC];
	_ =	sdelay $0x3  }
0x9a: {  	_ =	strace s4  }
0x9b: {  	s4 =	sld [smem:$0x3FFD];
	_ =	sdelay $0x3  }
0x9c: {  	_ =	strace s4  }
0x9d: {  	_ =	strace $0x8FFFFFFF  }
0x9e: {  	s19 =	sld [smem:$0x3FDB];
	_ =	sdelay $0x1  }
0x9f: {  	s5 =	simm.s32 $_scs_section_size  }
0xa0: {  	s6 =	simm.s32 $_size__tile_overlayer_lowered;
	s7 =	simm.s32 $_tile_overlayer_lowered  }
0xa1: {  	s22 =	simm.s32 $0x1BFF;
	s21 =	sshll.u32 s7, $0x1;
	s4 =	sadd.s32 s5, s19  }
0xa2: {  	s8 =	simm.s32 $0x0;
	s20 =	sshll.u32 s6, $0x1;
	s6 =	sadd.s32 s21, s4  }
0xa3: {  	[timem:s8], [sflag:s22] =	dma.local [hbm:s6], s20  }
0xa4: {  	_ =	swait.ge [sflag:s22], s20  }
0xa5: {  	s5 =	ssub.s32 $0x0, s20;
	[sflag:s22] =	ssyncset.done $0x0  }
0xa6: {  	[sflag:s22] =	ssyncadd.s32 s5;
	_ =	sdelay $0x1  }
0xa7: {  	s23 =	simm.s32 $0x1B8B  }
0xa8: {  	_ =	swait.ge [sflag:s23], $0x1  }
0xa9: {  	[sflag:s23] =	ssyncset.done $0x0  }
0xaa: {  	s25 =	simm.s32 $0x1B8E;
	s24 =	sld [smem:$0x3FFE];
	[sflag:s23] =	ssyncadd.s32 $0xFFFFFFFF  }
0xab: {  	s26 =	simm.s32 $execute0_lowered;
	[smem:$0x3FD2] =	sst s25  }
0xac: {  	s6 =	sshll.u32 s26, $0x1;
	_ =	strace $0x80000046;
	[dreg:$0x1] =	wrdreg $0xFFFFFFFF  }
0xad: {  	s28 =	simm.s32 $_size_execute0_lowered;
	s4 =	sadd.s32 s4, s6;
	[dreg:$0x0] =	wrdreg $0x0  }
0xae: {  	s6 =	sshll.u32 s28, $0x1;
	[dreg:$0x2] =	wrdreg s4  }
0xaf: {  	[dreg:$0x3] =	wrdreg s6  }
0xb0: {  	[dreg:$0x4] =	wrdreg $0xC0  }
0xb1: {  	_ =	task [dreg:s8], $0x5FFFF  }
0xb2: {  	[dreg:$0x1] =	wrdreg $0xFFFFFFFF  }
0xb3: {  	[dreg:$0x0] =	wrdreg $0x60  }
0xb4: {  	[dreg:$0x2] =	wrdreg s17  }
0xb5: {  	[dreg:$0x3] =	wrdreg s16  }
0xb6: {  	[dreg:$0x4] =	wrdreg s24  }
0xb7: {  	[dreg:$0x5] =	wrdreg $0xC6200  }
0xb8: {  	[dreg:$0x6] =	wrdreg $0x9  }
0xb9: {  	_ =	task.clear_ibuf [dreg:s8], $0x7FFFF;
	_ =	strace $0x90000046  }
0xba: {  	s29 =	simm.s32 $0x9;
	_ =	strace $0x80000048  }
0xbb: {  	_ =	swait.ge [sflag:s29], $0x1  }
0xbc: {  	[sflag:s29] =	ssyncadd.s32 $0xFFFFFFFF  }
0xbd: {  	_ =	strace $0x90000048  }
0xbe: {  	_ =	sfence  }
0xbf: {  	s30 =	sld [smem:$0x0];
	_ =	sdelay $0x2  }
0xc0: {  	s31 =	sshll.u32 s1, $0xD;
	s1 =	sshrl.u32 s1, $0x2  }
0xc1: {  	s3 =	sand.u32 $0x4000, s31;
	s1 =	sadd.s32 s1, s30  }
0xc2: {  	s0 =	sor.u32 s3, s0;
	s1 =	sshll.u32 s1, $0x11  }
0xc3: {  	s0 =	sor.u32 s1, s0  }
0xc4: {  	s0 =	sadd.s32 $0x8F2B, s0  }
0xc5: {  	[sflag:s0] =	ssyncadd.remote.s32 $0x1  }
0xc6: {  	_ =	sfence.sel $0xFFFF  }
0xc7: {  	[dreg:$0x0] =	wrdreg $0xFFFFFFFF;
	(pc) =	sbr.abs _section_cstart, $3  }
0xc8: {  	[dreg:$0x1] =	wrdreg $0xFFFFFFFF  }
0xc9: {  	_ =	task.clear_ibuf [dreg:s8], $0x2FFFF;
	_ =	strace $0x9FFFFFFF  }
0xca: {  	(tm) =	ssettm $0x7FFFFFFF  }
0xcb: {  	_ =	shalt  }
tec
execute0_lowered:
.L_overlay_start_1:
0x0: {  	(tag) =	ssettag $0x1  }
0x1: {  	s0 =	rddreg [dreg:$0x0]  }
0x2: {  	s1 =	rddreg [dreg:$0x1]  }
0x3: {  	s3 =	rddreg [dreg:$0x2]  }
0x4: {  	s2 =	srdreg.scid;
	s4 =	rddreg [dreg:$0x3]  }
0x5: {  	s11 =	stileid.u32;
	s5 =	simm.s32 $0x0;
	s19 =	simm.s32 $0x9  }
0x6: {  	s20 =	simm.s32 $0x2710;
	s21 =	simm.s32 $0x9E20;
	s13 =	simm.s32 $0xA0  }
0x7: {  	s28 =	simm.s32 $0x1;
	s30 =	simm.s32 $0x8A20;
	s31 =	simm.s32 $0x2  }
0x8: {  	s14 =	simm.s32 $0x4DD0;
	s2 =	sand.u32 $0x1, s2;
	s10 =	smul.u32 $0x9C00, s11  }
0x9: {  	[smem:$0x7FF] =	sst s5;
	s8 =	sadd.s32 $0x3DC00, s3;
	s24 =	smul.u32 $0x28000, s11  }
0xa: {  	s25 =	sadd.s32 $0x9C000, s4;
	p0 =	sne.s32 s11, $0xF;
	s6 =	sshll.u32 s2, $0x4  }
0xb: {  	_ =	strace $0x80000047;
	s7 =	ssub.s32 $0x2, s2;
	s2 =	smul.u32 $0x9C400, s2  }
0xc: {  	[dreg:$0xa] =	wrdreg s25;
	s6 =	sor.u32 s11, s6;
	s9 =	sshrl.u32 s7, $0x1  }
0xd: {  	s26 =	sshrl.u32 s24, $0x2;
	s24 =	simm.s32 $0x6220;
	s6 =	smul.u32 $0x4E2, s6  }
0xe: {  	s7 =	ssub.s32 s7, s9;
	s23 =	sadd.s32 s10, s2;
	s2 =	sshrl.u32 s2, $0x3  }
0xf: {  	s10 =	sadd.s32 s10, s4;
	s15 =	sadd.s32 s26, s4;
	s26 =	simm.s32 $0x7620  }
0x10: {  	s9 =	simm.s32 $0x8;
	s2 =	sadd.s32 $0x13800, s2;
	[dreg:$0x8] =	wrdreg s10  }
0x11: {  	s29 =	smax.u32 s7, $0x1;
	s16 =	sadd.s32 $0x2800, s15;
	s6 =	sadd.s32 s6, s3  }
0x12: {  	[dreg:$0xd] =	wrdreg s29;
	s22 =	sadd.s32 $0xCC00, s6;
	s6 =	sadd.s32 $0x2E00, s6  }
0x13: {  	s17 =	sadd.s32 $0x5000, s15;
	[dreg:$0x6] =	wrdreg s6;
	s6 =	sshrl.u32 s23, $0x3  }
0x14: {  	s18 =	sadd.s32 $0x7800, s15;
	[dreg:$0x5] =	wrdreg s22;
	s12 =	sadd.s32 s8, s6  }
0x15: {  	s3 =	sadd.s32 $0x16A00, s3;
	s8 =	sadd.s32 s8, s2;
	[dreg:$0x7] =	wrdreg s12  }
0x16: {  	s7 =	simm.s32 $0x4;
	s6 =	sadd.s32 s3, s6;
	[dreg:$0x9] =	wrdreg s8  }
0x17: {  	s22 =	simm.s32 $0x50;
	s2 =	sadd.s32 s3, s2;
	[dreg:$0xb] =	wrdreg s6  }
0x18: {  	s23 =	simm.s32 $0x4E20;
	s3 =	simm.s32 $0x3;
	[dreg:$0xc] =	wrdreg s2  }
0x19: {  	v0 =	vimm.f32 $0.0e+00;
	s2 =	simm.s32 $0x5;
	s6 =	simm.s32 $0x6;
	s8 =	simm.s32 $0x7  }
.LBB2_1:
0x1a: {  	s11 =	simm.s32 $0x100;
	s10 =	simm.s32 $0x0  }
.LBB2_2:
0x1b: {  	p1 =	sne.s32 s11, $0x9F00;
	[tilespmem:s10+$0x9E50] =	vst v0;
	s12 =	smov.u32 s11;
	s11 =	sadd.s32 $0x100, s11  }
.Ltmp0:
0x1c: {  	[tilespmem:s10+$0x9E40] =	vst v0;
	(pc) =	sbr.rel @p1 .LBB2_2-.Ltmp0, $3  }
0x1d: {  	[tilespmem:s10+$0x9E20] =	vst v0  }
0x1e: {  	[tilespmem:s10+$0x9E30] =	vst v0;
	_ =	sdelay $0x1  }
0x1f: {  	s10 =	sshra.s32 s12, $0x2  }
0x20: {  	[tilespmem:s10+$0x9E50] =	vst v0  }
0x21: {  	[tilespmem:s10+$0x9E40] =	vst v0  }
0x22: {  	[tilespmem:s10+$0x9E20] =	vst v0  }
0x23: {  	[tilespmem:s10+$0x9E30] =	vst v0;
	s25 =	simm.s32 $0x0;
	s11 =	rddreg [dreg:$0x5]  }
0x24: {  	[tilespmem:s25], [sflag:$0x9] =	stream.linear.gather [hbm4b:s11+s25], $0x2710, $0x38;
	[tilespmem:$0x16620] =	vst v63  }
0x25: {  	_ =	swait.ge [sflag:s19], $0x2710  }
0x26: {  	[sflag:s19] =	ssyncset.done $0x0  }
0x27: {  	s29 =	rddreg [dreg:$0x6];
	[sflag:s19] =	ssyncadd.s32 $0xFFFFD8F0  }
0x28: {  	[tilespmem:s20], [sflag:$0x9] =	stream.linear.gather [hbm4b:s29+s25], $0x2710, $0x38;
	[tilespmem:$0x16620] =	vst v63  }
0x29: {  	_ =	swait.ge [sflag:s19], $0x2710  }
0x2a: {  	[sflag:s19] =	ssyncset.done $0x0  }
0x2b: {  	[sflag:s19] =	ssyncadd.s32 $0xFFFFD8F0  }
0x2c: {  	[spmem:s15] =	stream.linear.scatter [tilespmem:s21], [sflag:$0x9], $0x2800, $0x38;
	[tilespmem:$0x16620] =	vst v63  }
0x2d: {  	_ =	swait.ge [sflag:s19], $0x2800  }
0x2e: {  	[sflag:s19] =	ssyncset.done $0x0  }
0x2f: {  	[sflag:s19] =	ssyncadd.s32 $0xFFFFD800  }
0x30: {  	[spmem:s16] =	stream.linear.scatter [tilespmem:s21], [sflag:$0x9], $0x2800, $0x38;
	[tilespmem:$0x16620] =	vst v63  }
0x31: {  	_ =	swait.ge [sflag:s19], $0x2800  }
0x32: {  	[sflag:s19] =	ssyncset.done $0x0  }
0x33: {  	[sflag:s19] =	ssyncadd.s32 $0xFFFFD800  }
0x34: {  	[spmem:s17] =	stream.linear.scatter [tilespmem:s21], [sflag:$0x9], $0x2800, $0x38;
	[tilespmem:$0x16620] =	vst v63  }
0x35: {  	_ =	swait.ge [sflag:s19], $0x2800  }
0x36: {  	[sflag:s19] =	ssyncset.done $0x0  }
0x37: {  	[sflag:s19] =	ssyncadd.s32 $0xFFFFD800  }
0x38: {  	[spmem:s18] =	stream.linear.scatter [tilespmem:s21], [sflag:$0x9], $0x2800, $0x38;
	[tilespmem:$0x16620] =	vst v63  }
0x39: {  	_ =	swait.ge [sflag:s19], $0x2800  }
0x3a: {  	[sflag:s19] =	ssyncset.done $0x0  }
0x3b: {  	[sflag:s19] =	ssyncadd.s32 $0xFFFFD800  }
0x3c: {  	[bflag:$0x0] =	sbarrier.arrive $0xFFFF  }
0x3d: {  	[tilespmem:s23], [sflag:$0x1] =	stream.indirect.gather [hbm4b:s0+s22], $0x40, s25, s22, $0xb8;
	[tilespmem:$0x16620] =	vst v63  }
0x3e: {  	_ = 	snop  }
0x3f: {  	[tilespmem:s24], [sflag:$0x2] =	stream.indirect.gather [hbm4b:s0+s22], $0x40, s22, s22, $0xb8;
	[tilespmem:$0x16620] =	vst v63  }
0x40: {  	_ = 	snop  }
0x41: {  	[tilespmem:s26], [sflag:$0x3] =	stream.indirect.gather [hbm4b:s0+s22], $0x40, s13, s22, $0xb8;
	[tilespmem:$0x16620] =	vst v63  }
0x42: {  	_ =	swait.ge [sflag:s28], $0x1400  }
0x43: {  	[sflag:s28] =	ssyncset.done $0x0  }
0x44: {  	[sflag:s28] =	ssyncadd.s32 $0xFFFFEC00  }
0x45: {  	[spmem:s4] =	stream.indirect.scatter.add.f32 [tilespmem:s23], [sflag:$0x5], $0x40, s20, s22, $0xb8;
	[tilespmem:$0x16620] =	vst v63  }
0x46: {  	s11 =	simm.s32 $0xF0  }
0x47: {  	[tilespmem:s30], [sflag:$0x4] =	stream.indirect.gather [hbm4b:s0+s22], $0x40, s11, s22, $0xb8;
	[tilespmem:$0x16620] =	vst v63  }
0x48: {  	_ =	swait.ge [sflag:s31], $0x1400  }
0x49: {  	[sflag:s31] =	ssyncset.done $0x0  }
0x4a: {  	s12 =	simm.s32 $0x2760;
	[sflag:s31] =	ssyncadd.s32 $0xFFFFEC00  }
0x4b: {  	[spmem:s4] =	stream.indirect.scatter.add.f32 [tilespmem:s24], [sflag:$0x6], $0x40, s12, s22, $0xb8;
	[tilespmem:$0x16620] =	vst v63  }
0x4c: {  	_ =	swait.ge [sflag:s2], $0x1400  }
0x4d: {  	[sflag:s2] =	ssyncset.done $0x0  }
0x4e: {  	s25 =	simm.s32 $0x140;
	[sflag:s2] =	ssyncadd.s32 $0xFFFFEC00  }
0x4f: {  	[tilespmem:s23], [sflag:$0x1] =	stream.indirect.gather [hbm4b:s0+s22], $0x40, s25, s22, $0xb8;
	[tilespmem:$0x16620] =	vst v63  }
0x50: {  	_ =	swait.ge [sflag:s3], $0x1400  }
0x51: {  	[sflag:s3] =	ssyncset.done $0x0  }
0x52: {  	s29 =	simm.s32 $0x27B0;
	[sflag:s3] =	ssyncadd.s32 $0xFFFFEC00  }
0x53: {  	[spmem:s4] =	stream.indirect.scatter.add.f32 [tilespmem:s26], [sflag:$0x7], $0x40, s29, s22, $0xb8;
	[tilespmem:$0x16620] =	vst v63  }
0x54: {  	_ =	swait.ge [sflag:s6], $0x1400  }
0x55: {  	[sflag:s6] =	ssyncset.done $0x0  }
0x56: {  	s11 =	simm.s32 $0x190;
	[sflag:s6] =	ssyncadd.s32 $0xFFFFEC00  }
0x57: {  	[tilespmem:s24], [sflag:$0x2] =	stream.indirect.gather [hbm4b:s0+s22], $0x40, s11, s22, $0xb8;
	[tilespmem:$0x16620] =	vst v63  }
0x58: {  	_ =	swait.ge [sflag:s7], $0x1400  }
0x59: {  	[sflag:s7] =	ssyncset.done $0x0  }
0x5a: {  	s12 =	simm.s32 $0x2800;
	[sflag:s7] =	ssyncadd.s32 $0xFFFFEC00  }
0x5b: {  	[spmem:s4] =	stream.indirect.scatter.add.f32 [tilespmem:s30], [sflag:$0x8], $0x40, s12, s22, $0xb8;
	[tilespmem:$0x16620] =	vst v63  }
0x5c: {  	_ =	swait.ge [sflag:s8], $0x1400  }
0x5d: {  	[sflag:s8] =	ssyncset.done $0x0  }
0x5e: {  	s25 =	simm.s32 $0x1E0;
	[sflag:s8] =	ssyncadd.s32 $0xFFFFEC00  }
0x5f: {  	[tilespmem:s26], [sflag:$0x3] =	stream.indirect.gather [hbm4b:s0+s22], $0x40, s25, s22, $0xb8;
	[tilespmem:$0x16620] =	vst v63  }
0x60: {  	_ =	swait.ge [sflag:s28], $0x1400  }
0x61: {  	[sflag:s28] =	ssyncset.done $0x0  }
0x62: {  	s29 =	simm.s32 $0x2850;
	[sflag:s28] =	ssyncadd.s32 $0xFFFFEC00  }
0x63: {  	[spmem:s4] =	stream.indirect.scatter.add.f32 [tilespmem:s23], [sflag:$0x5], $0x40, s29, s22, $0xb8;
	[tilespmem:$0x16620] =	vst v63  }
0x64: {  	_ =	swait.ge [sflag:s9], $0x1400  }
0x65: {  	[sflag:s9] =	ssyncset.done $0x0  }
0x66: {  	s10 =	simm.s32 $0x500;
	s11 =	simm.s32 $0x230;
	[sflag:s9] =	ssyncadd.s32 $0xFFFFEC00  }
.LBB2_4:
0x67: {  	[tilespmem:s30], [sflag:$0x4] =	stream.indirect.gather [hbm4b:s0+s22], $0x40, s11, s22, $0xb8;
	[tilespmem:$0x16620] =	vst v63  }
0x68: {  	s11 =	smov.u32 s10  }
0x69: {  	p1 =	sne.s32 s10, $0x9100;
	s10 =	sadd.s32 $0x500, s10;
	_ =	swait.ge [sflag:s31], $0x1400  }
0x6a: {  	s11 =	sshra.s32 s11, $0x2;
	[sflag:s31] =	ssyncset.done $0x0  }
0x6b: {  	s12 =	sadd.s32 $0x2760, s11;
	[sflag:s31] =	ssyncadd.s32 $0xFFFFEC00  }
0x6c: {  	[spmem:s4] =	stream.indirect.scatter.add.f32 [tilespmem:s24], [sflag:$0x6], $0x40, s12, s22, $0xb8;
	[tilespmem:$0x16620] =	vst v63  }
0x6d: {  	_ =	swait.ge [sflag:s2], $0x1400  }
0x6e: {  	[sflag:s2] =	ssyncset.done $0x0  }
0x6f: {  	s12 =	sadd.s32 $0x140, s11;
	[sflag:s2] =	ssyncadd.s32 $0xFFFFEC00  }
0x70: {  	[tilespmem:s23], [sflag:$0x1] =	stream.indirect.gather [hbm4b:s0+s22], $0x40, s12, s22, $0xb8;
	[tilespmem:$0x16620] =	vst v63  }
0x71: {  	_ =	swait.ge [sflag:s3], $0x1400  }
0x72: {  	[sflag:s3] =	ssyncset.done $0x0  }
0x73: {  	s12 =	sadd.s32 $0x27B0, s11;
	[sflag:s3] =	ssyncadd.s32 $0xFFFFEC00  }
0x74: {  	[spmem:s4] =	stream.indirect.scatter.add.f32 [tilespmem:s26], [sflag:$0x7], $0x40, s12, s22, $0xb8;
	[tilespmem:$0x16620] =	vst v63  }
0x75: {  	_ =	swait.ge [sflag:s6], $0x1400  }
0x76: {  	[sflag:s6] =	ssyncset.done $0x0  }
0x77: {  	s12 =	sadd.s32 $0x190, s11;
	[sflag:s6] =	ssyncadd.s32 $0xFFFFEC00  }
0x78: {  	[tilespmem:s24], [sflag:$0x2] =	stream.indirect.gather [hbm4b:s0+s22], $0x40, s12, s22, $0xb8;
	[tilespmem:$0x16620] =	vst v63  }
0x79: {  	_ =	swait.ge [sflag:s7], $0x1400  }
0x7a: {  	[sflag:s7] =	ssyncset.done $0x0  }
0x7b: {  	s12 =	sadd.s32 $0x2800, s11;
	[sflag:s7] =	ssyncadd.s32 $0xFFFFEC00  }
0x7c: {  	[spmem:s4] =	stream.indirect.scatter.add.f32 [tilespmem:s30], [sflag:$0x8], $0x40, s12, s22, $0xb8;
	[tilespmem:$0x16620] =	vst v63  }
0x7d: {  	_ =	swait.ge [sflag:s8], $0x1400  }
0x7e: {  	[sflag:s8] =	ssyncset.done $0x0  }
0x7f: {  	s12 =	sadd.s32 $0x1E0, s11;
	[sflag:s8] =	ssyncadd.s32 $0xFFFFEC00  }
0x80: {  	[tilespmem:s26], [sflag:$0x3] =	stream.indirect.gather [hbm4b:s0+s22], $0x40, s12, s22, $0xb8;
	[tilespmem:$0x16620] =	vst v63  }
0x81: {  	_ =	swait.ge [sflag:s28], $0x1400  }
0x82: {  	[sflag:s28] =	ssyncset.done $0x0  }
.Ltmp1:
0x83: {  	s12 =	sadd.s32 $0x2850, s11;
	[sflag:s28] =	ssyncadd.s32 $0xFFFFEC00;
	(pc) =	sbr.rel @p1 .LBB2_4-.Ltmp1, $4  }
0x84: {  	[spmem:s4] =	stream.indirect.scatter.add.f32 [tilespmem:s23], [sflag:$0x5], $0x40, s12, s22, $0xb8;
	[tilespmem:$0x16620] =	vst v63  }
0x85: {  	_ =	swait.ge [sflag:s9], $0x1400  }
0x86: {  	[sflag:s9] =	ssyncset.done $0x0  }
0x87: {  	s11 =	sadd.s32 $0x230, s11;
	[sflag:s9] =	ssyncadd.s32 $0xFFFFEC00  }
0x88: {  	[tilespmem:s30], [sflag:$0x4] =	stream.indirect.gather [hbm4b:s0+s22], $0x40, s11, s22, $0xb8;
	[tilespmem:$0x16620] =	vst v63  }
0x89: {  	_ =	swait.ge [sflag:s31], $0x1400  }
0x8a: {  	[sflag:s31] =	ssyncset.done $0x0  }
0x8b: {  	s10 =	simm.s32 $0x4CE0;
	[sflag:s31] =	ssyncadd.s32 $0xFFFFEC00  }
0x8c: {  	[spmem:s4] =	stream.indirect.scatter.add.f32 [tilespmem:s24], [sflag:$0x6], $0x40, s10, s22, $0xb8;
	[tilespmem:$0x16620] =	vst v63  }
0x8d: {  	_ =	swait.ge [sflag:s2], $0x1400  }
0x8e: {  	[sflag:s2] =	ssyncset.done $0x0  }
0x8f: {  	s11 =	simm.s32 $0x26C0;
	[sflag:s2] =	ssyncadd.s32 $0xFFFFEC00  }
0x90: {  	[tilespmem:s23], [sflag:$0x1] =	stream.indirect.gather [hbm4b:s0+s22], $0x40, s11, s22, $0xb8;
	[tilespmem:$0x16620] =	vst v63  }
0x91: {  	_ =	swait.ge [sflag:s3], $0x1400  }
0x92: {  	[sflag:s3] =	ssyncset.done $0x0  }
0x93: {  	s12 =	simm.s32 $0x4D30;
	[sflag:s3] =	ssyncadd.s32 $0xFFFFEC00  }
0x94: {  	[spmem:s4] =	stream.indirect.scatter.add.f32 [tilespmem:s26], [sflag:$0x7], $0x40, s12, s22, $0xb8;
	[tilespmem:$0x16620] =	vst v63  }
0x95: {  	_ =	swait.ge [sflag:s6], $0x1400  }
0x96: {  	[sflag:s6] =	ssyncset.done $0x0  }
0x97: {  	[sflag:s6] =	ssyncadd.s32 $0xFFFFEC00  }
0x98: {  	_ =	swait.ge [sflag:s7], $0x1400  }
0x99: {  	[sflag:s7] =	ssyncset.done $0x0  }
0x9a: {  	s25 =	simm.s32 $0x4D80;
	[sflag:s7] =	ssyncadd.s32 $0xFFFFEC00  }
0x9b: {  	[spmem:s4] =	stream.indirect.scatter.add.f32 [tilespmem:s30], [sflag:$0x8], $0x40, s25, s22, $0xb8;
	[tilespmem:$0x16620] =	vst v63  }
0x9c: {  	_ =	swait.ge [sflag:s8], $0x1400  }
0x9d: {  	[sflag:s8] =	ssyncset.done $0x0  }
0x9e: {  	[sflag:s8] =	ssyncadd.s32 $0xFFFFEC00  }
0x9f: {  	_ =	swait.ge [sflag:s28], $0x1400  }
0xa0: {  	[sflag:s28] =	ssyncset.done $0x0  }
0xa1: {  	[sflag:s28] =	ssyncadd.s32 $0xFFFFEC00  }
0xa2: {  	[spmem:s4] =	stream.indirect.scatter.add.f32 [tilespmem:s23], [sflag:$0x5], $0x40, s14, s22, $0xb8;
	[tilespmem:$0x16620] =	vst v63  }
0xa3: {  	_ =	swait.ge [sflag:s9], $0x1400  }
0xa4: {  	[sflag:s9] =	ssyncset.done $0x0  }
0xa5: {  	[sflag:s9] =	ssyncadd.s32 $0xFFFFEC00  }
0xa6: {  	_ =	swait.ge [sflag:s2], $0x1400  }
0xa7: {  	[sflag:s2] =	ssyncset.done $0x0  }
0xa8: {  	[sflag:s2] =	ssyncadd.s32 $0xFFFFEC00  }
0xa9: {  	s11 =	stileid.u32;
	[bflag:$0x0] =	sbarrier.arrive $0xFFFF  }
0xaa: {  	s10 =	sshll.u32 s11, $0x6;
	s12 =	rddreg [dreg:$0x8]  }
0xab: {  	s25 =	sor.u32 $0x1C09, s10;
	s11 =	rddreg [dreg:$0x7];
	s29 =	sshrl.u32 s12, $0x3  }
0xac: {  	[hbm:s11], [sflag:s25] =	dma.local [spmem:s29], $0x1380  }
0xad: {  	_ =	swait.ge [sflag:s19], $0x1380  }
0xae: {  	[sflag:s19] =	ssyncset.done $0x0;
	s10 =	rddreg [dreg:$0xa]  }
0xaf: {  	s11 =	rddreg [dreg:$0x9];
	[sflag:s19] =	ssyncadd.s32 $0xFFFFEC80;
	s10 =	sshrl.u32 @!p0 s10, $0x3  }
0xb0: {  	[hbm:s11], [sflag:s25] =	dma.local @!p0 [spmem:s10], $0x80  }
0xb1: {  	s11 =	simm.s32 @!p0 $0x9  }
0xb2: {  	_ =	swait.ge @!p0 [sflag:s11], $0x80  }
0xb3: {  	[sflag:s11] =	ssyncset.done @!p0 $0x0  }
0xb4: {  	[sflag:s11] =	ssyncadd.s32 @!p0 $0xFFFFFF80  }
0xb5: {  	[bflag:$0x0] =	sbarrier.arrive $0xFFFF  }
0xb6: {  	[spmem:s15] =	stream.linear.scatter [tilespmem:s21], [sflag:$0x9], $0x2800, $0x38;
	[tilespmem:$0x16620] =	vst v63  }
0xb7: {  	_ =	swait.ge [sflag:s19], $0x2800  }
0xb8: {  	[sflag:s19] =	ssyncset.done $0x0  }
0xb9: {  	[sflag:s19] =	ssyncadd.s32 $0xFFFFD800  }
0xba: {  	[spmem:s16] =	stream.linear.scatter [tilespmem:s21], [sflag:$0x9], $0x2800, $0x38;
	[tilespmem:$0x16620] =	vst v63  }
0xbb: {  	_ =	swait.ge [sflag:s19], $0x2800  }
0xbc: {  	[sflag:s19] =	ssyncset.done $0x0  }
0xbd: {  	[sflag:s19] =	ssyncadd.s32 $0xFFFFD800  }
0xbe: {  	[spmem:s17] =	stream.linear.scatter [tilespmem:s21], [sflag:$0x9], $0x2800, $0x38;
	[tilespmem:$0x16620] =	vst v63  }
0xbf: {  	_ =	swait.ge [sflag:s19], $0x2800  }
0xc0: {  	[sflag:s19] =	ssyncset.done $0x0  }
0xc1: {  	[sflag:s19] =	ssyncadd.s32 $0xFFFFD800  }
0xc2: {  	[spmem:s18] =	stream.linear.scatter [tilespmem:s21], [sflag:$0x9], $0x2800, $0x38;
	[tilespmem:$0x16620] =	vst v63  }
0xc3: {  	_ =	swait.ge [sflag:s19], $0x2800  }
0xc4: {  	[sflag:s19] =	ssyncset.done $0x0  }
0xc5: {  	[sflag:s19] =	ssyncadd.s32 $0xFFFFD800  }
0xc6: {  	s12 =	simm.s32 $0x0;
	[bflag:$0x0] =	sbarrier.arrive $0xFFFF  }
0xc7: {  	[tilespmem:s23], [sflag:$0x1] =	stream.indirect.gather [hbm4b:s1+s22], $0x40, s12, s22, $0xb8;
	[tilespmem:$0x16620] =	vst v63  }
0xc8: {  	_ = 	snop  }
0xc9: {  	[tilespmem:s24], [sflag:$0x2] =	stream.indirect.gather [hbm4b:s1+s22], $0x40, s22, s22, $0xb8;
	[tilespmem:$0x16620] =	vst v63  }
0xca: {  	_ = 	snop  }
0xcb: {  	[tilespmem:s26], [sflag:$0x3] =	stream.indirect.gather [hbm4b:s1+s22], $0x40, s13, s22, $0xb8;
	[tilespmem:$0x16620] =	vst v63  }
0xcc: {  	_ =	swait.ge [sflag:s28], $0x1400  }
0xcd: {  	[sflag:s28] =	ssyncset.done $0x0  }
0xce: {  	[sflag:s28] =	ssyncadd.s32 $0xFFFFEC00  }
0xcf: {  	[spmem:s4] =	stream.indirect.scatter.add.f32 [tilespmem:s23], [sflag:$0x5], $0x40, s20, s22, $0xb8;
	[tilespmem:$0x16620] =	vst v63  }
0xd0: {  	s12 =	simm.s32 $0xF0  }
0xd1: {  	[tilespmem:s30], [sflag:$0x4] =	stream.indirect.gather [hbm4b:s1+s22], $0x40, s12, s22, $0xb8;
	[tilespmem:$0x16620] =	vst v63  }
0xd2: {  	_ =	swait.ge [sflag:s31], $0x1400  }
0xd3: {  	[sflag:s31] =	ssyncset.done $0x0  }
0xd4: {  	s13 =	simm.s32 $0x2760;
	[sflag:s31] =	ssyncadd.s32 $0xFFFFEC00  }
0xd5: {  	[spmem:s4] =	stream.indirect.scatter.add.f32 [tilespmem:s24], [sflag:$0x6], $0x40, s13, s22, $0xb8;
	[tilespmem:$0x16620] =	vst v63  }
0xd6: {  	_ =	swait.ge [sflag:s2], $0x1400  }
0xd7: {  	[sflag:s2] =	ssyncset.done $0x0  }
0xd8: {  	s12 =	simm.s32 $0x140;
	[sflag:s2] =	ssyncadd.s32 $0xFFFFEC00  }
0xd9: {  	[tilespmem:s23], [sflag:$0x1] =	stream.indirect.gather [hbm4b:s1+s22], $0x40, s12, s22, $0xb8;
	[tilespmem:$0x16620] =	vst v63  }
0xda: {  	_ =	swait.ge [sflag:s3], $0x1400  }
0xdb: {  	[sflag:s3] =	ssyncset.done $0x0  }
0xdc: {  	s13 =	simm.s32 $0x27B0;
	[sflag:s3] =	ssyncadd.s32 $0xFFFFEC00  }
0xdd: {  	[spmem:s4] =	stream.indirect.scatter.add.f32 [tilespmem:s26], [sflag:$0x7], $0x40, s13, s22, $0xb8;
	[tilespmem:$0x16620] =	vst v63  }
0xde: {  	_ =	swait.ge [sflag:s6], $0x1400  }
0xdf: {  	[sflag:s6] =	ssyncset.done $0x0  }
0xe0: {  	s12 =	simm.s32 $0x190;
	[sflag:s6] =	ssyncadd.s32 $0xFFFFEC00  }
0xe1: {  	[tilespmem:s24], [sflag:$0x2] =	stream.indirect.gather [hbm4b:s1+s22], $0x40, s12, s22, $0xb8;
	[tilespmem:$0x16620] =	vst v63  }
0xe2: {  	_ =	swait.ge [sflag:s7], $0x1400  }
0xe3: {  	[sflag:s7] =	ssyncset.done $0x0  }
0xe4: {  	s13 =	simm.s32 $0x2800;
	[sflag:s7] =	ssyncadd.s32 $0xFFFFEC00  }
0xe5: {  	[spmem:s4] =	stream.indirect.scatter.add.f32 [tilespmem:s30], [sflag:$0x8], $0x40, s13, s22, $0xb8;
	[tilespmem:$0x16620] =	vst v63  }
0xe6: {  	_ =	swait.ge [sflag:s8], $0x1400  }
0xe7: {  	[sflag:s8] =	ssyncset.done $0x0  }
0xe8: {  	s12 =	simm.s32 $0x1E0;
	[sflag:s8] =	ssyncadd.s32 $0xFFFFEC00  }
0xe9: {  	[tilespmem:s26], [sflag:$0x3] =	stream.indirect.gather [hbm4b:s1+s22], $0x40, s12, s22, $0xb8;
	[tilespmem:$0x16620] =	vst v63  }
0xea: {  	_ =	swait.ge [sflag:s28], $0x1400  }
0xeb: {  	[sflag:s28] =	ssyncset.done $0x0  }
0xec: {  	s13 =	simm.s32 $0x2850;
	[sflag:s28] =	ssyncadd.s32 $0xFFFFEC00  }
0xed: {  	[spmem:s4] =	stream.indirect.scatter.add.f32 [tilespmem:s23], [sflag:$0x5], $0x40, s13, s22, $0xb8;
	[tilespmem:$0x16620] =	vst v63  }
0xee: {  	_ =	swait.ge [sflag:s9], $0x1400  }
0xef: {  	[sflag:s9] =	ssyncset.done $0x0  }
0xf0: {  	s11 =	simm.s32 $0x500;
	s12 =	simm.s32 $0x230;
	[sflag:s9] =	ssyncadd.s32 $0xFFFFEC00  }
.LBB2_6:
0xf1: {  	[tilespmem:s30], [sflag:$0x4] =	stream.indirect.gather [hbm4b:s1+s22], $0x40, s12, s22, $0xb8;
	[tilespmem:$0x16620] =	vst v63  }
0xf2: {  	s12 =	smov.u32 s11  }
0xf3: {  	p1 =	sne.s32 s11, $0x9100;
	s11 =	sadd.s32 $0x500, s11;
	_ =	swait.ge [sflag:s31], $0x1400  }
0xf4: {  	s12 =	sshra.s32 s12, $0x2;
	[sflag:s31] =	ssyncset.done $0x0  }
0xf5: {  	s13 =	sadd.s32 $0x2760, s12;
	[sflag:s31] =	ssyncadd.s32 $0xFFFFEC00  }
0xf6: {  	[spmem:s4] =	stream.indirect.scatter.add.f32 [tilespmem:s24], [sflag:$0x6], $0x40, s13, s22, $0xb8;
	[tilespmem:$0x16620] =	vst v63  }
0xf7: {  	_ =	swait.ge [sflag:s2], $0x1400  }
0xf8: {  	[sflag:s2] =	ssyncset.done $0x0  }
0xf9: {  	s13 =	sadd.s32 $0x140, s12;
	[sflag:s2] =	ssyncadd.s32 $0xFFFFEC00  }
0xfa: {  	[tilespmem:s23], [sflag:$0x1] =	stream.indirect.gather [hbm4b:s1+s22], $0x40, s13, s22, $0xb8;
	[tilespmem:$0x16620] =	vst v63  }
0xfb: {  	_ =	swait.ge [sflag:s3], $0x1400  }
0xfc: {  	[sflag:s3] =	ssyncset.done $0x0  }
0xfd: {  	s13 =	sadd.s32 $0x27B0, s12;
	[sflag:s3] =	ssyncadd.s32 $0xFFFFEC00  }
0xfe: {  	[spmem:s4] =	stream.indirect.scatter.add.f32 [tilespmem:s26], [sflag:$0x7], $0x40, s13, s22, $0xb8;
	[tilespmem:$0x16620] =	vst v63  }
0xff: {  	_ =	swait.ge [sflag:s6], $0x1400  }
0x100: {  	[sflag:s6] =	ssyncset.done $0x0  }
0x101: {  	s13 =	sadd.s32 $0x190, s12;
	[sflag:s6] =	ssyncadd.s32 $0xFFFFEC00  }
0x102: {  	[tilespmem:s24], [sflag:$0x2] =	stream.indirect.gather [hbm4b:s1+s22], $0x40, s13, s22, $0xb8;
	[tilespmem:$0x16620] =	vst v63  }
0x103: {  	_ =	swait.ge [sflag:s7], $0x1400  }
0x104: {  	[sflag:s7] =	ssyncset.done $0x0  }
0x105: {  	s13 =	sadd.s32 $0x2800, s12;
	[sflag:s7] =	ssyncadd.s32 $0xFFFFEC00  }
0x106: {  	[spmem:s4] =	stream.indirect.scatter.add.f32 [tilespmem:s30], [sflag:$0x8], $0x40, s13, s22, $0xb8;
	[tilespmem:$0x16620] =	vst v63  }
0x107: {  	_ =	swait.ge [sflag:s8], $0x1400  }
0x108: {  	[sflag:s8] =	ssyncset.done $0x0  }
0x109: {  	s13 =	sadd.s32 $0x1E0, s12;
	[sflag:s8] =	ssyncadd.s32 $0xFFFFEC00  }
0x10a: {  	[tilespmem:s26], [sflag:$0x3] =	stream.indirect.gather [hbm4b:s1+s22], $0x40, s13, s22, $0xb8;
	[tilespmem:$0x16620] =	vst v63  }
0x10b: {  	_ =	swait.ge [sflag:s28], $0x1400  }
0x10c: {  	[sflag:s28] =	ssyncset.done $0x0  }
.Ltmp2:
0x10d: {  	s13 =	sadd.s32 $0x2850, s12;
	[sflag:s28] =	ssyncadd.s32 $0xFFFFEC00;
	(pc) =	sbr.rel @p1 .LBB2_6-.Ltmp2, $4  }
0x10e: {  	[spmem:s4] =	stream.indirect.scatter.add.f32 [tilespmem:s23], [sflag:$0x5], $0x40, s13, s22, $0xb8;
	[tilespmem:$0x16620] =	vst v63  }
0x10f: {  	_ =	swait.ge [sflag:s9], $0x1400  }
0x110: {  	[sflag:s9] =	ssyncset.done $0x0  }
0x111: {  	s12 =	sadd.s32 $0x230, s12;
	[sflag:s9] =	ssyncadd.s32 $0xFFFFEC00  }
0x112: {  	[tilespmem:s30], [sflag:$0x4] =	stream.indirect.gather [hbm4b:s1+s22], $0x40, s12, s22, $0xb8;
	[tilespmem:$0x16620] =	vst v63  }
0x113: {  	_ =	swait.ge [sflag:s31], $0x1400  }
0x114: {  	[sflag:s31] =	ssyncset.done $0x0  }
0x115: {  	s11 =	simm.s32 $0x4CE0;
	[sflag:s31] =	ssyncadd.s32 $0xFFFFEC00  }
0x116: {  	[spmem:s4] =	stream.indirect.scatter.add.f32 [tilespmem:s24], [sflag:$0x6], $0x40, s11, s22, $0xb8;
	[tilespmem:$0x16620] =	vst v63  }
0x117: {  	_ =	swait.ge [sflag:s2], $0x1400  }
0x118: {  	[sflag:s2] =	ssyncset.done $0x0  }
0x119: {  	s12 =	simm.s32 $0x26C0;
	[sflag:s2] =	ssyncadd.s32 $0xFFFFEC00  }
0x11a: {  	[tilespmem:s23], [sflag:$0x1] =	stream.indirect.gather [hbm4b:s1+s22], $0x40, s12, s22, $0xb8;
	[tilespmem:$0x16620] =	vst v63  }
0x11b: {  	_ =	swait.ge [sflag:s3], $0x1400  }
0x11c: {  	[sflag:s3] =	ssyncset.done $0x0  }
0x11d: {  	s13 =	simm.s32 $0x4D30;
	[sflag:s3] =	ssyncadd.s32 $0xFFFFEC00  }
0x11e: {  	[spmem:s4] =	stream.indirect.scatter.add.f32 [tilespmem:s26], [sflag:$0x7], $0x40, s13, s22, $0xb8;
	[tilespmem:$0x16620] =	vst v63  }
0x11f: {  	_ =	swait.ge [sflag:s6], $0x1400  }
0x120: {  	[sflag:s6] =	ssyncset.done $0x0  }
0x121: {  	[sflag:s6] =	ssyncadd.s32 $0xFFFFEC00  }
0x122: {  	_ =	swait.ge [sflag:s7], $0x1400  }
0x123: {  	[sflag:s7] =	ssyncset.done $0x0  }
0x124: {  	s12 =	simm.s32 $0x4D80;
	[sflag:s7] =	ssyncadd.s32 $0xFFFFEC00  }
0x125: {  	[spmem:s4] =	stream.indirect.scatter.add.f32 [tilespmem:s30], [sflag:$0x8], $0x40, s12, s22, $0xb8;
	[tilespmem:$0x16620] =	vst v63  }
0x126: {  	_ =	swait.ge [sflag:s8], $0x1400  }
0x127: {  	[sflag:s8] =	ssyncset.done $0x0  }
0x128: {  	[sflag:s8] =	ssyncadd.s32 $0xFFFFEC00  }
0x129: {  	_ =	swait.ge [sflag:s28], $0x1400  }
0x12a: {  	[sflag:s28] =	ssyncset.done $0x0  }
0x12b: {  	[sflag:s28] =	ssyncadd.s32 $0xFFFFEC00  }
0x12c: {  	[spmem:s4] =	stream.indirect.scatter.add.f32 [tilespmem:s23], [sflag:$0x5], $0x40, s14, s22, $0xb8;
	[tilespmem:$0x16620] =	vst v63  }
0x12d: {  	_ =	swait.ge [sflag:s9], $0x1400  }
0x12e: {  	[sflag:s9] =	ssyncset.done $0x0  }
0x12f: {  	[sflag:s9] =	ssyncadd.s32 $0xFFFFEC00  }
0x130: {  	_ =	swait.ge [sflag:s2], $0x1400  }
0x131: {  	[sflag:s2] =	ssyncset.done $0x0  }
0x132: {  	[sflag:s2] =	ssyncadd.s32 $0xFFFFEC00  }
0x133: {  	[bflag:$0x0] =	sbarrier.arrive $0xFFFF  }
0x134: {  	s13 =	rddreg [dreg:$0xb]  }
0x135: {  	[hbm:s13], [sflag:s25] =	dma.local [spmem:s29], $0x1380  }
0x136: {  	_ =	swait.ge [sflag:s19], $0x1380  }
0x137: {  	[sflag:s19] =	ssyncset.done $0x0  }
0x138: {  	s11 =	rddreg [dreg:$0xc];
	[sflag:s19] =	ssyncadd.s32 $0xFFFFEC80  }
0x139: {  	[hbm:s11], [sflag:s25] =	dma.local @!p0 [spmem:s10], $0x80  }
0x13a: {  	s10 =	simm.s32 @!p0 $0x9  }
0x13b: {  	_ =	swait.ge @!p0 [sflag:s10], $0x80  }
0x13c: {  	s5 =	sadd.s32 $0x1, s5;
	s29 =	rddreg [dreg:$0xd]  }
0x13d: {  	p1 =	sne.s32 s5, s29  }
.Ltmp3:
0x13e: {  	_ = 	snop;
	(pc) =	sbr.rel @p1 .LBB2_1-.Ltmp3, $3  }
0x13f: {  	_ =	sdelay $0x1  }
0x140: {  	[sflag:s10] =	ssyncset.done @!p0 $0x0  }
0x141: {  	s13 =	simm.s32 $0xA0;
	[sflag:s10] =	ssyncadd.s32 @!p0 $0xFFFFFF80  }
0x142: {  	_ =	sfence.sel $0x180000  }
0x143: {  	[bflag:$0x0] =	sbarrier.arrive $0xFFFF  }
0x144: {  	_ =	strace $0x90000047  }
0x145: {  	s0 =	stileid.u32;
	[bflag:$0x2] =	sbarrier.arrive $0xFFFF  }
0x146: {  	p0 =	sne.s32 s0, $0x0;
	s0 =	rddreg [dreg:$0x4]  }
0x147: {  	s0 =	sadd.s32 @!p0 $0x100000, s0  }
0x148: {  	[sflag:s0] =	ssyncadd.tile.s32 @!p0 $0x1;
	_ =	shalt  }
.Lfunc_end2:
_tile_overlayer_lowered:
.L_overlay_start_2:
0x149: {  	(tag) =	ssettag $0x2  }
0x14a: {  	s0 =	rddreg [dreg:$0x0];
	s2 =	stileid.u32  }
0x14b: {  	s1 =	rddreg [dreg:$0x1];
	p0 =	sne.s32 s2, $0x0  }
0x14c: {  	s3 =	rddreg [dreg:$0x2];
	[bflag:$0x3] =	sbarrier.arrive $0xFFFF;
	s2 =	simm.s32 @!p0 $0x1C09  }
0x14d: {  	[timem:s3], [sflag:s2] =	dma.local @!p0 [hbm:s0], s1  }
0x14e: {  	s0 =	simm.s32 @!p0 $0x9  }
0x14f: {  	_ =	swait.ge @!p0 [sflag:s0], s1  }
0x150: {  	s1 =	ssub.s32 @!p0 $0x0, s1;
	[sflag:s0] =	ssyncset.done @!p0 $0x0  }
0x151: {  	[sflag:s0] =	ssyncadd.s32 @!p0 s1  }
0x152: {  	[bflag:$0x3] =	sbarrier.arrive $0xFFFF  }
0x153: {  	_ =	shalt  }

</sc_bundles>
